<compile_context>
chip_gen: v7x
topology: tpu7x:2x2x1
jax: 0.10.2.dev20260603
libtpu: 0.0.44.dev20260713+nightly
codegen_flags: <defaults>
</compile_context>

<pallas_src>
import dataclasses
import functools

import jax
import jax.numpy as jnp
from jax import lax
from jax.experimental import pallas as pl
from jax.experimental.pallas import tpu as pltpu
from jax.experimental.pallas import tpu_sc as plsc

D = 33
D2 = D * D
D3 = D * D * D
DPAD = 35944
L = 16
HBLK = 2

B, H, W = 16, 512, 512


def _row_loop(lut0, lut1, lut2, in_ref, out_ref, h):
    @plsc.parallel_loop(0, W, step=L, unroll=2)
    def _(c):
        r = in_ref[0, 0, h, pl.ds(c, L)]
        g = in_ref[0, 1, h, pl.ds(c, L)]
        b = in_ref[0, 2, h, pl.ds(c, L)]

        x = jnp.clip(r * jnp.float32(D - 1), 0.0, jnp.float32(D - 1))
        y = jnp.clip(g * jnp.float32(D - 1), 0.0, jnp.float32(D - 1))
        z = jnp.clip(b * jnp.float32(D - 1), 0.0, jnp.float32(D - 1))

        xi = jnp.minimum(x.astype(jnp.int32), D - 2)
        yi = jnp.minimum(y.astype(jnp.int32), D - 2)
        zi = jnp.minimum(z.astype(jnp.int32), D - 2)
        wx = x - xi.astype(jnp.float32)
        wy = y - yi.astype(jnp.float32)
        wz = z - zi.astype(jnp.float32)
        ux = 1.0 - wx
        uy = 1.0 - wy
        uz = 1.0 - wz

        b00 = zi * D2 + yi * D
        b01 = b00 + D
        b10 = b00 + D2
        b11 = b10 + D
        i000 = b00 + xi
        i001 = i000 + 1
        i010 = b01 + xi
        i011 = i010 + 1
        i100 = b10 + xi
        i101 = i100 + 1
        i110 = b11 + xi
        i111 = i110 + 1

        wzy00 = uz * uy
        wzy01 = uz * wy
        wzy10 = wz * uy
        wzy11 = wz * wy
        w000 = wzy00 * ux
        w001 = wzy00 * wx
        w010 = wzy01 * ux
        w011 = wzy01 * wx
        w100 = wzy10 * ux
        w101 = wzy10 * wx
        w110 = wzy11 * ux
        w111 = wzy11 * wx

        for ch, lut in ((0, lut0), (1, lut1), (2, lut2)):
            acc = plsc.load_gather(lut, [i000]) * w000
            acc = acc + plsc.load_gather(lut, [i001]) * w001
            acc = acc + plsc.load_gather(lut, [i010]) * w010
            acc = acc + plsc.load_gather(lut, [i011]) * w011
            acc = acc + plsc.load_gather(lut, [i100]) * w100
            acc = acc + plsc.load_gather(lut, [i101]) * w101
            acc = acc + plsc.load_gather(lut, [i110]) * w110
            acc = acc + plsc.load_gather(lut, [i111]) * w111
            out_ref[0, ch, h, pl.ds(c, L)] = acc


def _pipeline_body(lut0, lut1, lut2, in_ref, out_ref):
    for h in range(HBLK):
        _row_loop(lut0, lut1, lut2, in_ref, out_ref, h)


def _lut3d_sc(img, lutp):
    mesh = plsc.VectorSubcoreMesh(core_axis_name="c", subcore_axis_name="s")

    cp = pltpu.CompilerParams()
    if "needs_layout_passes" in pltpu.CompilerParams.__dataclass_fields__:
        cp = dataclasses.replace(cp, needs_layout_passes=False)

    @functools.partial(
        pl.kernel,
        compiler_params=cp,
        out_type=jax.ShapeDtypeStruct((B, 3, H, W), jnp.float32),
        mesh=mesh,
        scratch_types=[
            pltpu.VMEM((DPAD,), jnp.float32),
            pltpu.VMEM((DPAD,), jnp.float32),
            pltpu.VMEM((DPAD,), jnp.float32),
        ],
    )
    def k(img_hbm, lut_hbm, out_hbm, lut0, lut1, lut2):
        pltpu.sync_copy(lut_hbm.at[pl.ds(0, DPAD)], lut0)
        pltpu.sync_copy(lut_hbm.at[pl.ds(DPAD, DPAD)], lut1)
        pltpu.sync_copy(lut_hbm.at[pl.ds(2 * DPAD, DPAD)], lut2)

        body = functools.partial(_pipeline_body, lut0, lut1, lut2)
        pltpu.emit_pipeline(
            body,
            grid=(B, H // HBLK),
            in_specs=[
                pl.BlockSpec((1, 3, HBLK, W), index_map=lambda i, j: (i, 0, j, 0)),
            ],
            out_specs=[
                pl.BlockSpec((1, 3, HBLK, W), index_map=lambda i, j: (i, 0, j, 0)),
            ],
            core_axis_name=("c", "s"),
            dimension_semantics=(pltpu.PARALLEL, pltpu.PARALLEL),
        )(img_hbm, out_hbm)

    return k(img, lutp)


def kernel(img, LUT):
    lutp = jnp.pad(LUT.reshape(3, D3), ((0, 0), (0, DPAD - D3))).reshape(-1)
    return _lut3d_sc(img, lutp)

# --- scband reference (transcript-rebuilt; emitter-appended) ---
"""Pipeline reference for scband-lut3-d-6932077216477 (READ-ONLY COPY).

The authoritative reference and input builder live on the scoring server;
editing this copy changes nothing except your own understanding.
"""

import jax, jax.numpy as jnp
import numpy as np


def setup_inputs(seed: int = 0) -> dict:
    key = jax.random.key(seed)
    img = jax.random.uniform(key, (16, 3, 512, 512), dtype=jnp.float32)
    dim = 33
    lin = jnp.linspace(0.0, 1.0, dim, dtype=jnp.float32)
    I, J, K = jnp.meshgrid(lin, lin, lin, indexing='ij')
    LUT = jnp.stack([I, J, K], axis=0)  # (3, D, D, D), identity LUT
    return {"img": img, "LUT": LUT}


def reference(img, LUT):
    # Faithful port of trilinear(img, lut) using F.grid_sample semantics:
    # mode='bilinear' (trilinear for 5D), padding_mode='border', align_corners=True.
    D = LUT.shape[-1]
    g = (img - 0.5) * 2.0  # (B, 3, H, W) in [-1, 1]
    # grid_sample: grid[...,0] indexes W (last lut dim), [...,1] indexes H, [...,2] indexes Depth
    # align_corners=True unnormalization: ix = (x + 1) / 2 * (size - 1)
    x = (g[:, 0] + 1.0) * 0.5 * (D - 1)  # from R channel -> last lut axis
    y = (g[:, 1] + 1.0) * 0.5 * (D - 1)  # from G channel -> middle lut axis
    z = (g[:, 2] + 1.0) * 0.5 * (D - 1)  # from B channel -> depth lut axis
    # padding_mode='border': clamp coordinates
    x = jnp.clip(x, 0.0, D - 1)
    y = jnp.clip(y, 0.0, D - 1)
    z = jnp.clip(z, 0.0, D - 1)
    x0f = jnp.floor(x)
    y0f = jnp.floor(y)
    z0f = jnp.floor(z)
    wx = x - x0f
    wy = y - y0f
    wz = z - z0f
    x0 = jnp.clip(x0f.astype(jnp.int32), 0, D - 1)
    y0 = jnp.clip(y0f.astype(jnp.int32), 0, D - 1)
    z0 = jnp.clip(z0f.astype(jnp.int32), 0, D - 1)
    x1 = jnp.clip(x0 + 1, 0, D - 1)
    y1 = jnp.clip(y0 + 1, 0, D - 1)
    z1 = jnp.clip(z0 + 1, 0, D - 1)

    def gather(zi, yi, xi):
        # LUT: (3, D, D, D); zi/yi/xi: (B, H, W) -> (3, B, H, W)
        return LUT[:, zi, yi, xi]

    c000 = gather(z0, y0, x0)
    c001 = gather(z0, y0, x1)
    c010 = gather(z0, y1, x0)
    c011 = gather(z0, y1, x1)
    c100 = gather(z1, y0, x0)
    c101 = gather(z1, y0, x1)
    c110 = gather(z1, y1, x0)
    c111 = gather(z1, y1, x1)

    w000 = ((1 - wz) * (1 - wy) * (1 - wx))[None]
    w001 = ((1 - wz) * (1 - wy) * wx)[None]
    w010 = ((1 - wz) * wy * (1 - wx))[None]
    w011 = ((1 - wz) * wy * wx)[None]
    w100 = (wz * (1 - wy) * (1 - wx))[None]
    w101 = (wz * (1 - wy) * wx)[None]
    w110 = (wz * wy * (1 - wx))[None]
    w111 = (wz * wy * wx)[None]

    out = (c000 * w000 + c001 * w001 + c010 * w010 + c011 * w011 +
           c100 * w100 + c101 * w101 + c110 * w110 + c111 * w111)
    # (3, B, H, W) -> (B, 3, H, W)
    return jnp.transpose(out, (1, 0, 2, 3))

if __name__ == "__main__":
    import jax
    _d = setup_inputs()
    print(jax.jit(kernel)(*tuple(_d.values())))

</pallas_src>

<mosaic_0001>
#map = affine_map<(d0, d1) -> (0, 0, 0, 0)>
#map1 = affine_map<(d0, d1) -> (0)>
module attributes {stable_mosaic.version = 14 : i64} {
  func.func @k(%arg0: i32, %arg1: i32, %arg2: memref<16x3x512x512xf32, #tpu.memory_space<hbm>>, %arg3: memref<107832xf32, #tpu.memory_space<hbm>>, %arg4: memref<16x3x512x512xf32, #tpu.memory_space<hbm>>, %arg5: memref<35944xf32, #tpu.memory_space<vmem>>, %arg6: memref<35944xf32, #tpu.memory_space<vmem>>, %arg7: memref<35944xf32, #tpu.memory_space<vmem>>) attributes {dimension_semantics = [#tpu.dimension_semantics<core_parallel>, #tpu.dimension_semantics<subcore_parallel>], iteration_bounds = array<i64: 2, 16>, scalar_prefetch = 0 : i64, scratch_operands = 3 : i64, tpu.core_type = #tpu.core_type<sc_vector_subcore>, window_params = [{transform_indices = #map}, {transform_indices = #map1}, {transform_indices = #map}]} {
    "tpu.region"() ({
      %run_scoped3A = tpu.sem_alloc : memref<!tpu.dma_semaphore, #tpu.memory_space<semaphore_mem>>
      %dma_start3A = arith.constant 0 : i32
      %dma_start3A_7 = tpu.memref_slice %arg3[%dma_start3A] : memref<107832xf32, #tpu.memory_space<hbm>> -> memref<35944xf32, #tpu.memory_space<hbm>>
      %dma_start3A_8 = arith.constant 0 : i32
      %dma_start3A_9 = tpu.memref_slice %arg3[%dma_start3A_8] : memref<107832xf32, #tpu.memory_space<hbm>> -> memref<35944xf32, #tpu.memory_space<hbm>>
      tpu.enqueue_dma source(%dma_start3A_9 : memref<35944xf32, #tpu.memory_space<hbm>>) target(%arg5 : memref<35944xf32, #tpu.memory_space<vmem>>) target_semaphore(%run_scoped3A : memref<!tpu.dma_semaphore, #tpu.memory_space<semaphore_mem>>)
      %dma_wait3A = arith.constant 0 : i32
      %dma_wait3A_10 = tpu.memref_slice %arg3[%dma_wait3A] : memref<107832xf32, #tpu.memory_space<hbm>> -> memref<35944xf32, #tpu.memory_space<hbm>>
      %dma_wait3A_11 = arith.constant 0 : i32
      %dma_wait3A_12 = tpu.memref_slice %arg3[%dma_wait3A_11] : memref<107832xf32, #tpu.memory_space<hbm>> -> memref<35944xf32, #tpu.memory_space<hbm>>
      tpu.wait_dma2 semaphore(%run_scoped3A : memref<!tpu.dma_semaphore, #tpu.memory_space<semaphore_mem>>) src(%dma_wait3A_12 : memref<35944xf32, #tpu.memory_space<hbm>>) dst(%arg5 : memref<35944xf32, #tpu.memory_space<vmem>>)
      tpu.yield
    }) : () -> ()
    "tpu.region"() ({
      %run_scoped3A = tpu.sem_alloc : memref<!tpu.dma_semaphore, #tpu.memory_space<semaphore_mem>>
      %dma_start3A = arith.constant 35944 : i32
      %dma_start3A_7 = tpu.memref_slice %arg3[%dma_start3A] : memref<107832xf32, #tpu.memory_space<hbm>> -> memref<35944xf32, #tpu.memory_space<hbm>>
      %dma_start3A_8 = arith.constant 35944 : i32
      %dma_start3A_9 = tpu.memref_slice %arg3[%dma_start3A_8] : memref<107832xf32, #tpu.memory_space<hbm>> -> memref<35944xf32, #tpu.memory_space<hbm>>
      tpu.enqueue_dma source(%dma_start3A_9 : memref<35944xf32, #tpu.memory_space<hbm>>) target(%arg6 : memref<35944xf32, #tpu.memory_space<vmem>>) target_semaphore(%run_scoped3A : memref<!tpu.dma_semaphore, #tpu.memory_space<semaphore_mem>>)
      %dma_wait3A = arith.constant 35944 : i32
      %dma_wait3A_10 = tpu.memref_slice %arg3[%dma_wait3A] : memref<107832xf32, #tpu.memory_space<hbm>> -> memref<35944xf32, #tpu.memory_space<hbm>>
      %dma_wait3A_11 = arith.constant 35944 : i32
      %dma_wait3A_12 = tpu.memref_slice %arg3[%dma_wait3A_11] : memref<107832xf32, #tpu.memory_space<hbm>> -> memref<35944xf32, #tpu.memory_space<hbm>>
      tpu.wait_dma2 semaphore(%run_scoped3A : memref<!tpu.dma_semaphore, #tpu.memory_space<semaphore_mem>>) src(%dma_wait3A_12 : memref<35944xf32, #tpu.memory_space<hbm>>) dst(%arg6 : memref<35944xf32, #tpu.memory_space<vmem>>)
      tpu.yield
    }) : () -> ()
    "tpu.region"() ({
      %run_scoped3A = tpu.sem_alloc : memref<!tpu.dma_semaphore, #tpu.memory_space<semaphore_mem>>
      %dma_start3A = arith.constant 71888 : i32
      %dma_start3A_7 = tpu.memref_slice %arg3[%dma_start3A] : memref<107832xf32, #tpu.memory_space<hbm>> -> memref<35944xf32, #tpu.memory_space<hbm>>
      %dma_start3A_8 = arith.constant 71888 : i32
      %dma_start3A_9 = tpu.memref_slice %arg3[%dma_start3A_8] : memref<107832xf32, #tpu.memory_space<hbm>> -> memref<35944xf32, #tpu.memory_space<hbm>>
      tpu.enqueue_dma source(%dma_start3A_9 : memref<35944xf32, #tpu.memory_space<hbm>>) target(%arg7 : memref<35944xf32, #tpu.memory_space<vmem>>) target_semaphore(%run_scoped3A : memref<!tpu.dma_semaphore, #tpu.memory_space<semaphore_mem>>)
      %dma_wait3A = arith.constant 71888 : i32
      %dma_wait3A_10 = tpu.memref_slice %arg3[%dma_wait3A] : memref<107832xf32, #tpu.memory_space<hbm>> -> memref<35944xf32, #tpu.memory_space<hbm>>
      %dma_wait3A_11 = arith.constant 71888 : i32
      %dma_wait3A_12 = tpu.memref_slice %arg3[%dma_wait3A_11] : memref<107832xf32, #tpu.memory_space<hbm>> -> memref<35944xf32, #tpu.memory_space<hbm>>
      tpu.wait_dma2 semaphore(%run_scoped3A : memref<!tpu.dma_semaphore, #tpu.memory_space<semaphore_mem>>) src(%dma_wait3A_12 : memref<35944xf32, #tpu.memory_space<hbm>>) dst(%arg7 : memref<35944xf32, #tpu.memory_space<vmem>>)
      tpu.yield
    }) : () -> ()
    %mul3A = arith.constant 1 : i32
    %mul3A_0 = arith.muli %arg1, %mul3A : i32
    %add3A = arith.constant 0 : i32
    %add3A_1 = arith.addi %add3A, %mul3A_0 : i32
    %mul3A_2 = arith.constant 16 : i32
    %mul3A_3 = arith.muli %arg0, %mul3A_2 : i32
    %add3A_4 = arith.addi %add3A_1, %mul3A_3 : i32
    %mul3A_5 = arith.constant 8 : i32
    %mul3A_6 = arith.muli %add3A_4, %mul3A_5 : i32
    "tpu.region"() ({
      %run_scoped3A = memref.alloca() : memref<2x1x3x2x512xf32, #tpu.memory_space<vmem>>
      %run_scoped3A_7 = tpu.sem_alloc : memref<2x!tpu.dma_semaphore, #tpu.memory_space<semaphore_mem>>
      %run_scoped3A_8 = memref.alloca() : memref<2x1x3x2x512xf32, #tpu.memory_space<vmem>>
      %run_scoped3A_9 = tpu.sem_alloc : memref<2x!tpu.dma_semaphore, #tpu.memory_space<semaphore_mem>>
      %add3A_10 = arith.constant 0 : i32
      %add3A_11 = arith.addi %add3A_10, %mul3A_6 : i32
      %select_n3A = arith.constant true
      %select_n3A_12 = arith.constant 0 : i32
      %select_n3A_13 = arith.constant -1 : i32
      %select_n3A_14 = arith.select %select_n3A, %select_n3A_13, %select_n3A_12 : i32
      %eq3A = arith.constant -1 : i32
      %eq3A_15 = arith.cmpi eq, %select_n3A_14, %eq3A : i32
      %select_n3A_16 = arith.constant 7 : i32
      %select_n3A_17 = arith.select %eq3A_15, %select_n3A_16, %select_n3A_14 : i32
      %select_n3A_18 = arith.constant 0 : i32
      %select_n3A_19 = arith.constant -1 : i32
      %select_n3A_20 = arith.select %eq3A_15, %select_n3A_19, %select_n3A_18 : i32
      %eq3A_21 = arith.constant -1 : i32
      %eq3A_22 = arith.cmpi eq, %select_n3A_20, %eq3A_21 : i32
      %select_n3A_23 = arith.constant 15 : i32
      %select_n3A_24 = arith.select %eq3A_22, %select_n3A_23, %select_n3A_20 : i32
      %add3A_25 = arith.constant 0 : i32
      %add3A_26 = arith.addi %select_n3A_24, %add3A_25 : i32
      %add3A_27 = arith.addi %select_n3A_17, %mul3A_6 : i32
      %select_n3A_28 = arith.constant true
      %select_n3A_29 = arith.constant 0 : i32
      %select_n3A_30 = arith.constant 1 : i32
      %select_n3A_31 = arith.select %select_n3A_28, %select_n3A_30, %select_n3A_29 : i32
      %eq3A_32 = arith.constant 8 : i32
      %eq3A_33 = arith.cmpi eq, %select_n3A_31, %eq3A_32 : i32
      %select_n3A_34 = arith.constant 0 : i32
      %select_n3A_35 = arith.select %eq3A_33, %select_n3A_34, %select_n3A_31 : i32
      %select_n3A_36 = arith.constant 0 : i32
      %select_n3A_37 = arith.constant 1 : i32
      %select_n3A_38 = arith.select %eq3A_33, %select_n3A_37, %select_n3A_36 : i32
      %eq3A_39 = arith.constant 16 : i32
      %eq3A_40 = arith.cmpi eq, %select_n3A_38, %eq3A_39 : i32
      %select_n3A_41 = arith.constant 0 : i32
      %select_n3A_42 = arith.select %eq3A_40, %select_n3A_41, %select_n3A_38 : i32
      %add3A_43 = arith.constant 0 : i32
      %add3A_44 = arith.addi %select_n3A_42, %add3A_43 : i32
      %add3A_45 = arith.addi %select_n3A_35, %mul3A_6 : i32
      %add3A_46 = arith.constant 1 : i32
      %add3A_47 = arith.addi %select_n3A_35, %add3A_46 : i32
      %select_n3A_48 = arith.constant true
      %select_n3A_49 = arith.select %select_n3A_48, %add3A_47, %select_n3A_35 : i32
      %eq3A_50 = arith.constant 8 : i32
      %eq3A_51 = arith.cmpi eq, %select_n3A_49, %eq3A_50 : i32
      %select_n3A_52 = arith.constant 0 : i32
      %select_n3A_53 = arith.select %eq3A_51, %select_n3A_52, %select_n3A_49 : i32
      %add3A_54 = arith.constant 1 : i32
      %add3A_55 = arith.addi %select_n3A_42, %add3A_54 : i32
      %select_n3A_56 = arith.select %eq3A_51, %add3A_55, %select_n3A_42 : i32
      %eq3A_57 = arith.constant 16 : i32
      %eq3A_58 = arith.cmpi eq, %select_n3A_56, %eq3A_57 : i32
      %select_n3A_59 = arith.constant 0 : i32
      %select_n3A_60 = arith.select %eq3A_58, %select_n3A_59, %select_n3A_56 : i32
      %add3A_61 = arith.constant 0 : i32
      %add3A_62 = arith.addi %select_n3A_60, %add3A_61 : i32
      %add3A_63 = arith.addi %select_n3A_53, %mul3A_6 : i32
      "tpu.trace_start"() <{level = 10 : i32, message = "ep_initialize_0"}> : () -> ()
      %rem3A = arith.constant 0 : i32
      %rem3A_64 = arith.constant 2 : i32
      %rem3A_65 = arith.remui %rem3A, %rem3A_64 : i32
      %mul3A_66 = arith.constant 2 : i32
      %mul3A_67 = arith.muli %mul3A_66, %add3A_11 : i32
      %dma_start3A = arith.constant 0 : i32
      %dma_start3A_68 = arith.constant 0 : i32
      %dma_start3A_69 = arith.constant 0 : i32
      %dma_start3A_70 = arith.constant 0 : i32
      %dma_start3A_71 = tpu.memref_slice %run_scoped3A[%rem3A_65, %dma_start3A, %dma_start3A_68, %dma_start3A_69, %dma_start3A_70] : memref<2x1x3x2x512xf32, #tpu.memory_space<vmem>> -> memref<1x1x3x2x512xf32, #tpu.memory_space<vmem>>
      %dma_start3A_72 = tpu.memref_squeeze %dma_start3A_71 : memref<1x1x3x2x512xf32, #tpu.memory_space<vmem>> -> memref<1x3x2x512xf32, #tpu.memory_space<vmem>>
      %dma_start3A_73 = arith.constant 0 : i32
      %dma_start3A_74 = arith.constant 0 : i32
      %dma_start3A_75 = arith.constant 0 : i32
      %dma_start3A_76 = tpu.memref_slice %arg2[%dma_start3A_73, %dma_start3A_74, %mul3A_67, %dma_start3A_75] : memref<16x3x512x512xf32, #tpu.memory_space<hbm>> -> memref<1x3x2x512xf32, #tpu.memory_space<hbm>>
      %dma_start3A_77 = tpu.memref_slice %run_scoped3A_7[%rem3A_65] : memref<2x!tpu.dma_semaphore, #tpu.memory_space<semaphore_mem>> -> memref<1x!tpu.dma_semaphore, #tpu.memory_space<semaphore_mem>>
      %dma_start3A_78 = tpu.memref_squeeze %dma_start3A_77 : memref<1x!tpu.dma_semaphore, #tpu.memory_space<semaphore_mem>> -> memref<!tpu.dma_semaphore, #tpu.memory_space<semaphore_mem>>
      %dma_start3A_79 = arith.constant 0 : i32
      %dma_start3A_80 = arith.constant 0 : i32
      %dma_start3A_81 = arith.constant 0 : i32
      %dma_start3A_82 = arith.constant 0 : i32
      %dma_start3A_83 = tpu.memref_slice %run_scoped3A[%rem3A_65, %dma_start3A_79, %dma_start3A_80, %dma_start3A_81, %dma_start3A_82] : memref<2x1x3x2x512xf32, #tpu.memory_space<vmem>> -> memref<1x1x3x2x512xf32, #tpu.memory_space<vmem>>
      %dma_start3A_84 = tpu.memref_squeeze %dma_start3A_83 : memref<1x1x3x2x512xf32, #tpu.memory_space<vmem>> -> memref<1x3x2x512xf32, #tpu.memory_space<vmem>>
      %dma_start3A_85 = arith.constant 0 : i32
      %dma_start3A_86 = arith.constant 0 : i32
      %dma_start3A_87 = arith.constant 0 : i32
      %dma_start3A_88 = tpu.memref_slice %arg2[%dma_start3A_85, %dma_start3A_86, %mul3A_67, %dma_start3A_87] : memref<16x3x512x512xf32, #tpu.memory_space<hbm>> -> memref<1x3x2x512xf32, #tpu.memory_space<hbm>>
      tpu.enqueue_dma source(%dma_start3A_88 : memref<1x3x2x512xf32, #tpu.memory_space<hbm>>) target(%dma_start3A_84 : memref<1x3x2x512xf32, #tpu.memory_space<vmem>>) target_semaphore(%dma_start3A_78 : memref<!tpu.dma_semaphore, #tpu.memory_space<semaphore_mem>>)
      %add3A_89 = arith.constant 0 : i32
      %add3A_90 = arith.constant 1 : i32
      %add3A_91 = arith.addi %add3A_89, %add3A_90 : i32
      %select_n3A_92 = arith.constant true
      %select_n3A_93 = arith.constant 0 : i32
      %select_n3A_94 = arith.select %select_n3A_92, %add3A_91, %select_n3A_93 : i32
      "tpu.trace_stop"() : () -> ()
      %scan3A = arith.constant 0 : i32
      %scan3A_95 = arith.constant 0 : i32
      %scan3A_96 = arith.constant 0 : i32
      %scan3A_97 = arith.constant 0 : i32
      %scan3A_98 = arith.constant 0 : i32
      %scan3A_99 = arith.constant 0 : i32
      %scan3A_100 = arith.constant 128 : i32
      %scan3A_101 = arith.addi %scan3A_99, %scan3A_100 : i32
      %scan3A_102 = arith.constant 1 : i32
      %scan3A_103:6 = scf.for %scan3A_201 = %scan3A_99 to %scan3A_101 step %scan3A_102 iter_args(%scan3A_202 = %select_n3A_94, %scan3A_203 = %scan3A, %scan3A_204 = %scan3A_95, %scan3A_205 = %scan3A_96, %scan3A_206 = %scan3A_97, %scan3A_207 = %scan3A_98) -> (i32, i32, i32, i32, i32, i32)  : i32 {
        %eq3A_208 = arith.constant 0 : i32
        %eq3A_209 = arith.cmpi eq, %scan3A_201, %eq3A_208 : i32
        %eq3A_210 = arith.constant 127 : i32
        %eq3A_211 = arith.cmpi eq, %scan3A_201, %eq3A_210 : i32
        %add3A_212 = arith.constant 0 : i32
        %add3A_213 = arith.addi %scan3A_206, %add3A_212 : i32
        %add3A_214 = arith.addi %scan3A_207, %mul3A_6 : i32
        %sub3A_215 = arith.constant 1 : i32
        %sub3A_216 = arith.subi %scan3A_207, %sub3A_215 : i32
        %select_n3A_217 = arith.constant true
        %select_n3A_218 = arith.select %select_n3A_217, %sub3A_216, %scan3A_207 : i32
        %eq3A_219 = arith.constant -1 : i32
        %eq3A_220 = arith.cmpi eq, %select_n3A_218, %eq3A_219 : i32
        %select_n3A_221 = arith.constant 7 : i32
        %select_n3A_222 = arith.select %eq3A_220, %select_n3A_221, %select_n3A_218 : i32
        %sub3A_223 = arith.constant 1 : i32
        %sub3A_224 = arith.subi %scan3A_206, %sub3A_223 : i32
        %select_n3A_225 = arith.select %eq3A_220, %sub3A_224, %scan3A_206 : i32
        %eq3A_226 = arith.constant -1 : i32
        %eq3A_227 = arith.cmpi eq, %select_n3A_225, %eq3A_226 : i32
        %select_n3A_228 = arith.constant 15 : i32
        %select_n3A_229 = arith.select %eq3A_227, %select_n3A_228, %select_n3A_225 : i32
        %add3A_230 = arith.constant 0 : i32
        %add3A_231 = arith.addi %select_n3A_229, %add3A_230 : i32
        %add3A_232 = arith.addi %select_n3A_222, %mul3A_6 : i32
        %add3A_233 = arith.constant 1 : i32
        %add3A_234 = arith.addi %scan3A_207, %add3A_233 : i32
        %select_n3A_235 = arith.constant true
        %select_n3A_236 = arith.select %select_n3A_235, %add3A_234, %scan3A_207 : i32
        %eq3A_237 = arith.constant 8 : i32
        %eq3A_238 = arith.cmpi eq, %select_n3A_236, %eq3A_237 : i32
        %select_n3A_239 = arith.constant 0 : i32
        %select_n3A_240 = arith.select %eq3A_238, %select_n3A_239, %select_n3A_236 : i32
        %add3A_241 = arith.constant 1 : i32
        %add3A_242 = arith.addi %scan3A_206, %add3A_241 : i32
        %select_n3A_243 = arith.select %eq3A_238, %add3A_242, %scan3A_206 : i32
        %eq3A_244 = arith.constant 16 : i32
        %eq3A_245 = arith.cmpi eq, %select_n3A_243, %eq3A_244 : i32
        %select_n3A_246 = arith.constant 0 : i32
        %select_n3A_247 = arith.select %eq3A_245, %select_n3A_246, %select_n3A_243 : i32
        %add3A_248 = arith.constant 0 : i32
        %add3A_249 = arith.addi %select_n3A_247, %add3A_248 : i32
        %add3A_250 = arith.addi %select_n3A_240, %mul3A_6 : i32
        %add3A_251 = arith.constant 1 : i32
        %add3A_252 = arith.addi %select_n3A_240, %add3A_251 : i32
        %select_n3A_253 = arith.constant true
        %select_n3A_254 = arith.select %select_n3A_253, %add3A_252, %select_n3A_240 : i32
        %eq3A_255 = arith.constant 8 : i32
        %eq3A_256 = arith.cmpi eq, %select_n3A_254, %eq3A_255 : i32
        %select_n3A_257 = arith.constant 0 : i32
        %select_n3A_258 = arith.select %eq3A_256, %select_n3A_257, %select_n3A_254 : i32
        %add3A_259 = arith.constant 1 : i32
        %add3A_260 = arith.addi %select_n3A_247, %add3A_259 : i32
        %select_n3A_261 = arith.select %eq3A_256, %add3A_260, %select_n3A_247 : i32
        %eq3A_262 = arith.constant 16 : i32
        %eq3A_263 = arith.cmpi eq, %select_n3A_261, %eq3A_262 : i32
        %select_n3A_264 = arith.constant 0 : i32
        %select_n3A_265 = arith.select %eq3A_263, %select_n3A_264, %select_n3A_261 : i32
        %add3A_266 = arith.constant 0 : i32
        %add3A_267 = arith.addi %select_n3A_265, %add3A_266 : i32
        %add3A_268 = arith.addi %select_n3A_258, %mul3A_6 : i32
        %ne3A = arith.cmpi ne, %add3A_213, %add3A_249 : i32
        %ne3A_269 = arith.cmpi ne, %add3A_214, %add3A_250 : i32
        %or3A = arith.constant false
        %or3A_270 = arith.ori %or3A, %ne3A : i1
        %or3A_271 = arith.constant false
        %or3A_272 = arith.ori %or3A_270, %or3A_271 : i1
        %or3A_273 = arith.ori %or3A_272, %ne3A_269 : i1
        %or3A_274 = arith.constant false
        %or3A_275 = arith.ori %or3A_273, %or3A_274 : i1
        %ge3A = arith.constant 127 : i32
        %ge3A_276 = arith.cmpi sge, %scan3A_201, %ge3A : i32
        %not3A = arith.constant true
        %not3A_277 = arith.xori %ge3A_276, %not3A : i1
        %and3A = arith.andi %or3A_275, %not3A_277 : i1
        %convert_element_type3A = arith.extui %and3A : i1 to i32
        %cond3A = arith.constant 0 : i32
        %cond3A_278 = arith.cmpi ne, %convert_element_type3A, %cond3A : i32
        scf.if %cond3A_278 {
          "tpu.trace_start"() <{level = 10 : i32, message = "ep_copy_in"}> : () -> ()
          %rem3A_431 = arith.constant 2 : i32
          %rem3A_432 = arith.remui %scan3A_202, %rem3A_431 : i32
          %mul3A_433 = arith.constant 1 : i32
          %mul3A_434 = arith.muli %mul3A_433, %add3A_249 : i32
          %mul3A_435 = arith.constant 2 : i32
          %mul3A_436 = arith.muli %mul3A_435, %add3A_250 : i32
          %dma_start3A_437 = arith.constant 0 : i32
          %dma_start3A_438 = arith.constant 0 : i32
          %dma_start3A_439 = arith.constant 0 : i32
          %dma_start3A_440 = arith.constant 0 : i32
          %dma_start3A_441 = tpu.memref_slice %run_scoped3A[%rem3A_432, %dma_start3A_437, %dma_start3A_438, %dma_start3A_439, %dma_start3A_440] : memref<2x1x3x2x512xf32, #tpu.memory_space<vmem>> -> memref<1x1x3x2x512xf32, #tpu.memory_space<vmem>>
          %dma_start3A_442 = tpu.memref_squeeze %dma_start3A_441 : memref<1x1x3x2x512xf32, #tpu.memory_space<vmem>> -> memref<1x3x2x512xf32, #tpu.memory_space<vmem>>
          %dma_start3A_443 = arith.constant 0 : i32
          %dma_start3A_444 = arith.constant 0 : i32
          %dma_start3A_445 = tpu.memref_slice %arg2[%mul3A_434, %dma_start3A_443, %mul3A_436, %dma_start3A_444] : memref<16x3x512x512xf32, #tpu.memory_space<hbm>> -> memref<1x3x2x512xf32, #tpu.memory_space<hbm>>
          %dma_start3A_446 = tpu.memref_slice %run_scoped3A_7[%rem3A_432] : memref<2x!tpu.dma_semaphore, #tpu.memory_space<semaphore_mem>> -> memref<1x!tpu.dma_semaphore, #tpu.memory_space<semaphore_mem>>
          %dma_start3A_447 = tpu.memref_squeeze %dma_start3A_446 : memref<1x!tpu.dma_semaphore, #tpu.memory_space<semaphore_mem>> -> memref<!tpu.dma_semaphore, #tpu.memory_space<semaphore_mem>>
          %dma_start3A_448 = arith.constant 0 : i32
          %dma_start3A_449 = arith.constant 0 : i32
          %dma_start3A_450 = arith.constant 0 : i32
          %dma_start3A_451 = arith.constant 0 : i32
          %dma_start3A_452 = tpu.memref_slice %run_scoped3A[%rem3A_432, %dma_start3A_448, %dma_start3A_449, %dma_start3A_450, %dma_start3A_451] : memref<2x1x3x2x512xf32, #tpu.memory_space<vmem>> -> memref<1x1x3x2x512xf32, #tpu.memory_space<vmem>>
          %dma_start3A_453 = tpu.memref_squeeze %dma_start3A_452 : memref<1x1x3x2x512xf32, #tpu.memory_space<vmem>> -> memref<1x3x2x512xf32, #tpu.memory_space<vmem>>
          %dma_start3A_454 = arith.constant 0 : i32
          %dma_start3A_455 = arith.constant 0 : i32
          %dma_start3A_456 = tpu.memref_slice %arg2[%mul3A_434, %dma_start3A_454, %mul3A_436, %dma_start3A_455] : memref<16x3x512x512xf32, #tpu.memory_space<hbm>> -> memref<1x3x2x512xf32, #tpu.memory_space<hbm>>
          tpu.enqueue_dma source(%dma_start3A_456 : memref<1x3x2x512xf32, #tpu.memory_space<hbm>>) target(%dma_start3A_453 : memref<1x3x2x512xf32, #tpu.memory_space<vmem>>) target_semaphore(%dma_start3A_447 : memref<!tpu.dma_semaphore, #tpu.memory_space<semaphore_mem>>)
          "tpu.trace_stop"() : () -> ()
        } else {
        }
        %and3A_279 = arith.constant true
        %and3A_280 = arith.andi %and3A, %and3A_279 : i1
        %add3A_281 = arith.constant 1 : i32
        %add3A_282 = arith.addi %scan3A_202, %add3A_281 : i32
        %select_n3A_283 = arith.select %and3A_280, %add3A_282, %scan3A_202 : i32
        %ne3A_284 = arith.cmpi ne, %add3A_213, %add3A_249 : i32
        %ne3A_285 = arith.cmpi ne, %add3A_214, %add3A_250 : i32
        %or3A_286 = arith.constant false
        %or3A_287 = arith.ori %or3A_286, %ne3A_284 : i1
        %or3A_288 = arith.constant false
        %or3A_289 = arith.ori %or3A_287, %or3A_288 : i1
        %or3A_290 = arith.ori %or3A_289, %ne3A_285 : i1
        %or3A_291 = arith.constant false
        %or3A_292 = arith.ori %or3A_290, %or3A_291 : i1
        %ge3A_293 = arith.constant 127 : i32
        %ge3A_294 = arith.cmpi sge, %scan3A_201, %ge3A_293 : i32
        %not3A_295 = arith.constant true
        %not3A_296 = arith.xori %ge3A_294, %not3A_295 : i1
        %and3A_297 = arith.andi %or3A_292, %not3A_296 : i1
        %ne3A_298 = arith.cmpi ne, %add3A_213, %add3A_231 : i32
        %ne3A_299 = arith.cmpi ne, %add3A_214, %add3A_232 : i32
        %or3A_300 = arith.constant false
        %or3A_301 = arith.ori %or3A_300, %ne3A_298 : i1
        %or3A_302 = arith.constant false
        %or3A_303 = arith.ori %or3A_301, %or3A_302 : i1
        %or3A_304 = arith.ori %or3A_303, %ne3A_299 : i1
        %or3A_305 = arith.constant false
        %or3A_306 = arith.ori %or3A_304, %or3A_305 : i1
        %or3A_307 = arith.ori %or3A_306, %eq3A_209 : i1
        %convert_element_type3A_308 = arith.extui %or3A_307 : i1 to i32
        %cond3A_309 = arith.constant 0 : i32
        %cond3A_310 = arith.cmpi ne, %convert_element_type3A_308, %cond3A_309 : i32
        scf.if %cond3A_310 {
          "tpu.trace_start"() <{level = 10 : i32, message = "ep_wait_in"}> : () -> ()
          %mul3A_431 = arith.constant 1 : i32
          %mul3A_432 = arith.muli %mul3A_431, %add3A_213 : i32
          %mul3A_433 = arith.constant 2 : i32
          %mul3A_434 = arith.muli %mul3A_433, %add3A_214 : i32
          %rem3A_435 = arith.constant 2 : i32
          %rem3A_436 = arith.remui %scan3A_203, %rem3A_435 : i32
          %dma_wait3A_437 = arith.constant 0 : i32
          %dma_wait3A_438 = arith.constant 0 : i32
          %dma_wait3A_439 = arith.constant 0 : i32
          %dma_wait3A_440 = arith.constant 0 : i32
          %dma_wait3A_441 = tpu.memref_slice %run_scoped3A[%rem3A_436, %dma_wait3A_437, %dma_wait3A_438, %dma_wait3A_439, %dma_wait3A_440] : memref<2x1x3x2x512xf32, #tpu.memory_space<vmem>> -> memref<1x1x3x2x512xf32, #tpu.memory_space<vmem>>
          %dma_wait3A_442 = tpu.memref_squeeze %dma_wait3A_441 : memref<1x1x3x2x512xf32, #tpu.memory_space<vmem>> -> memref<1x3x2x512xf32, #tpu.memory_space<vmem>>
          %dma_wait3A_443 = arith.constant 0 : i32
          %dma_wait3A_444 = arith.constant 0 : i32
          %dma_wait3A_445 = tpu.memref_slice %arg2[%mul3A_432, %dma_wait3A_443, %mul3A_434, %dma_wait3A_444] : memref<16x3x512x512xf32, #tpu.memory_space<hbm>> -> memref<1x3x2x512xf32, #tpu.memory_space<hbm>>
          %dma_wait3A_446 = tpu.memref_slice %run_scoped3A_7[%rem3A_436] : memref<2x!tpu.dma_semaphore, #tpu.memory_space<semaphore_mem>> -> memref<1x!tpu.dma_semaphore, #tpu.memory_space<semaphore_mem>>
          %dma_wait3A_447 = tpu.memref_squeeze %dma_wait3A_446 : memref<1x!tpu.dma_semaphore, #tpu.memory_space<semaphore_mem>> -> memref<!tpu.dma_semaphore, #tpu.memory_space<semaphore_mem>>
          %dma_wait3A_448 = arith.constant 0 : i32
          %dma_wait3A_449 = arith.constant 0 : i32
          %dma_wait3A_450 = arith.constant 0 : i32
          %dma_wait3A_451 = arith.constant 0 : i32
          %dma_wait3A_452 = tpu.memref_slice %run_scoped3A[%rem3A_436, %dma_wait3A_448, %dma_wait3A_449, %dma_wait3A_450, %dma_wait3A_451] : memref<2x1x3x2x512xf32, #tpu.memory_space<vmem>> -> memref<1x1x3x2x512xf32, #tpu.memory_space<vmem>>
          %dma_wait3A_453 = tpu.memref_squeeze %dma_wait3A_452 : memref<1x1x3x2x512xf32, #tpu.memory_space<vmem>> -> memref<1x3x2x512xf32, #tpu.memory_space<vmem>>
          %dma_wait3A_454 = arith.constant 0 : i32
          %dma_wait3A_455 = arith.constant 0 : i32
          %dma_wait3A_456 = tpu.memref_slice %arg2[%mul3A_432, %dma_wait3A_454, %mul3A_434, %dma_wait3A_455] : memref<16x3x512x512xf32, #tpu.memory_space<hbm>> -> memref<1x3x2x512xf32, #tpu.memory_space<hbm>>
          tpu.wait_dma2 semaphore(%dma_wait3A_447 : memref<!tpu.dma_semaphore, #tpu.memory_space<semaphore_mem>>) src(%dma_wait3A_456 : memref<1x3x2x512xf32, #tpu.memory_space<hbm>>) dst(%dma_wait3A_453 : memref<1x3x2x512xf32, #tpu.memory_space<vmem>>)
          "tpu.trace_stop"() : () -> ()
        } else {
        }
        %ne3A_311 = arith.cmpi ne, %add3A_213, %add3A_231 : i32
        %ne3A_312 = arith.cmpi ne, %add3A_214, %add3A_232 : i32
        %or3A_313 = arith.constant false
        %or3A_314 = arith.ori %or3A_313, %ne3A_311 : i1
        %or3A_315 = arith.constant false
        %or3A_316 = arith.ori %or3A_314, %or3A_315 : i1
        %or3A_317 = arith.ori %or3A_316, %ne3A_312 : i1
        %or3A_318 = arith.constant false
        %or3A_319 = arith.ori %or3A_317, %or3A_318 : i1
        %or3A_320 = arith.ori %or3A_319, %eq3A_209 : i1
        %convert_element_type3A_321 = arith.extui %or3A_320 : i1 to i32
        %cond3A_322 = arith.constant 0 : i32
        %cond3A_323 = arith.cmpi ne, %convert_element_type3A_321, %cond3A_322 : i32
        scf.if %cond3A_323 {
        } else {
        }
        %rem3A_324 = arith.constant 2 : i32
        %rem3A_325 = arith.remui %scan3A_203, %rem3A_324 : i32
        %rem3A_326 = arith.constant 2 : i32
        %rem3A_327 = arith.remui %scan3A_204, %rem3A_326 : i32
        %parallel_loop3A = arith.constant 0 : i32
        %parallel_loop3A_328 = arith.constant 512 : i32
        %parallel_loop3A_329 = arith.constant 16 : i32
        "tpu.trace_start"() <{level = 10 : i32, message = "ep_run_kernel"}> : () -> ()
        scf.for %parallel_loop3A_431 = %parallel_loop3A to %parallel_loop3A_328 step %parallel_loop3A_329  : i32 {
          %parallel_loop3A_432 = arith.constant 0 : i32
          %parallel_loop3A_433 = arith.constant 0 : i32
          %parallel_loop3A_434 = arith.constant 0 : i32
          %parallel_loop3A_435 = arith.constant 0 : i32
          %parallel_loop3A_436 = arith.constant 0 : i32
          %parallel_loop3A_437 = arith.constant 0 : i32
          %parallel_loop3A_438 = arith.constant 0 : i32
          %parallel_loop3A_439 = tpu.memref_slice %run_scoped3A[%rem3A_325, %parallel_loop3A_435, %parallel_loop3A_436, %parallel_loop3A_437, %parallel_loop3A_438] : memref<2x1x3x2x512xf32, #tpu.memory_space<vmem>> -> memref<1x1x3x2x512xf32, #tpu.memory_space<vmem>>
          %parallel_loop3A_440 = tpu.memref_squeeze %parallel_loop3A_439 : memref<1x1x3x2x512xf32, #tpu.memory_space<vmem>> -> memref<1x3x2x512xf32, #tpu.memory_space<vmem>>
          %parallel_loop3A_441 = arith.index_cast %parallel_loop3A_432 : i32 to index
          %parallel_loop3A_442 = arith.index_cast %parallel_loop3A_433 : i32 to index
          %parallel_loop3A_443 = arith.index_cast %parallel_loop3A_434 : i32 to index
          %parallel_loop3A_444 = arith.index_cast %parallel_loop3A_431 : i32 to index
          %parallel_loop3A_445 = tpu.vector_load %parallel_loop3A_440[%parallel_loop3A_441, %parallel_loop3A_442, %parallel_loop3A_443, %parallel_loop3A_444] {strides = array<i32>} : memref<1x3x2x512xf32, #tpu.memory_space<vmem>>, vector<16xf32>,
          %parallel_loop3A_446 = arith.constant 0 : i32
          %parallel_loop3A_447 = arith.constant 1 : i32
          %parallel_loop3A_448 = arith.constant 0 : i32
          %parallel_loop3A_449 = arith.constant 0 : i32
          %parallel_loop3A_450 = arith.constant 0 : i32
          %parallel_loop3A_451 = arith.constant 0 : i32
          %parallel_loop3A_452 = arith.constant 0 : i32
          %parallel_loop3A_453 = tpu.memref_slice %run_scoped3A[%rem3A_325, %parallel_loop3A_449, %parallel_loop3A_450, %parallel_loop3A_451, %parallel_loop3A_452] : memref<2x1x3x2x512xf32, #tpu.memory_space<vmem>> -> memref<1x1x3x2x512xf32, #tpu.memory_space<vmem>>
          %parallel_loop3A_454 = tpu.memref_squeeze %parallel_loop3A_453 : memref<1x1x3x2x512xf32, #tpu.memory_space<vmem>> -> memref<1x3x2x512xf32, #tpu.memory_space<vmem>>
          %parallel_loop3A_455 = arith.index_cast %parallel_loop3A_446 : i32 to index
          %parallel_loop3A_456 = arith.index_cast %parallel_loop3A_447 : i32 to index
          %parallel_loop3A_457 = arith.index_cast %parallel_loop3A_448 : i32 to index
          %parallel_loop3A_458 = arith.index_cast %parallel_loop3A_431 : i32 to index
          %parallel_loop3A_459 = tpu.vector_load %parallel_loop3A_454[%parallel_loop3A_455, %parallel_loop3A_456, %parallel_loop3A_457, %parallel_loop3A_458] {strides = array<i32>} : memref<1x3x2x512xf32, #tpu.memory_space<vmem>>, vector<16xf32>,
          %parallel_loop3A_460 = arith.constant 0 : i32
          %parallel_loop3A_461 = arith.constant 2 : i32
          %parallel_loop3A_462 = arith.constant 0 : i32
          %parallel_loop3A_463 = arith.constant 0 : i32
          %parallel_loop3A_464 = arith.constant 0 : i32
          %parallel_loop3A_465 = arith.constant 0 : i32
          %parallel_loop3A_466 = arith.constant 0 : i32
          %parallel_loop3A_467 = tpu.memref_slice %run_scoped3A[%rem3A_325, %parallel_loop3A_463, %parallel_loop3A_464, %parallel_loop3A_465, %parallel_loop3A_466] : memref<2x1x3x2x512xf32, #tpu.memory_space<vmem>> -> memref<1x1x3x2x512xf32, #tpu.memory_space<vmem>>
          %parallel_loop3A_468 = tpu.memref_squeeze %parallel_loop3A_467 : memref<1x1x3x2x512xf32, #tpu.memory_space<vmem>> -> memref<1x3x2x512xf32, #tpu.memory_space<vmem>>
          %parallel_loop3A_469 = arith.index_cast %parallel_loop3A_460 : i32 to index
          %parallel_loop3A_470 = arith.index_cast %parallel_loop3A_461 : i32 to index
          %parallel_loop3A_471 = arith.index_cast %parallel_loop3A_462 : i32 to index
          %parallel_loop3A_472 = arith.index_cast %parallel_loop3A_431 : i32 to index
          %parallel_loop3A_473 = tpu.vector_load %parallel_loop3A_468[%parallel_loop3A_469, %parallel_loop3A_470, %parallel_loop3A_471, %parallel_loop3A_472] {strides = array<i32>} : memref<1x3x2x512xf32, #tpu.memory_space<vmem>>, vector<16xf32>,
          %parallel_loop3A_474 = arith.constant 3.200000e+01 : f32
          %parallel_loop3A_475 = vector.broadcast %parallel_loop3A_474 : f32 to vector<16xf32>
          %parallel_loop3A_476 = arith.mulf %parallel_loop3A_445, %parallel_loop3A_475 : vector<16xf32>
          %parallel_loop3A_477 = arith.constant 0.000000e+00 : f32
          %parallel_loop3A_478 = arith.constant 3.200000e+01 : f32
          %parallel_loop3A_479 = vector.broadcast %parallel_loop3A_477 : f32 to vector<16xf32>
          %parallel_loop3A_480 = arith.maximumf %parallel_loop3A_479, %parallel_loop3A_476 : vector<16xf32>
          %parallel_loop3A_481 = vector.broadcast %parallel_loop3A_478 : f32 to vector<16xf32>
          %parallel_loop3A_482 = arith.minimumf %parallel_loop3A_481, %parallel_loop3A_480 : vector<16xf32>
          %parallel_loop3A_483 = arith.constant 3.200000e+01 : f32
          %parallel_loop3A_484 = vector.broadcast %parallel_loop3A_483 : f32 to vector<16xf32>
          %parallel_loop3A_485 = arith.mulf %parallel_loop3A_459, %parallel_loop3A_484 : vector<16xf32>
          %parallel_loop3A_486 = arith.constant 0.000000e+00 : f32
          %parallel_loop3A_487 = arith.constant 3.200000e+01 : f32
          %parallel_loop3A_488 = vector.broadcast %parallel_loop3A_486 : f32 to vector<16xf32>
          %parallel_loop3A_489 = arith.maximumf %parallel_loop3A_488, %parallel_loop3A_485 : vector<16xf32>
          %parallel_loop3A_490 = vector.broadcast %parallel_loop3A_487 : f32 to vector<16xf32>
          %parallel_loop3A_491 = arith.minimumf %parallel_loop3A_490, %parallel_loop3A_489 : vector<16xf32>
          %parallel_loop3A_492 = arith.constant 3.200000e+01 : f32
          %parallel_loop3A_493 = vector.broadcast %parallel_loop3A_492 : f32 to vector<16xf32>
          %parallel_loop3A_494 = arith.mulf %parallel_loop3A_473, %parallel_loop3A_493 : vector<16xf32>
          %parallel_loop3A_495 = arith.constant 0.000000e+00 : f32
          %parallel_loop3A_496 = arith.constant 3.200000e+01 : f32
          %parallel_loop3A_497 = vector.broadcast %parallel_loop3A_495 : f32 to vector<16xf32>
          %parallel_loop3A_498 = arith.maximumf %parallel_loop3A_497, %parallel_loop3A_494 : vector<16xf32>
          %parallel_loop3A_499 = vector.broadcast %parallel_loop3A_496 : f32 to vector<16xf32>
          %parallel_loop3A_500 = arith.minimumf %parallel_loop3A_499, %parallel_loop3A_498 : vector<16xf32>
          %parallel_loop3A_501 = arith.fptosi %parallel_loop3A_482 : vector<16xf32> to vector<16xi32>
          %parallel_loop3A_502 = arith.constant 31 : i32
          %parallel_loop3A_503 = vector.broadcast %parallel_loop3A_502 : i32 to vector<16xi32>
          %parallel_loop3A_504 = arith.minsi %parallel_loop3A_501, %parallel_loop3A_503 : vector<16xi32>
          %parallel_loop3A_505 = arith.fptosi %parallel_loop3A_491 : vector<16xf32> to vector<16xi32>
          %parallel_loop3A_506 = arith.constant 31 : i32
          %parallel_loop3A_507 = vector.broadcast %parallel_loop3A_506 : i32 to vector<16xi32>
          %parallel_loop3A_508 = arith.minsi %parallel_loop3A_505, %parallel_loop3A_507 : vector<16xi32>
          %parallel_loop3A_509 = arith.fptosi %parallel_loop3A_500 : vector<16xf32> to vector<16xi32>
          %parallel_loop3A_510 = arith.constant 31 : i32
          %parallel_loop3A_511 = vector.broadcast %parallel_loop3A_510 : i32 to vector<16xi32>
          %parallel_loop3A_512 = arith.minsi %parallel_loop3A_509, %parallel_loop3A_511 : vector<16xi32>
          %parallel_loop3A_513 = arith.sitofp %parallel_loop3A_504 : vector<16xi32> to vector<16xf32>
          %parallel_loop3A_514 = arith.subf %parallel_loop3A_482, %parallel_loop3A_513 : vector<16xf32>
          %parallel_loop3A_515 = arith.sitofp %parallel_loop3A_508 : vector<16xi32> to vector<16xf32>
          %parallel_loop3A_516 = arith.subf %parallel_loop3A_491, %parallel_loop3A_515 : vector<16xf32>
          %parallel_loop3A_517 = arith.sitofp %parallel_loop3A_512 : vector<16xi32> to vector<16xf32>
          %parallel_loop3A_518 = arith.subf %parallel_loop3A_500, %parallel_loop3A_517 : vector<16xf32>
          %parallel_loop3A_519 = arith.constant 1.000000e+00 : f32
          %parallel_loop3A_520 = vector.broadcast %parallel_loop3A_519 : f32 to vector<16xf32>
          %parallel_loop3A_521 = arith.subf %parallel_loop3A_520, %parallel_loop3A_514 : vector<16xf32>
          %parallel_loop3A_522 = arith.constant 1.000000e+00 : f32
          %parallel_loop3A_523 = vector.broadcast %parallel_loop3A_522 : f32 to vector<16xf32>
          %parallel_loop3A_524 = arith.subf %parallel_loop3A_523, %parallel_loop3A_516 : vector<16xf32>
          %parallel_loop3A_525 = arith.constant 1.000000e+00 : f32
          %parallel_loop3A_526 = vector.broadcast %parallel_loop3A_525 : f32 to vector<16xf32>
          %parallel_loop3A_527 = arith.subf %parallel_loop3A_526, %parallel_loop3A_518 : vector<16xf32>
          %parallel_loop3A_528 = arith.constant 1089 : i32
          %parallel_loop3A_529 = vector.broadcast %parallel_loop3A_528 : i32 to vector<16xi32>
          %parallel_loop3A_530 = arith.muli %parallel_loop3A_512, %parallel_loop3A_529 : vector<16xi32>
          %parallel_loop3A_531 = arith.constant 33 : i32
          %parallel_loop3A_532 = vector.broadcast %parallel_loop3A_531 : i32 to vector<16xi32>
          %parallel_loop3A_533 = arith.muli %parallel_loop3A_508, %parallel_loop3A_532 : vector<16xi32>
          %parallel_loop3A_534 = arith.addi %parallel_loop3A_530, %parallel_loop3A_533 : vector<16xi32>
          %parallel_loop3A_535 = arith.constant 33 : i32
          %parallel_loop3A_536 = vector.broadcast %parallel_loop3A_535 : i32 to vector<16xi32>
          %parallel_loop3A_537 = arith.addi %parallel_loop3A_534, %parallel_loop3A_536 : vector<16xi32>
          %parallel_loop3A_538 = arith.constant 1089 : i32
          %parallel_loop3A_539 = vector.broadcast %parallel_loop3A_538 : i32 to vector<16xi32>
          %parallel_loop3A_540 = arith.addi %parallel_loop3A_534, %parallel_loop3A_539 : vector<16xi32>
          %parallel_loop3A_541 = arith.constant 33 : i32
          %parallel_loop3A_542 = vector.broadcast %parallel_loop3A_541 : i32 to vector<16xi32>
          %parallel_loop3A_543 = arith.addi %parallel_loop3A_540, %parallel_loop3A_542 : vector<16xi32>
          %parallel_loop3A_544 = arith.addi %parallel_loop3A_534, %parallel_loop3A_504 : vector<16xi32>
          %parallel_loop3A_545 = arith.constant 1 : i32
          %parallel_loop3A_546 = vector.broadcast %parallel_loop3A_545 : i32 to vector<16xi32>
          %parallel_loop3A_547 = arith.addi %parallel_loop3A_544, %parallel_loop3A_546 : vector<16xi32>
          %parallel_loop3A_548 = arith.addi %parallel_loop3A_537, %parallel_loop3A_504 : vector<16xi32>
          %parallel_loop3A_549 = arith.constant 1 : i32
          %parallel_loop3A_550 = vector.broadcast %parallel_loop3A_549 : i32 to vector<16xi32>
          %parallel_loop3A_551 = arith.addi %parallel_loop3A_548, %parallel_loop3A_550 : vector<16xi32>
          %parallel_loop3A_552 = arith.addi %parallel_loop3A_540, %parallel_loop3A_504 : vector<16xi32>
          %parallel_loop3A_553 = arith.constant 1 : i32
          %parallel_loop3A_554 = vector.broadcast %parallel_loop3A_553 : i32 to vector<16xi32>
          %parallel_loop3A_555 = arith.addi %parallel_loop3A_552, %parallel_loop3A_554 : vector<16xi32>
          %parallel_loop3A_556 = arith.addi %parallel_loop3A_543, %parallel_loop3A_504 : vector<16xi32>
          %parallel_loop3A_557 = arith.constant 1 : i32
          %parallel_loop3A_558 = vector.broadcast %parallel_loop3A_557 : i32 to vector<16xi32>
          %parallel_loop3A_559 = arith.addi %parallel_loop3A_556, %parallel_loop3A_558 : vector<16xi32>
          %parallel_loop3A_560 = arith.mulf %parallel_loop3A_527, %parallel_loop3A_524 : vector<16xf32>
          %parallel_loop3A_561 = arith.mulf %parallel_loop3A_527, %parallel_loop3A_516 : vector<16xf32>
          %parallel_loop3A_562 = arith.mulf %parallel_loop3A_518, %parallel_loop3A_524 : vector<16xf32>
          %parallel_loop3A_563 = arith.mulf %parallel_loop3A_518, %parallel_loop3A_516 : vector<16xf32>
          %parallel_loop3A_564 = arith.mulf %parallel_loop3A_560, %parallel_loop3A_521 : vector<16xf32>
          %parallel_loop3A_565 = arith.mulf %parallel_loop3A_560, %parallel_loop3A_514 : vector<16xf32>
          %parallel_loop3A_566 = arith.mulf %parallel_loop3A_561, %parallel_loop3A_521 : vector<16xf32>
          %parallel_loop3A_567 = arith.mulf %parallel_loop3A_561, %parallel_loop3A_514 : vector<16xf32>
          %parallel_loop3A_568 = arith.mulf %parallel_loop3A_562, %parallel_loop3A_521 : vector<16xf32>
          %parallel_loop3A_569 = arith.mulf %parallel_loop3A_562, %parallel_loop3A_514 : vector<16xf32>
          %parallel_loop3A_570 = arith.mulf %parallel_loop3A_563, %parallel_loop3A_521 : vector<16xf32>
          %parallel_loop3A_571 = arith.mulf %parallel_loop3A_563, %parallel_loop3A_514 : vector<16xf32>
          %parallel_loop3A_572 = tpu.vector_load_idx %arg5[%parallel_loop3A_544] : memref<35944xf32, #tpu.memory_space<vmem>>[vector<16xi32>], vector<16xf32>,
          %parallel_loop3A_573 = arith.mulf %parallel_loop3A_572, %parallel_loop3A_564 : vector<16xf32>
          %parallel_loop3A_574 = tpu.vector_load_idx %arg5[%parallel_loop3A_547] : memref<35944xf32, #tpu.memory_space<vmem>>[vector<16xi32>], vector<16xf32>,
          %parallel_loop3A_575 = arith.mulf %parallel_loop3A_574, %parallel_loop3A_565 : vector<16xf32>
          %parallel_loop3A_576 = arith.addf %parallel_loop3A_573, %parallel_loop3A_575 : vector<16xf32>
          %parallel_loop3A_577 = tpu.vector_load_idx %arg5[%parallel_loop3A_548] : memref<35944xf32, #tpu.memory_space<vmem>>[vector<16xi32>], vector<16xf32>,
          %parallel_loop3A_578 = arith.mulf %parallel_loop3A_577, %parallel_loop3A_566 : vector<16xf32>
          %parallel_loop3A_579 = arith.addf %parallel_loop3A_576, %parallel_loop3A_578 : vector<16xf32>
          %parallel_loop3A_580 = tpu.vector_load_idx %arg5[%parallel_loop3A_551] : memref<35944xf32, #tpu.memory_space<vmem>>[vector<16xi32>], vector<16xf32>,
          %parallel_loop3A_581 = arith.mulf %parallel_loop3A_580, %parallel_loop3A_567 : vector<16xf32>
          %parallel_loop3A_582 = arith.addf %parallel_loop3A_579, %parallel_loop3A_581 : vector<16xf32>
          %parallel_loop3A_583 = tpu.vector_load_idx %arg5[%parallel_loop3A_552] : memref<35944xf32, #tpu.memory_space<vmem>>[vector<16xi32>], vector<16xf32>,
          %parallel_loop3A_584 = arith.mulf %parallel_loop3A_583, %parallel_loop3A_568 : vector<16xf32>
          %parallel_loop3A_585 = arith.addf %parallel_loop3A_582, %parallel_loop3A_584 : vector<16xf32>
          %parallel_loop3A_586 = tpu.vector_load_idx %arg5[%parallel_loop3A_555] : memref<35944xf32, #tpu.memory_space<vmem>>[vector<16xi32>], vector<16xf32>,
          %parallel_loop3A_587 = arith.mulf %parallel_loop3A_586, %parallel_loop3A_569 : vector<16xf32>
          %parallel_loop3A_588 = arith.addf %parallel_loop3A_585, %parallel_loop3A_587 : vector<16xf32>
          %parallel_loop3A_589 = tpu.vector_load_idx %arg5[%parallel_loop3A_556] : memref<35944xf32, #tpu.memory_space<vmem>>[vector<16xi32>], vector<16xf32>,
          %parallel_loop3A_590 = arith.mulf %parallel_loop3A_589, %parallel_loop3A_570 : vector<16xf32>
          %parallel_loop3A_591 = arith.addf %parallel_loop3A_588, %parallel_loop3A_590 : vector<16xf32>
          %parallel_loop3A_592 = tpu.vector_load_idx %arg5[%parallel_loop3A_559] : memref<35944xf32, #tpu.memory_space<vmem>>[vector<16xi32>], vector<16xf32>,
          %parallel_loop3A_593 = arith.mulf %parallel_loop3A_592, %parallel_loop3A_571 : vector<16xf32>
          %parallel_loop3A_594 = arith.addf %parallel_loop3A_591, %parallel_loop3A_593 : vector<16xf32>
          %parallel_loop3A_595 = arith.constant 0 : i32
          %parallel_loop3A_596 = arith.constant 0 : i32
          %parallel_loop3A_597 = arith.constant 0 : i32
          %parallel_loop3A_598 = arith.constant 0 : i32
          %parallel_loop3A_599 = arith.constant 0 : i32
          %parallel_loop3A_600 = arith.constant 0 : i32
          %parallel_loop3A_601 = arith.constant 0 : i32
          %parallel_loop3A_602 = tpu.memref_slice %run_scoped3A_8[%rem3A_327, %parallel_loop3A_598, %parallel_loop3A_599, %parallel_loop3A_600, %parallel_loop3A_601] : memref<2x1x3x2x512xf32, #tpu.memory_space<vmem>> -> memref<1x1x3x2x512xf32, #tpu.memory_space<vmem>>
          %parallel_loop3A_603 = tpu.memref_squeeze %parallel_loop3A_602 : memref<1x1x3x2x512xf32, #tpu.memory_space<vmem>> -> memref<1x3x2x512xf32, #tpu.memory_space<vmem>>
          %parallel_loop3A_604 = arith.index_cast %parallel_loop3A_595 : i32 to index
          %parallel_loop3A_605 = arith.index_cast %parallel_loop3A_596 : i32 to index
          %parallel_loop3A_606 = arith.index_cast %parallel_loop3A_597 : i32 to index
          %parallel_loop3A_607 = arith.index_cast %parallel_loop3A_431 : i32 to index
          %parallel_loop3A_608 = tpu.vector_load %parallel_loop3A_603[%parallel_loop3A_604, %parallel_loop3A_605, %parallel_loop3A_606, %parallel_loop3A_607] {strides = array<i32>} : memref<1x3x2x512xf32, #tpu.memory_space<vmem>>, vector<16xf32>,
          tpu.vector_store %parallel_loop3A_603[%parallel_loop3A_604, %parallel_loop3A_605, %parallel_loop3A_606, %parallel_loop3A_607], %parallel_loop3A_594 {strides = array<i32>} : memref<1x3x2x512xf32, #tpu.memory_space<vmem>>, vector<16xf32>,
          %parallel_loop3A_609 = tpu.vector_load_idx %arg6[%parallel_loop3A_544] : memref<35944xf32, #tpu.memory_space<vmem>>[vector<16xi32>], vector<16xf32>,
          %parallel_loop3A_610 = arith.mulf %parallel_loop3A_609, %parallel_loop3A_564 : vector<16xf32>
          %parallel_loop3A_611 = tpu.vector_load_idx %arg6[%parallel_loop3A_547] : memref<35944xf32, #tpu.memory_space<vmem>>[vector<16xi32>], vector<16xf32>,
          %parallel_loop3A_612 = arith.mulf %parallel_loop3A_611, %parallel_loop3A_565 : vector<16xf32>
          %parallel_loop3A_613 = arith.addf %parallel_loop3A_610, %parallel_loop3A_612 : vector<16xf32>
          %parallel_loop3A_614 = tpu.vector_load_idx %arg6[%parallel_loop3A_548] : memref<35944xf32, #tpu.memory_space<vmem>>[vector<16xi32>], vector<16xf32>,
          %parallel_loop3A_615 = arith.mulf %parallel_loop3A_614, %parallel_loop3A_566 : vector<16xf32>
          %parallel_loop3A_616 = arith.addf %parallel_loop3A_613, %parallel_loop3A_615 : vector<16xf32>
          %parallel_loop3A_617 = tpu.vector_load_idx %arg6[%parallel_loop3A_551] : memref<35944xf32, #tpu.memory_space<vmem>>[vector<16xi32>], vector<16xf32>,
          %parallel_loop3A_618 = arith.mulf %parallel_loop3A_617, %parallel_loop3A_567 : vector<16xf32>
          %parallel_loop3A_619 = arith.addf %parallel_loop3A_616, %parallel_loop3A_618 : vector<16xf32>
          %parallel_loop3A_620 = tpu.vector_load_idx %arg6[%parallel_loop3A_552] : memref<35944xf32, #tpu.memory_space<vmem>>[vector<16xi32>], vector<16xf32>,
          %parallel_loop3A_621 = arith.mulf %parallel_loop3A_620, %parallel_loop3A_568 : vector<16xf32>
          %parallel_loop3A_622 = arith.addf %parallel_loop3A_619, %parallel_loop3A_621 : vector<16xf32>
          %parallel_loop3A_623 = tpu.vector_load_idx %arg6[%parallel_loop3A_555] : memref<35944xf32, #tpu.memory_space<vmem>>[vector<16xi32>], vector<16xf32>,
          %parallel_loop3A_624 = arith.mulf %parallel_loop3A_623, %parallel_loop3A_569 : vector<16xf32>
          %parallel_loop3A_625 = arith.addf %parallel_loop3A_622, %parallel_loop3A_624 : vector<16xf32>
          %parallel_loop3A_626 = tpu.vector_load_idx %arg6[%parallel_loop3A_556] : memref<35944xf32, #tpu.memory_space<vmem>>[vector<16xi32>], vector<16xf32>,
          %parallel_loop3A_627 = arith.mulf %parallel_loop3A_626, %parallel_loop3A_570 : vector<16xf32>
          %parallel_loop3A_628 = arith.addf %parallel_loop3A_625, %parallel_loop3A_627 : vector<16xf32>
          %parallel_loop3A_629 = tpu.vector_load_idx %arg6[%parallel_loop3A_559] : memref<35944xf32, #tpu.memory_space<vmem>>[vector<16xi32>], vector<16xf32>,
          %parallel_loop3A_630 = arith.mulf %parallel_loop3A_629, %parallel_loop3A_571 : vector<16xf32>
          %parallel_loop3A_631 = arith.addf %parallel_loop3A_628, %parallel_loop3A_630 : vector<16xf32>
          %parallel_loop3A_632 = arith.constant 0 : i32
          %parallel_loop3A_633 = arith.constant 1 : i32
          %parallel_loop3A_634 = arith.constant 0 : i32
          %parallel_loop3A_635 = arith.constant 0 : i32
          %parallel_loop3A_636 = arith.constant 0 : i32
          %parallel_loop3A_637 = arith.constant 0 : i32
          %parallel_loop3A_638 = arith.constant 0 : i32
          %parallel_loop3A_639 = tpu.memref_slice %run_scoped3A_8[%rem3A_327, %parallel_loop3A_635, %parallel_loop3A_636, %parallel_loop3A_637, %parallel_loop3A_638] : memref<2x1x3x2x512xf32, #tpu.memory_space<vmem>> -> memref<1x1x3x2x512xf32, #tpu.memory_space<vmem>>
          %parallel_loop3A_640 = tpu.memref_squeeze %parallel_loop3A_639 : memref<1x1x3x2x512xf32, #tpu.memory_space<vmem>> -> memref<1x3x2x512xf32, #tpu.memory_space<vmem>>
          %parallel_loop3A_641 = arith.index_cast %parallel_loop3A_632 : i32 to index
          %parallel_loop3A_642 = arith.index_cast %parallel_loop3A_633 : i32 to index
          %parallel_loop3A_643 = arith.index_cast %parallel_loop3A_634 : i32 to index
          %parallel_loop3A_644 = arith.index_cast %parallel_loop3A_431 : i32 to index
          %parallel_loop3A_645 = tpu.vector_load %parallel_loop3A_640[%parallel_loop3A_641, %parallel_loop3A_642, %parallel_loop3A_643, %parallel_loop3A_644] {strides = array<i32>} : memref<1x3x2x512xf32, #tpu.memory_space<vmem>>, vector<16xf32>,
          tpu.vector_store %parallel_loop3A_640[%parallel_loop3A_641, %parallel_loop3A_642, %parallel_loop3A_643, %parallel_loop3A_644], %parallel_loop3A_631 {strides = array<i32>} : memref<1x3x2x512xf32, #tpu.memory_space<vmem>>, vector<16xf32>,
          %parallel_loop3A_646 = tpu.vector_load_idx %arg7[%parallel_loop3A_544] : memref<35944xf32, #tpu.memory_space<vmem>>[vector<16xi32>], vector<16xf32>,
          %parallel_loop3A_647 = arith.mulf %parallel_loop3A_646, %parallel_loop3A_564 : vector<16xf32>
          %parallel_loop3A_648 = tpu.vector_load_idx %arg7[%parallel_loop3A_547] : memref<35944xf32, #tpu.memory_space<vmem>>[vector<16xi32>], vector<16xf32>,
          %parallel_loop3A_649 = arith.mulf %parallel_loop3A_648, %parallel_loop3A_565 : vector<16xf32>
          %parallel_loop3A_650 = arith.addf %parallel_loop3A_647, %parallel_loop3A_649 : vector<16xf32>
          %parallel_loop3A_651 = tpu.vector_load_idx %arg7[%parallel_loop3A_548] : memref<35944xf32, #tpu.memory_space<vmem>>[vector<16xi32>], vector<16xf32>,
          %parallel_loop3A_652 = arith.mulf %parallel_loop3A_651, %parallel_loop3A_566 : vector<16xf32>
          %parallel_loop3A_653 = arith.addf %parallel_loop3A_650, %parallel_loop3A_652 : vector<16xf32>
          %parallel_loop3A_654 = tpu.vector_load_idx %arg7[%parallel_loop3A_551] : memref<35944xf32, #tpu.memory_space<vmem>>[vector<16xi32>], vector<16xf32>,
          %parallel_loop3A_655 = arith.mulf %parallel_loop3A_654, %parallel_loop3A_567 : vector<16xf32>
          %parallel_loop3A_656 = arith.addf %parallel_loop3A_653, %parallel_loop3A_655 : vector<16xf32>
          %parallel_loop3A_657 = tpu.vector_load_idx %arg7[%parallel_loop3A_552] : memref<35944xf32, #tpu.memory_space<vmem>>[vector<16xi32>], vector<16xf32>,
          %parallel_loop3A_658 = arith.mulf %parallel_loop3A_657, %parallel_loop3A_568 : vector<16xf32>
          %parallel_loop3A_659 = arith.addf %parallel_loop3A_656, %parallel_loop3A_658 : vector<16xf32>
          %parallel_loop3A_660 = tpu.vector_load_idx %arg7[%parallel_loop3A_555] : memref<35944xf32, #tpu.memory_space<vmem>>[vector<16xi32>], vector<16xf32>,
          %parallel_loop3A_661 = arith.mulf %parallel_loop3A_660, %parallel_loop3A_569 : vector<16xf32>
          %parallel_loop3A_662 = arith.addf %parallel_loop3A_659, %parallel_loop3A_661 : vector<16xf32>
          %parallel_loop3A_663 = tpu.vector_load_idx %arg7[%parallel_loop3A_556] : memref<35944xf32, #tpu.memory_space<vmem>>[vector<16xi32>], vector<16xf32>,
          %parallel_loop3A_664 = arith.mulf %parallel_loop3A_663, %parallel_loop3A_570 : vector<16xf32>
          %parallel_loop3A_665 = arith.addf %parallel_loop3A_662, %parallel_loop3A_664 : vector<16xf32>
          %parallel_loop3A_666 = tpu.vector_load_idx %arg7[%parallel_loop3A_559] : memref<35944xf32, #tpu.memory_space<vmem>>[vector<16xi32>], vector<16xf32>,
          %parallel_loop3A_667 = arith.mulf %parallel_loop3A_666, %parallel_loop3A_571 : vector<16xf32>
          %parallel_loop3A_668 = arith.addf %parallel_loop3A_665, %parallel_loop3A_667 : vector<16xf32>
          %parallel_loop3A_669 = arith.constant 0 : i32
          %parallel_loop3A_670 = arith.constant 2 : i32
          %parallel_loop3A_671 = arith.constant 0 : i32
          %parallel_loop3A_672 = arith.constant 0 : i32
          %parallel_loop3A_673 = arith.constant 0 : i32
          %parallel_loop3A_674 = arith.constant 0 : i32
          %parallel_loop3A_675 = arith.constant 0 : i32
          %parallel_loop3A_676 = tpu.memref_slice %run_scoped3A_8[%rem3A_327, %parallel_loop3A_672, %parallel_loop3A_673, %parallel_loop3A_674, %parallel_loop3A_675] : memref<2x1x3x2x512xf32, #tpu.memory_space<vmem>> -> memref<1x1x3x2x512xf32, #tpu.memory_space<vmem>>
          %parallel_loop3A_677 = tpu.memref_squeeze %parallel_loop3A_676 : memref<1x1x3x2x512xf32, #tpu.memory_space<vmem>> -> memref<1x3x2x512xf32, #tpu.memory_space<vmem>>
          %parallel_loop3A_678 = arith.index_cast %parallel_loop3A_669 : i32 to index
          %parallel_loop3A_679 = arith.index_cast %parallel_loop3A_670 : i32 to index
          %parallel_loop3A_680 = arith.index_cast %parallel_loop3A_671 : i32 to index
          %parallel_loop3A_681 = arith.index_cast %parallel_loop3A_431 : i32 to index
          %parallel_loop3A_682 = tpu.vector_load %parallel_loop3A_677[%parallel_loop3A_678, %parallel_loop3A_679, %parallel_loop3A_680, %parallel_loop3A_681] {strides = array<i32>} : memref<1x3x2x512xf32, #tpu.memory_space<vmem>>, vector<16xf32>,
          tpu.vector_store %parallel_loop3A_677[%parallel_loop3A_678, %parallel_loop3A_679, %parallel_loop3A_680, %parallel_loop3A_681], %parallel_loop3A_668 {strides = array<i32>} : memref<1x3x2x512xf32, #tpu.memory_space<vmem>>, vector<16xf32>,
        } {sc.loop_unroll_factor = 2 : i64, sc.parallel_access}
        %parallel_loop3A_330 = arith.constant 0 : i32
        %parallel_loop3A_331 = arith.constant 512 : i32
        %parallel_loop3A_332 = arith.constant 16 : i32
        scf.for %parallel_loop3A_431 = %parallel_loop3A_330 to %parallel_loop3A_331 step %parallel_loop3A_332  : i32 {
          %parallel_loop3A_432 = arith.constant 0 : i32
          %parallel_loop3A_433 = arith.constant 0 : i32
          %parallel_loop3A_434 = arith.constant 1 : i32
          %parallel_loop3A_435 = arith.constant 0 : i32
          %parallel_loop3A_436 = arith.constant 0 : i32
          %parallel_loop3A_437 = arith.constant 0 : i32
          %parallel_loop3A_438 = arith.constant 0 : i32
          %parallel_loop3A_439 = tpu.memref_slice %run_scoped3A[%rem3A_325, %parallel_loop3A_435, %parallel_loop3A_436, %parallel_loop3A_437, %parallel_loop3A_438] : memref<2x1x3x2x512xf32, #tpu.memory_space<vmem>> -> memref<1x1x3x2x512xf32, #tpu.memory_space<vmem>>
          %parallel_loop3A_440 = tpu.memref_squeeze %parallel_loop3A_439 : memref<1x1x3x2x512xf32, #tpu.memory_space<vmem>> -> memref<1x3x2x512xf32, #tpu.memory_space<vmem>>
          %parallel_loop3A_441 = arith.index_cast %parallel_loop3A_432 : i32 to index
          %parallel_loop3A_442 = arith.index_cast %parallel_loop3A_433 : i32 to index
          %parallel_loop3A_443 = arith.index_cast %parallel_loop3A_434 : i32 to index
          %parallel_loop3A_444 = arith.index_cast %parallel_loop3A_431 : i32 to index
          %parallel_loop3A_445 = tpu.vector_load %parallel_loop3A_440[%parallel_loop3A_441, %parallel_loop3A_442, %parallel_loop3A_443, %parallel_loop3A_444] {strides = array<i32>} : memref<1x3x2x512xf32, #tpu.memory_space<vmem>>, vector<16xf32>,
          %parallel_loop3A_446 = arith.constant 0 : i32
          %parallel_loop3A_447 = arith.constant 1 : i32
          %parallel_loop3A_448 = arith.constant 1 : i32
          %parallel_loop3A_449 = arith.constant 0 : i32
          %parallel_loop3A_450 = arith.constant 0 : i32
          %parallel_loop3A_451 = arith.constant 0 : i32
          %parallel_loop3A_452 = arith.constant 0 : i32
          %parallel_loop3A_453 = tpu.memref_slice %run_scoped3A[%rem3A_325, %parallel_loop3A_449, %parallel_loop3A_450, %parallel_loop3A_451, %parallel_loop3A_452] : memref<2x1x3x2x512xf32, #tpu.memory_space<vmem>> -> memref<1x1x3x2x512xf32, #tpu.memory_space<vmem>>
          %parallel_loop3A_454 = tpu.memref_squeeze %parallel_loop3A_453 : memref<1x1x3x2x512xf32, #tpu.memory_space<vmem>> -> memref<1x3x2x512xf32, #tpu.memory_space<vmem>>
          %parallel_loop3A_455 = arith.index_cast %parallel_loop3A_446 : i32 to index
          %parallel_loop3A_456 = arith.index_cast %parallel_loop3A_447 : i32 to index
          %parallel_loop3A_457 = arith.index_cast %parallel_loop3A_448 : i32 to index
          %parallel_loop3A_458 = arith.index_cast %parallel_loop3A_431 : i32 to index
          %parallel_loop3A_459 = tpu.vector_load %parallel_loop3A_454[%parallel_loop3A_455, %parallel_loop3A_456, %parallel_loop3A_457, %parallel_loop3A_458] {strides = array<i32>} : memref<1x3x2x512xf32, #tpu.memory_space<vmem>>, vector<16xf32>,
          %parallel_loop3A_460 = arith.constant 0 : i32
          %parallel_loop3A_461 = arith.constant 2 : i32
          %parallel_loop3A_462 = arith.constant 1 : i32
          %parallel_loop3A_463 = arith.constant 0 : i32
          %parallel_loop3A_464 = arith.constant 0 : i32
          %parallel_loop3A_465 = arith.constant 0 : i32
          %parallel_loop3A_466 = arith.constant 0 : i32
          %parallel_loop3A_467 = tpu.memref_slice %run_scoped3A[%rem3A_325, %parallel_loop3A_463, %parallel_loop3A_464, %parallel_loop3A_465, %parallel_loop3A_466] : memref<2x1x3x2x512xf32, #tpu.memory_space<vmem>> -> memref<1x1x3x2x512xf32, #tpu.memory_space<vmem>>
          %parallel_loop3A_468 = tpu.memref_squeeze %parallel_loop3A_467 : memref<1x1x3x2x512xf32, #tpu.memory_space<vmem>> -> memref<1x3x2x512xf32, #tpu.memory_space<vmem>>
          %parallel_loop3A_469 = arith.index_cast %parallel_loop3A_460 : i32 to index
          %parallel_loop3A_470 = arith.index_cast %parallel_loop3A_461 : i32 to index
          %parallel_loop3A_471 = arith.index_cast %parallel_loop3A_462 : i32 to index
          %parallel_loop3A_472 = arith.index_cast %parallel_loop3A_431 : i32 to index
          %parallel_loop3A_473 = tpu.vector_load %parallel_loop3A_468[%parallel_loop3A_469, %parallel_loop3A_470, %parallel_loop3A_471, %parallel_loop3A_472] {strides = array<i32>} : memref<1x3x2x512xf32, #tpu.memory_space<vmem>>, vector<16xf32>,
          %parallel_loop3A_474 = arith.constant 3.200000e+01 : f32
          %parallel_loop3A_475 = vector.broadcast %parallel_loop3A_474 : f32 to vector<16xf32>
          %parallel_loop3A_476 = arith.mulf %parallel_loop3A_445, %parallel_loop3A_475 : vector<16xf32>
          %parallel_loop3A_477 = arith.constant 0.000000e+00 : f32
          %parallel_loop3A_478 = arith.constant 3.200000e+01 : f32
          %parallel_loop3A_479 = vector.broadcast %parallel_loop3A_477 : f32 to vector<16xf32>
          %parallel_loop3A_480 = arith.maximumf %parallel_loop3A_479, %parallel_loop3A_476 : vector<16xf32>
          %parallel_loop3A_481 = vector.broadcast %parallel_loop3A_478 : f32 to vector<16xf32>
          %parallel_loop3A_482 = arith.minimumf %parallel_loop3A_481, %parallel_loop3A_480 : vector<16xf32>
          %parallel_loop3A_483 = arith.constant 3.200000e+01 : f32
          %parallel_loop3A_484 = vector.broadcast %parallel_loop3A_483 : f32 to vector<16xf32>
          %parallel_loop3A_485 = arith.mulf %parallel_loop3A_459, %parallel_loop3A_484 : vector<16xf32>
          %parallel_loop3A_486 = arith.constant 0.000000e+00 : f32
          %parallel_loop3A_487 = arith.constant 3.200000e+01 : f32
          %parallel_loop3A_488 = vector.broadcast %parallel_loop3A_486 : f32 to vector<16xf32>
          %parallel_loop3A_489 = arith.maximumf %parallel_loop3A_488, %parallel_loop3A_485 : vector<16xf32>
          %parallel_loop3A_490 = vector.broadcast %parallel_loop3A_487 : f32 to vector<16xf32>
          %parallel_loop3A_491 = arith.minimumf %parallel_loop3A_490, %parallel_loop3A_489 : vector<16xf32>
          %parallel_loop3A_492 = arith.constant 3.200000e+01 : f32
          %parallel_loop3A_493 = vector.broadcast %parallel_loop3A_492 : f32 to vector<16xf32>
          %parallel_loop3A_494 = arith.mulf %parallel_loop3A_473, %parallel_loop3A_493 : vector<16xf32>
          %parallel_loop3A_495 = arith.constant 0.000000e+00 : f32
          %parallel_loop3A_496 = arith.constant 3.200000e+01 : f32
          %parallel_loop3A_497 = vector.broadcast %parallel_loop3A_495 : f32 to vector<16xf32>
          %parallel_loop3A_498 = arith.maximumf %parallel_loop3A_497, %parallel_loop3A_494 : vector<16xf32>
          %parallel_loop3A_499 = vector.broadcast %parallel_loop3A_496 : f32 to vector<16xf32>
          %parallel_loop3A_500 = arith.minimumf %parallel_loop3A_499, %parallel_loop3A_498 : vector<16xf32>
          %parallel_loop3A_501 = arith.fptosi %parallel_loop3A_482 : vector<16xf32> to vector<16xi32>
          %parallel_loop3A_502 = arith.constant 31 : i32
          %parallel_loop3A_503 = vector.broadcast %parallel_loop3A_502 : i32 to vector<16xi32>
          %parallel_loop3A_504 = arith.minsi %parallel_loop3A_501, %parallel_loop3A_503 : vector<16xi32>
          %parallel_loop3A_505 = arith.fptosi %parallel_loop3A_491 : vector<16xf32> to vector<16xi32>
          %parallel_loop3A_506 = arith.constant 31 : i32
          %parallel_loop3A_507 = vector.broadcast %parallel_loop3A_506 : i32 to vector<16xi32>
          %parallel_loop3A_508 = arith.minsi %parallel_loop3A_505, %parallel_loop3A_507 : vector<16xi32>
          %parallel_loop3A_509 = arith.fptosi %parallel_loop3A_500 : vector<16xf32> to vector<16xi32>
          %parallel_loop3A_510 = arith.constant 31 : i32
          %parallel_loop3A_511 = vector.broadcast %parallel_loop3A_510 : i32 to vector<16xi32>
          %parallel_loop3A_512 = arith.minsi %parallel_loop3A_509, %parallel_loop3A_511 : vector<16xi32>
          %parallel_loop3A_513 = arith.sitofp %parallel_loop3A_504 : vector<16xi32> to vector<16xf32>
          %parallel_loop3A_514 = arith.subf %parallel_loop3A_482, %parallel_loop3A_513 : vector<16xf32>
          %parallel_loop3A_515 = arith.sitofp %parallel_loop3A_508 : vector<16xi32> to vector<16xf32>
          %parallel_loop3A_516 = arith.subf %parallel_loop3A_491, %parallel_loop3A_515 : vector<16xf32>
          %parallel_loop3A_517 = arith.sitofp %parallel_loop3A_512 : vector<16xi32> to vector<16xf32>
          %parallel_loop3A_518 = arith.subf %parallel_loop3A_500, %parallel_loop3A_517 : vector<16xf32>
          %parallel_loop3A_519 = arith.constant 1.000000e+00 : f32
          %parallel_loop3A_520 = vector.broadcast %parallel_loop3A_519 : f32 to vector<16xf32>
          %parallel_loop3A_521 = arith.subf %parallel_loop3A_520, %parallel_loop3A_514 : vector<16xf32>
          %parallel_loop3A_522 = arith.constant 1.000000e+00 : f32
          %parallel_loop3A_523 = vector.broadcast %parallel_loop3A_522 : f32 to vector<16xf32>
          %parallel_loop3A_524 = arith.subf %parallel_loop3A_523, %parallel_loop3A_516 : vector<16xf32>
          %parallel_loop3A_525 = arith.constant 1.000000e+00 : f32
          %parallel_loop3A_526 = vector.broadcast %parallel_loop3A_525 : f32 to vector<16xf32>
          %parallel_loop3A_527 = arith.subf %parallel_loop3A_526, %parallel_loop3A_518 : vector<16xf32>
          %parallel_loop3A_528 = arith.constant 1089 : i32
          %parallel_loop3A_529 = vector.broadcast %parallel_loop3A_528 : i32 to vector<16xi32>
          %parallel_loop3A_530 = arith.muli %parallel_loop3A_512, %parallel_loop3A_529 : vector<16xi32>
          %parallel_loop3A_531 = arith.constant 33 : i32
          %parallel_loop3A_532 = vector.broadcast %parallel_loop3A_531 : i32 to vector<16xi32>
          %parallel_loop3A_533 = arith.muli %parallel_loop3A_508, %parallel_loop3A_532 : vector<16xi32>
          %parallel_loop3A_534 = arith.addi %parallel_loop3A_530, %parallel_loop3A_533 : vector<16xi32>
          %parallel_loop3A_535 = arith.constant 33 : i32
          %parallel_loop3A_536 = vector.broadcast %parallel_loop3A_535 : i32 to vector<16xi32>
          %parallel_loop3A_537 = arith.addi %parallel_loop3A_534, %parallel_loop3A_536 : vector<16xi32>
          %parallel_loop3A_538 = arith.constant 1089 : i32
          %parallel_loop3A_539 = vector.broadcast %parallel_loop3A_538 : i32 to vector<16xi32>
          %parallel_loop3A_540 = arith.addi %parallel_loop3A_534, %parallel_loop3A_539 : vector<16xi32>
          %parallel_loop3A_541 = arith.constant 33 : i32
          %parallel_loop3A_542 = vector.broadcast %parallel_loop3A_541 : i32 to vector<16xi32>
          %parallel_loop3A_543 = arith.addi %parallel_loop3A_540, %parallel_loop3A_542 : vector<16xi32>
          %parallel_loop3A_544 = arith.addi %parallel_loop3A_534, %parallel_loop3A_504 : vector<16xi32>
          %parallel_loop3A_545 = arith.constant 1 : i32
          %parallel_loop3A_546 = vector.broadcast %parallel_loop3A_545 : i32 to vector<16xi32>
          %parallel_loop3A_547 = arith.addi %parallel_loop3A_544, %parallel_loop3A_546 : vector<16xi32>
          %parallel_loop3A_548 = arith.addi %parallel_loop3A_537, %parallel_loop3A_504 : vector<16xi32>
          %parallel_loop3A_549 = arith.constant 1 : i32
          %parallel_loop3A_550 = vector.broadcast %parallel_loop3A_549 : i32 to vector<16xi32>
          %parallel_loop3A_551 = arith.addi %parallel_loop3A_548, %parallel_loop3A_550 : vector<16xi32>
          %parallel_loop3A_552 = arith.addi %parallel_loop3A_540, %parallel_loop3A_504 : vector<16xi32>
          %parallel_loop3A_553 = arith.constant 1 : i32
          %parallel_loop3A_554 = vector.broadcast %parallel_loop3A_553 : i32 to vector<16xi32>
          %parallel_loop3A_555 = arith.addi %parallel_loop3A_552, %parallel_loop3A_554 : vector<16xi32>
          %parallel_loop3A_556 = arith.addi %parallel_loop3A_543, %parallel_loop3A_504 : vector<16xi32>
          %parallel_loop3A_557 = arith.constant 1 : i32
          %parallel_loop3A_558 = vector.broadcast %parallel_loop3A_557 : i32 to vector<16xi32>
          %parallel_loop3A_559 = arith.addi %parallel_loop3A_556, %parallel_loop3A_558 : vector<16xi32>
          %parallel_loop3A_560 = arith.mulf %parallel_loop3A_527, %parallel_loop3A_524 : vector<16xf32>
          %parallel_loop3A_561 = arith.mulf %parallel_loop3A_527, %parallel_loop3A_516 : vector<16xf32>
          %parallel_loop3A_562 = arith.mulf %parallel_loop3A_518, %parallel_loop3A_524 : vector<16xf32>
          %parallel_loop3A_563 = arith.mulf %parallel_loop3A_518, %parallel_loop3A_516 : vector<16xf32>
          %parallel_loop3A_564 = arith.mulf %parallel_loop3A_560, %parallel_loop3A_521 : vector<16xf32>
          %parallel_loop3A_565 = arith.mulf %parallel_loop3A_560, %parallel_loop3A_514 : vector<16xf32>
          %parallel_loop3A_566 = arith.mulf %parallel_loop3A_561, %parallel_loop3A_521 : vector<16xf32>
          %parallel_loop3A_567 = arith.mulf %parallel_loop3A_561, %parallel_loop3A_514 : vector<16xf32>
          %parallel_loop3A_568 = arith.mulf %parallel_loop3A_562, %parallel_loop3A_521 : vector<16xf32>
          %parallel_loop3A_569 = arith.mulf %parallel_loop3A_562, %parallel_loop3A_514 : vector<16xf32>
          %parallel_loop3A_570 = arith.mulf %parallel_loop3A_563, %parallel_loop3A_521 : vector<16xf32>
          %parallel_loop3A_571 = arith.mulf %parallel_loop3A_563, %parallel_loop3A_514 : vector<16xf32>
          %parallel_loop3A_572 = tpu.vector_load_idx %arg5[%parallel_loop3A_544] : memref<35944xf32, #tpu.memory_space<vmem>>[vector<16xi32>], vector<16xf32>,
          %parallel_loop3A_573 = arith.mulf %parallel_loop3A_572, %parallel_loop3A_564 : vector<16xf32>
          %parallel_loop3A_574 = tpu.vector_load_idx %arg5[%parallel_loop3A_547] : memref<35944xf32, #tpu.memory_space<vmem>>[vector<16xi32>], vector<16xf32>,
          %parallel_loop3A_575 = arith.mulf %parallel_loop3A_574, %parallel_loop3A_565 : vector<16xf32>
          %parallel_loop3A_576 = arith.addf %parallel_loop3A_573, %parallel_loop3A_575 : vector<16xf32>
          %parallel_loop3A_577 = tpu.vector_load_idx %arg5[%parallel_loop3A_548] : memref<35944xf32, #tpu.memory_space<vmem>>[vector<16xi32>], vector<16xf32>,
          %parallel_loop3A_578 = arith.mulf %parallel_loop3A_577, %parallel_loop3A_566 : vector<16xf32>
          %parallel_loop3A_579 = arith.addf %parallel_loop3A_576, %parallel_loop3A_578 : vector<16xf32>
          %parallel_loop3A_580 = tpu.vector_load_idx %arg5[%parallel_loop3A_551] : memref<35944xf32, #tpu.memory_space<vmem>>[vector<16xi32>], vector<16xf32>,
          %parallel_loop3A_581 = arith.mulf %parallel_loop3A_580, %parallel_loop3A_567 : vector<16xf32>
          %parallel_loop3A_582 = arith.addf %parallel_loop3A_579, %parallel_loop3A_581 : vector<16xf32>
          %parallel_loop3A_583 = tpu.vector_load_idx %arg5[%parallel_loop3A_552] : memref<35944xf32, #tpu.memory_space<vmem>>[vector<16xi32>], vector<16xf32>,
          %parallel_loop3A_584 = arith.mulf %parallel_loop3A_583, %parallel_loop3A_568 : vector<16xf32>
          %parallel_loop3A_585 = arith.addf %parallel_loop3A_582, %parallel_loop3A_584 : vector<16xf32>
          %parallel_loop3A_586 = tpu.vector_load_idx %arg5[%parallel_loop3A_555] : memref<35944xf32, #tpu.memory_space<vmem>>[vector<16xi32>], vector<16xf32>,
          %parallel_loop3A_587 = arith.mulf %parallel_loop3A_586, %parallel_loop3A_569 : vector<16xf32>
          %parallel_loop3A_588 = arith.addf %parallel_loop3A_585, %parallel_loop3A_587 : vector<16xf32>
          %parallel_loop3A_589 = tpu.vector_load_idx %arg5[%parallel_loop3A_556] : memref<35944xf32, #tpu.memory_space<vmem>>[vector<16xi32>], vector<16xf32>,
          %parallel_loop3A_590 = arith.mulf %parallel_loop3A_589, %parallel_loop3A_570 : vector<16xf32>
          %parallel_loop3A_591 = arith.addf %parallel_loop3A_588, %parallel_loop3A_590 : vector<16xf32>
          %parallel_loop3A_592 = tpu.vector_load_idx %arg5[%parallel_loop3A_559] : memref<35944xf32, #tpu.memory_space<vmem>>[vector<16xi32>], vector<16xf32>,
          %parallel_loop3A_593 = arith.mulf %parallel_loop3A_592, %parallel_loop3A_571 : vector<16xf32>
          %parallel_loop3A_594 = arith.addf %parallel_loop3A_591, %parallel_loop3A_593 : vector<16xf32>
          %parallel_loop3A_595 = arith.constant 0 : i32
          %parallel_loop3A_596 = arith.constant 0 : i32
          %parallel_loop3A_597 = arith.constant 1 : i32
          %parallel_loop3A_598 = arith.constant 0 : i32
          %parallel_loop3A_599 = arith.constant 0 : i32
          %parallel_loop3A_600 = arith.constant 0 : i32
          %parallel_loop3A_601 = arith.constant 0 : i32
          %parallel_loop3A_602 = tpu.memref_slice %run_scoped3A_8[%rem3A_327, %parallel_loop3A_598, %parallel_loop3A_599, %parallel_loop3A_600, %parallel_loop3A_601] : memref<2x1x3x2x512xf32, #tpu.memory_space<vmem>> -> memref<1x1x3x2x512xf32, #tpu.memory_space<vmem>>
          %parallel_loop3A_603 = tpu.memref_squeeze %parallel_loop3A_602 : memref<1x1x3x2x512xf32, #tpu.memory_space<vmem>> -> memref<1x3x2x512xf32, #tpu.memory_space<vmem>>
          %parallel_loop3A_604 = arith.index_cast %parallel_loop3A_595 : i32 to index
          %parallel_loop3A_605 = arith.index_cast %parallel_loop3A_596 : i32 to index
          %parallel_loop3A_606 = arith.index_cast %parallel_loop3A_597 : i32 to index
          %parallel_loop3A_607 = arith.index_cast %parallel_loop3A_431 : i32 to index
          %parallel_loop3A_608 = tpu.vector_load %parallel_loop3A_603[%parallel_loop3A_604, %parallel_loop3A_605, %parallel_loop3A_606, %parallel_loop3A_607] {strides = array<i32>} : memref<1x3x2x512xf32, #tpu.memory_space<vmem>>, vector<16xf32>,
          tpu.vector_store %parallel_loop3A_603[%parallel_loop3A_604, %parallel_loop3A_605, %parallel_loop3A_606, %parallel_loop3A_607], %parallel_loop3A_594 {strides = array<i32>} : memref<1x3x2x512xf32, #tpu.memory_space<vmem>>, vector<16xf32>,
          %parallel_loop3A_609 = tpu.vector_load_idx %arg6[%parallel_loop3A_544] : memref<35944xf32, #tpu.memory_space<vmem>>[vector<16xi32>], vector<16xf32>,
          %parallel_loop3A_610 = arith.mulf %parallel_loop3A_609, %parallel_loop3A_564 : vector<16xf32>
          %parallel_loop3A_611 = tpu.vector_load_idx %arg6[%parallel_loop3A_547] : memref<35944xf32, #tpu.memory_space<vmem>>[vector<16xi32>], vector<16xf32>,
          %parallel_loop3A_612 = arith.mulf %parallel_loop3A_611, %parallel_loop3A_565 : vector<16xf32>
          %parallel_loop3A_613 = arith.addf %parallel_loop3A_610, %parallel_loop3A_612 : vector<16xf32>
          %parallel_loop3A_614 = tpu.vector_load_idx %arg6[%parallel_loop3A_548] : memref<35944xf32, #tpu.memory_space<vmem>>[vector<16xi32>], vector<16xf32>,
          %parallel_loop3A_615 = arith.mulf %parallel_loop3A_614, %parallel_loop3A_566 : vector<16xf32>
          %parallel_loop3A_616 = arith.addf %parallel_loop3A_613, %parallel_loop3A_615 : vector<16xf32>
          %parallel_loop3A_617 = tpu.vector_load_idx %arg6[%parallel_loop3A_551] : memref<35944xf32, #tpu.memory_space<vmem>>[vector<16xi32>], vector<16xf32>,
          %parallel_loop3A_618 = arith.mulf %parallel_loop3A_617, %parallel_loop3A_567 : vector<16xf32>
          %parallel_loop3A_619 = arith.addf %parallel_loop3A_616, %parallel_loop3A_618 : vector<16xf32>
          %parallel_loop3A_620 = tpu.vector_load_idx %arg6[%parallel_loop3A_552] : memref<35944xf32, #tpu.memory_space<vmem>>[vector<16xi32>], vector<16xf32>,
          %parallel_loop3A_621 = arith.mulf %parallel_loop3A_620, %parallel_loop3A_568 : vector<16xf32>
          %parallel_loop3A_622 = arith.addf %parallel_loop3A_619, %parallel_loop3A_621 : vector<16xf32>
          %parallel_loop3A_623 = tpu.vector_load_idx %arg6[%parallel_loop3A_555] : memref<35944xf32, #tpu.memory_space<vmem>>[vector<16xi32>], vector<16xf32>,
          %parallel_loop3A_624 = arith.mulf %parallel_loop3A_623, %parallel_loop3A_569 : vector<16xf32>
          %parallel_loop3A_625 = arith.addf %parallel_loop3A_622, %parallel_loop3A_624 : vector<16xf32>
          %parallel_loop3A_626 = tpu.vector_load_idx %arg6[%parallel_loop3A_556] : memref<35944xf32, #tpu.memory_space<vmem>>[vector<16xi32>], vector<16xf32>,
          %parallel_loop3A_627 = arith.mulf %parallel_loop3A_626, %parallel_loop3A_570 : vector<16xf32>
          %parallel_loop3A_628 = arith.addf %parallel_loop3A_625, %parallel_loop3A_627 : vector<16xf32>
          %parallel_loop3A_629 = tpu.vector_load_idx %arg6[%parallel_loop3A_559] : memref<35944xf32, #tpu.memory_space<vmem>>[vector<16xi32>], vector<16xf32>,
          %parallel_loop3A_630 = arith.mulf %parallel_loop3A_629, %parallel_loop3A_571 : vector<16xf32>
          %parallel_loop3A_631 = arith.addf %parallel_loop3A_628, %parallel_loop3A_630 : vector<16xf32>
          %parallel_loop3A_632 = arith.constant 0 : i32
          %parallel_loop3A_633 = arith.constant 1 : i32
          %parallel_loop3A_634 = arith.constant 1 : i32
          %parallel_loop3A_635 = arith.constant 0 : i32
          %parallel_loop3A_636 = arith.constant 0 : i32
          %parallel_loop3A_637 = arith.constant 0 : i32
          %parallel_loop3A_638 = arith.constant 0 : i32
          %parallel_loop3A_639 = tpu.memref_slice %run_scoped3A_8[%rem3A_327, %parallel_loop3A_635, %parallel_loop3A_636, %parallel_loop3A_637, %parallel_loop3A_638] : memref<2x1x3x2x512xf32, #tpu.memory_space<vmem>> -> memref<1x1x3x2x512xf32, #tpu.memory_space<vmem>>
          %parallel_loop3A_640 = tpu.memref_squeeze %parallel_loop3A_639 : memref<1x1x3x2x512xf32, #tpu.memory_space<vmem>> -> memref<1x3x2x512xf32, #tpu.memory_space<vmem>>
          %parallel_loop3A_641 = arith.index_cast %parallel_loop3A_632 : i32 to index
          %parallel_loop3A_642 = arith.index_cast %parallel_loop3A_633 : i32 to index
          %parallel_loop3A_643 = arith.index_cast %parallel_loop3A_634 : i32 to index
          %parallel_loop3A_644 = arith.index_cast %parallel_loop3A_431 : i32 to index
          %parallel_loop3A_645 = tpu.vector_load %parallel_loop3A_640[%parallel_loop3A_641, %parallel_loop3A_642, %parallel_loop3A_643, %parallel_loop3A_644] {strides = array<i32>} : memref<1x3x2x512xf32, #tpu.memory_space<vmem>>, vector<16xf32>,
          tpu.vector_store %parallel_loop3A_640[%parallel_loop3A_641, %parallel_loop3A_642, %parallel_loop3A_643, %parallel_loop3A_644], %parallel_loop3A_631 {strides = array<i32>} : memref<1x3x2x512xf32, #tpu.memory_space<vmem>>, vector<16xf32>,
          %parallel_loop3A_646 = tpu.vector_load_idx %arg7[%parallel_loop3A_544] : memref<35944xf32, #tpu.memory_space<vmem>>[vector<16xi32>], vector<16xf32>,
          %parallel_loop3A_647 = arith.mulf %parallel_loop3A_646, %parallel_loop3A_564 : vector<16xf32>
          %parallel_loop3A_648 = tpu.vector_load_idx %arg7[%parallel_loop3A_547] : memref<35944xf32, #tpu.memory_space<vmem>>[vector<16xi32>], vector<16xf32>,
          %parallel_loop3A_649 = arith.mulf %parallel_loop3A_648, %parallel_loop3A_565 : vector<16xf32>
          %parallel_loop3A_650 = arith.addf %parallel_loop3A_647, %parallel_loop3A_649 : vector<16xf32>
          %parallel_loop3A_651 = tpu.vector_load_idx %arg7[%parallel_loop3A_548] : memref<35944xf32, #tpu.memory_space<vmem>>[vector<16xi32>], vector<16xf32>,
          %parallel_loop3A_652 = arith.mulf %parallel_loop3A_651, %parallel_loop3A_566 : vector<16xf32>
          %parallel_loop3A_653 = arith.addf %parallel_loop3A_650, %parallel_loop3A_652 : vector<16xf32>
          %parallel_loop3A_654 = tpu.vector_load_idx %arg7[%parallel_loop3A_551] : memref<35944xf32, #tpu.memory_space<vmem>>[vector<16xi32>], vector<16xf32>,
          %parallel_loop3A_655 = arith.mulf %parallel_loop3A_654, %parallel_loop3A_567 : vector<16xf32>
          %parallel_loop3A_656 = arith.addf %parallel_loop3A_653, %parallel_loop3A_655 : vector<16xf32>
          %parallel_loop3A_657 = tpu.vector_load_idx %arg7[%parallel_loop3A_552] : memref<35944xf32, #tpu.memory_space<vmem>>[vector<16xi32>], vector<16xf32>,
          %parallel_loop3A_658 = arith.mulf %parallel_loop3A_657, %parallel_loop3A_568 : vector<16xf32>
          %parallel_loop3A_659 = arith.addf %parallel_loop3A_656, %parallel_loop3A_658 : vector<16xf32>
          %parallel_loop3A_660 = tpu.vector_load_idx %arg7[%parallel_loop3A_555] : memref<35944xf32, #tpu.memory_space<vmem>>[vector<16xi32>], vector<16xf32>,
          %parallel_loop3A_661 = arith.mulf %parallel_loop3A_660, %parallel_loop3A_569 : vector<16xf32>
          %parallel_loop3A_662 = arith.addf %parallel_loop3A_659, %parallel_loop3A_661 : vector<16xf32>
          %parallel_loop3A_663 = tpu.vector_load_idx %arg7[%parallel_loop3A_556] : memref<35944xf32, #tpu.memory_space<vmem>>[vector<16xi32>], vector<16xf32>,
          %parallel_loop3A_664 = arith.mulf %parallel_loop3A_663, %parallel_loop3A_570 : vector<16xf32>
          %parallel_loop3A_665 = arith.addf %parallel_loop3A_662, %parallel_loop3A_664 : vector<16xf32>
          %parallel_loop3A_666 = tpu.vector_load_idx %arg7[%parallel_loop3A_559] : memref<35944xf32, #tpu.memory_space<vmem>>[vector<16xi32>], vector<16xf32>,
          %parallel_loop3A_667 = arith.mulf %parallel_loop3A_666, %parallel_loop3A_571 : vector<16xf32>
          %parallel_loop3A_668 = arith.addf %parallel_loop3A_665, %parallel_loop3A_667 : vector<16xf32>
          %parallel_loop3A_669 = arith.constant 0 : i32
          %parallel_loop3A_670 = arith.constant 2 : i32
          %parallel_loop3A_671 = arith.constant 1 : i32
          %parallel_loop3A_672 = arith.constant 0 : i32
          %parallel_loop3A_673 = arith.constant 0 : i32
          %parallel_loop3A_674 = arith.constant 0 : i32
          %parallel_loop3A_675 = arith.constant 0 : i32
          %parallel_loop3A_676 = tpu.memref_slice %run_scoped3A_8[%rem3A_327, %parallel_loop3A_672, %parallel_loop3A_673, %parallel_loop3A_674, %parallel_loop3A_675] : memref<2x1x3x2x512xf32, #tpu.memory_space<vmem>> -> memref<1x1x3x2x512xf32, #tpu.memory_space<vmem>>
          %parallel_loop3A_677 = tpu.memref_squeeze %parallel_loop3A_676 : memref<1x1x3x2x512xf32, #tpu.memory_space<vmem>> -> memref<1x3x2x512xf32, #tpu.memory_space<vmem>>
          %parallel_loop3A_678 = arith.index_cast %parallel_loop3A_669 : i32 to index
          %parallel_loop3A_679 = arith.index_cast %parallel_loop3A_670 : i32 to index
          %parallel_loop3A_680 = arith.index_cast %parallel_loop3A_671 : i32 to index
          %parallel_loop3A_681 = arith.index_cast %parallel_loop3A_431 : i32 to index
          %parallel_loop3A_682 = tpu.vector_load %parallel_loop3A_677[%parallel_loop3A_678, %parallel_loop3A_679, %parallel_loop3A_680, %parallel_loop3A_681] {strides = array<i32>} : memref<1x3x2x512xf32, #tpu.memory_space<vmem>>, vector<16xf32>,
          tpu.vector_store %parallel_loop3A_677[%parallel_loop3A_678, %parallel_loop3A_679, %parallel_loop3A_680, %parallel_loop3A_681], %parallel_loop3A_668 {strides = array<i32>} : memref<1x3x2x512xf32, #tpu.memory_space<vmem>>, vector<16xf32>,
        } {sc.loop_unroll_factor = 2 : i64, sc.parallel_access}
        "tpu.trace_stop"() : () -> ()
        %ne3A_333 = arith.cmpi ne, %add3A_213, %add3A_249 : i32
        %ne3A_334 = arith.cmpi ne, %add3A_214, %add3A_250 : i32
        %or3A_335 = arith.constant false
        %or3A_336 = arith.ori %or3A_335, %ne3A_333 : i1
        %or3A_337 = arith.constant false
        %or3A_338 = arith.ori %or3A_336, %or3A_337 : i1
        %or3A_339 = arith.ori %or3A_338, %ne3A_334 : i1
        %or3A_340 = arith.constant false
        %or3A_341 = arith.ori %or3A_339, %or3A_340 : i1
        %or3A_342 = arith.ori %or3A_341, %eq3A_211 : i1
        %convert_element_type3A_343 = arith.extui %or3A_342 : i1 to i32
        %cond3A_344 = arith.constant 0 : i32
        %cond3A_345 = arith.cmpi ne, %convert_element_type3A_343, %cond3A_344 : i32
        scf.if %cond3A_345 {
        } else {
        }
        %and3A_346 = arith.constant false
        %and3A_347 = arith.andi %or3A_342, %and3A_346 : i1
        %ne3A_348 = arith.cmpi ne, %add3A_213, %add3A_249 : i32
        %ne3A_349 = arith.cmpi ne, %add3A_214, %add3A_250 : i32
        %or3A_350 = arith.constant false
        %or3A_351 = arith.ori %or3A_350, %ne3A_348 : i1
        %or3A_352 = arith.constant false
        %or3A_353 = arith.ori %or3A_351, %or3A_352 : i1
        %or3A_354 = arith.ori %or3A_353, %ne3A_349 : i1
        %or3A_355 = arith.constant false
        %or3A_356 = arith.ori %or3A_354, %or3A_355 : i1
        %or3A_357 = arith.ori %or3A_356, %eq3A_211 : i1
        %convert_element_type3A_358 = arith.extui %or3A_357 : i1 to i32
        %cond3A_359 = arith.constant 0 : i32
        %cond3A_360 = arith.cmpi ne, %convert_element_type3A_358, %cond3A_359 : i32
        scf.if %cond3A_360 {
          "tpu.trace_start"() <{level = 10 : i32, message = "ep_copy_out"}> : () -> ()
          %rem3A_431 = arith.constant 2 : i32
          %rem3A_432 = arith.remui %scan3A_204, %rem3A_431 : i32
          %mul3A_433 = arith.constant 1 : i32
          %mul3A_434 = arith.muli %mul3A_433, %add3A_213 : i32
          %mul3A_435 = arith.constant 2 : i32
          %mul3A_436 = arith.muli %mul3A_435, %add3A_214 : i32
          %dma_start3A_437 = arith.constant 0 : i32
          %dma_start3A_438 = arith.constant 0 : i32
          %dma_start3A_439 = arith.constant 0 : i32
          %dma_start3A_440 = arith.constant 0 : i32
          %dma_start3A_441 = tpu.memref_slice %run_scoped3A_8[%rem3A_432, %dma_start3A_437, %dma_start3A_438, %dma_start3A_439, %dma_start3A_440] : memref<2x1x3x2x512xf32, #tpu.memory_space<vmem>> -> memref<1x1x3x2x512xf32, #tpu.memory_space<vmem>>
          %dma_start3A_442 = tpu.memref_squeeze %dma_start3A_441 : memref<1x1x3x2x512xf32, #tpu.memory_space<vmem>> -> memref<1x3x2x512xf32, #tpu.memory_space<vmem>>
          %dma_start3A_443 = arith.constant 0 : i32
          %dma_start3A_444 = arith.constant 0 : i32
          %dma_start3A_445 = tpu.memref_slice %arg4[%mul3A_434, %dma_start3A_443, %mul3A_436, %dma_start3A_444] : memref<16x3x512x512xf32, #tpu.memory_space<hbm>> -> memref<1x3x2x512xf32, #tpu.memory_space<hbm>>
          %dma_start3A_446 = tpu.memref_slice %run_scoped3A_9[%rem3A_432] : memref<2x!tpu.dma_semaphore, #tpu.memory_space<semaphore_mem>> -> memref<1x!tpu.dma_semaphore, #tpu.memory_space<semaphore_mem>>
          %dma_start3A_447 = tpu.memref_squeeze %dma_start3A_446 : memref<1x!tpu.dma_semaphore, #tpu.memory_space<semaphore_mem>> -> memref<!tpu.dma_semaphore, #tpu.memory_space<semaphore_mem>>
          %dma_start3A_448 = arith.constant 0 : i32
          %dma_start3A_449 = arith.constant 0 : i32
          %dma_start3A_450 = tpu.memref_slice %arg4[%mul3A_434, %dma_start3A_448, %mul3A_436, %dma_start3A_449] : memref<16x3x512x512xf32, #tpu.memory_space<hbm>> -> memref<1x3x2x512xf32, #tpu.memory_space<hbm>>
          %dma_start3A_451 = arith.constant 0 : i32
          %dma_start3A_452 = arith.constant 0 : i32
          %dma_start3A_453 = arith.constant 0 : i32
          %dma_start3A_454 = arith.constant 0 : i32
          %dma_start3A_455 = tpu.memref_slice %run_scoped3A_8[%rem3A_432, %dma_start3A_451, %dma_start3A_452, %dma_start3A_453, %dma_start3A_454] : memref<2x1x3x2x512xf32, #tpu.memory_space<vmem>> -> memref<1x1x3x2x512xf32, #tpu.memory_space<vmem>>
          %dma_start3A_456 = tpu.memref_squeeze %dma_start3A_455 : memref<1x1x3x2x512xf32, #tpu.memory_space<vmem>> -> memref<1x3x2x512xf32, #tpu.memory_space<vmem>>
          tpu.enqueue_dma source(%dma_start3A_456 : memref<1x3x2x512xf32, #tpu.memory_space<vmem>>) target(%dma_start3A_450 : memref<1x3x2x512xf32, #tpu.memory_space<hbm>>) target_semaphore(%dma_start3A_447 : memref<!tpu.dma_semaphore, #tpu.memory_space<semaphore_mem>>)
          "tpu.trace_stop"() : () -> ()
        } else {
        }
        %and3A_361 = arith.constant true
        %and3A_362 = arith.andi %or3A_357, %and3A_361 : i1
        %add3A_363 = arith.constant 1 : i32
        %add3A_364 = arith.addi %scan3A_204, %add3A_363 : i32
        %select_n3A_365 = arith.select %and3A_362, %add3A_364, %scan3A_204 : i32
        %ne3A_366 = arith.cmpi ne, %add3A_213, %add3A_231 : i32
        %ne3A_367 = arith.cmpi ne, %add3A_214, %add3A_232 : i32
        %or3A_368 = arith.constant false
        %or3A_369 = arith.ori %or3A_368, %ne3A_366 : i1
        %or3A_370 = arith.constant false
        %or3A_371 = arith.ori %or3A_369, %or3A_370 : i1
        %or3A_372 = arith.ori %or3A_371, %ne3A_367 : i1
        %or3A_373 = arith.constant false
        %or3A_374 = arith.ori %or3A_372, %or3A_373 : i1
        %not3A_375 = arith.constant true
        %not3A_376 = arith.xori %eq3A_209, %not3A_375 : i1
        %and3A_377 = arith.andi %or3A_374, %not3A_376 : i1
        %convert_element_type3A_378 = arith.extui %and3A_377 : i1 to i32
        %cond3A_379 = arith.constant 0 : i32
        %cond3A_380 = arith.cmpi ne, %convert_element_type3A_378, %cond3A_379 : i32
        scf.if %cond3A_380 {
        } else {
        }
        %and3A_381 = arith.constant false
        %and3A_382 = arith.andi %and3A_377, %and3A_381 : i1
        %ne3A_383 = arith.cmpi ne, %add3A_213, %add3A_231 : i32
        %ne3A_384 = arith.cmpi ne, %add3A_214, %add3A_232 : i32
        %or3A_385 = arith.constant false
        %or3A_386 = arith.ori %or3A_385, %ne3A_383 : i1
        %or3A_387 = arith.constant false
        %or3A_388 = arith.ori %or3A_386, %or3A_387 : i1
        %or3A_389 = arith.ori %or3A_388, %ne3A_384 : i1
        %or3A_390 = arith.constant false
        %or3A_391 = arith.ori %or3A_389, %or3A_390 : i1
        %not3A_392 = arith.constant true
        %not3A_393 = arith.xori %eq3A_209, %not3A_392 : i1
        %and3A_394 = arith.andi %or3A_391, %not3A_393 : i1
        %convert_element_type3A_395 = arith.extui %and3A_394 : i1 to i32
        %cond3A_396 = arith.constant 0 : i32
        %cond3A_397 = arith.cmpi ne, %convert_element_type3A_395, %cond3A_396 : i32
        scf.if %cond3A_397 {
          "tpu.trace_start"() <{level = 10 : i32, message = "ep_wait_out"}> : () -> ()
          %rem3A_431 = arith.constant 2 : i32
          %rem3A_432 = arith.remui %scan3A_205, %rem3A_431 : i32
          %mul3A_433 = arith.constant 1 : i32
          %mul3A_434 = arith.muli %mul3A_433, %add3A_231 : i32
          %mul3A_435 = arith.constant 2 : i32
          %mul3A_436 = arith.muli %mul3A_435, %add3A_232 : i32
          %dma_wait3A_437 = arith.constant 0 : i32
          %dma_wait3A_438 = arith.constant 0 : i32
          %dma_wait3A_439 = arith.constant 0 : i32
          %dma_wait3A_440 = arith.constant 0 : i32
          %dma_wait3A_441 = tpu.memref_slice %run_scoped3A_8[%rem3A_432, %dma_wait3A_437, %dma_wait3A_438, %dma_wait3A_439, %dma_wait3A_440] : memref<2x1x3x2x512xf32, #tpu.memory_space<vmem>> -> memref<1x1x3x2x512xf32, #tpu.memory_space<vmem>>
          %dma_wait3A_442 = tpu.memref_squeeze %dma_wait3A_441 : memref<1x1x3x2x512xf32, #tpu.memory_space<vmem>> -> memref<1x3x2x512xf32, #tpu.memory_space<vmem>>
          %dma_wait3A_443 = arith.constant 0 : i32
          %dma_wait3A_444 = arith.constant 0 : i32
          %dma_wait3A_445 = tpu.memref_slice %arg4[%mul3A_434, %dma_wait3A_443, %mul3A_436, %dma_wait3A_444] : memref<16x3x512x512xf32, #tpu.memory_space<hbm>> -> memref<1x3x2x512xf32, #tpu.memory_space<hbm>>
          %dma_wait3A_446 = tpu.memref_slice %run_scoped3A_9[%rem3A_432] : memref<2x!tpu.dma_semaphore, #tpu.memory_space<semaphore_mem>> -> memref<1x!tpu.dma_semaphore, #tpu.memory_space<semaphore_mem>>
          %dma_wait3A_447 = tpu.memref_squeeze %dma_wait3A_446 : memref<1x!tpu.dma_semaphore, #tpu.memory_space<semaphore_mem>> -> memref<!tpu.dma_semaphore, #tpu.memory_space<semaphore_mem>>
          %dma_wait3A_448 = arith.constant 0 : i32
          %dma_wait3A_449 = arith.constant 0 : i32
          %dma_wait3A_450 = tpu.memref_slice %arg4[%mul3A_434, %dma_wait3A_448, %mul3A_436, %dma_wait3A_449] : memref<16x3x512x512xf32, #tpu.memory_space<hbm>> -> memref<1x3x2x512xf32, #tpu.memory_space<hbm>>
          %dma_wait3A_451 = arith.constant 0 : i32
          %dma_wait3A_452 = arith.constant 0 : i32
          %dma_wait3A_453 = arith.constant 0 : i32
          %dma_wait3A_454 = arith.constant 0 : i32
          %dma_wait3A_455 = tpu.memref_slice %run_scoped3A_8[%rem3A_432, %dma_wait3A_451, %dma_wait3A_452, %dma_wait3A_453, %dma_wait3A_454] : memref<2x1x3x2x512xf32, #tpu.memory_space<vmem>> -> memref<1x1x3x2x512xf32, #tpu.memory_space<vmem>>
          %dma_wait3A_456 = tpu.memref_squeeze %dma_wait3A_455 : memref<1x1x3x2x512xf32, #tpu.memory_space<vmem>> -> memref<1x3x2x512xf32, #tpu.memory_space<vmem>>
          tpu.wait_dma2 semaphore(%dma_wait3A_447 : memref<!tpu.dma_semaphore, #tpu.memory_space<semaphore_mem>>) src(%dma_wait3A_456 : memref<1x3x2x512xf32, #tpu.memory_space<vmem>>) dst(%dma_wait3A_450 : memref<1x3x2x512xf32, #tpu.memory_space<hbm>>)
          "tpu.trace_stop"() : () -> ()
        } else {
        }
        %and3A_398 = arith.constant true
        %and3A_399 = arith.andi %and3A_394, %and3A_398 : i1
        %add3A_400 = arith.constant 1 : i32
        %add3A_401 = arith.addi %scan3A_205, %add3A_400 : i32
        %select_n3A_402 = arith.select %and3A_399, %add3A_401, %scan3A_205 : i32
        %ne3A_403 = arith.cmpi ne, %add3A_213, %add3A_249 : i32
        %ne3A_404 = arith.cmpi ne, %add3A_214, %add3A_250 : i32
        %or3A_405 = arith.constant false
        %or3A_406 = arith.ori %or3A_405, %ne3A_403 : i1
        %or3A_407 = arith.constant false
        %or3A_408 = arith.ori %or3A_406, %or3A_407 : i1
        %or3A_409 = arith.ori %or3A_408, %ne3A_404 : i1
        %or3A_410 = arith.constant false
        %or3A_411 = arith.ori %or3A_409, %or3A_410 : i1
        %or3A_412 = arith.ori %or3A_411, %eq3A_211 : i1
        %add3A_413 = arith.constant 1 : i32
        %add3A_414 = arith.addi %scan3A_203, %add3A_413 : i32
        %select_n3A_415 = arith.select %or3A_412, %add3A_414, %scan3A_203 : i32
        %add3A_416 = arith.constant 1 : i32
        %add3A_417 = arith.addi %scan3A_207, %add3A_416 : i32
        %select_n3A_418 = arith.constant true
        %select_n3A_419 = arith.select %select_n3A_418, %add3A_417, %scan3A_207 : i32
        %eq3A_420 = arith.constant 8 : i32
        %eq3A_421 = arith.cmpi eq, %select_n3A_419, %eq3A_420 : i32
        %select_n3A_422 = arith.constant 0 : i32
        %select_n3A_423 = arith.select %eq3A_421, %select_n3A_422, %select_n3A_419 : i32
        %add3A_424 = arith.constant 1 : i32
        %add3A_425 = arith.addi %scan3A_206, %add3A_424 : i32
        %select_n3A_426 = arith.select %eq3A_421, %add3A_425, %scan3A_206 : i32
        %eq3A_427 = arith.constant 16 : i32
        %eq3A_428 = arith.cmpi eq, %select_n3A_426, %eq3A_427 : i32
        %select_n3A_429 = arith.constant 0 : i32
        %select_n3A_430 = arith.select %eq3A_428, %select_n3A_429, %select_n3A_426 : i32
        scf.yield %select_n3A_283, %select_n3A_415, %select_n3A_365, %select_n3A_402, %select_n3A_430, %select_n3A_423 : i32, i32, i32, i32, i32, i32
      }
      %scan3A_104 = arith.constant 128 : i32
      %sub3A = arith.constant 1 : i32
      %sub3A_105 = arith.subi %scan3A_103#5, %sub3A : i32
      %select_n3A_106 = arith.constant true
      %select_n3A_107 = arith.select %select_n3A_106, %sub3A_105, %scan3A_103#5 : i32
      %eq3A_108 = arith.constant -1 : i32
      %eq3A_109 = arith.cmpi eq, %select_n3A_107, %eq3A_108 : i32
      %select_n3A_110 = arith.constant 7 : i32
      %select_n3A_111 = arith.select %eq3A_109, %select_n3A_110, %select_n3A_107 : i32
      %sub3A_112 = arith.constant 1 : i32
      %sub3A_113 = arith.subi %scan3A_103#4, %sub3A_112 : i32
      %select_n3A_114 = arith.select %eq3A_109, %sub3A_113, %scan3A_103#4 : i32
      %eq3A_115 = arith.constant -1 : i32
      %eq3A_116 = arith.cmpi eq, %select_n3A_114, %eq3A_115 : i32
      %select_n3A_117 = arith.constant 15 : i32
      %select_n3A_118 = arith.select %eq3A_116, %select_n3A_117, %select_n3A_114 : i32
      %add3A_119 = arith.constant 0 : i32
      %add3A_120 = arith.addi %select_n3A_118, %add3A_119 : i32
      %add3A_121 = arith.addi %select_n3A_111, %mul3A_6 : i32
      %sub3A_122 = arith.constant 1 : i32
      %sub3A_123 = arith.subi %select_n3A_111, %sub3A_122 : i32
      %select_n3A_124 = arith.constant true
      %select_n3A_125 = arith.select %select_n3A_124, %sub3A_123, %select_n3A_111 : i32
      %eq3A_126 = arith.constant -1 : i32
      %eq3A_127 = arith.cmpi eq, %select_n3A_125, %eq3A_126 : i32
      %select_n3A_128 = arith.constant 7 : i32
      %select_n3A_129 = arith.select %eq3A_127, %select_n3A_128, %select_n3A_125 : i32
      %sub3A_130 = arith.constant 1 : i32
      %sub3A_131 = arith.subi %select_n3A_118, %sub3A_130 : i32
      %select_n3A_132 = arith.select %eq3A_127, %sub3A_131, %select_n3A_118 : i32
      %eq3A_133 = arith.constant -1 : i32
      %eq3A_134 = arith.cmpi eq, %select_n3A_132, %eq3A_133 : i32
      %select_n3A_135 = arith.constant 15 : i32
      %select_n3A_136 = arith.select %eq3A_134, %select_n3A_135, %select_n3A_132 : i32
      %add3A_137 = arith.constant 0 : i32
      %add3A_138 = arith.addi %select_n3A_136, %add3A_137 : i32
      %add3A_139 = arith.addi %select_n3A_129, %mul3A_6 : i32
      %add3A_140 = arith.constant 1 : i32
      %add3A_141 = arith.addi %select_n3A_111, %add3A_140 : i32
      %select_n3A_142 = arith.constant true
      %select_n3A_143 = arith.select %select_n3A_142, %add3A_141, %select_n3A_111 : i32
      %eq3A_144 = arith.constant 8 : i32
      %eq3A_145 = arith.cmpi eq, %select_n3A_143, %eq3A_144 : i32
      %select_n3A_146 = arith.constant 0 : i32
      %select_n3A_147 = arith.select %eq3A_145, %select_n3A_146, %select_n3A_143 : i32
      %add3A_148 = arith.constant 1 : i32
      %add3A_149 = arith.addi %select_n3A_118, %add3A_148 : i32
      %select_n3A_150 = arith.select %eq3A_145, %add3A_149, %select_n3A_118 : i32
      %eq3A_151 = arith.constant 16 : i32
      %eq3A_152 = arith.cmpi eq, %select_n3A_150, %eq3A_151 : i32
      %select_n3A_153 = arith.constant 0 : i32
      %select_n3A_154 = arith.select %eq3A_152, %select_n3A_153, %select_n3A_150 : i32
      %add3A_155 = arith.constant 0 : i32
      %add3A_156 = arith.addi %select_n3A_154, %add3A_155 : i32
      %add3A_157 = arith.addi %select_n3A_147, %mul3A_6 : i32
      %add3A_158 = arith.constant 1 : i32
      %add3A_159 = arith.addi %select_n3A_147, %add3A_158 : i32
      %select_n3A_160 = arith.constant true
      %select_n3A_161 = arith.select %select_n3A_160, %add3A_159, %select_n3A_147 : i32
      %eq3A_162 = arith.constant 8 : i32
      %eq3A_163 = arith.cmpi eq, %select_n3A_161, %eq3A_162 : i32
      %select_n3A_164 = arith.constant 0 : i32
      %select_n3A_165 = arith.select %eq3A_163, %select_n3A_164, %select_n3A_161 : i32
      %add3A_166 = arith.constant 1 : i32
      %add3A_167 = arith.addi %select_n3A_154, %add3A_166 : i32
      %select_n3A_168 = arith.select %eq3A_163, %add3A_167, %select_n3A_154 : i32
      %eq3A_169 = arith.constant 16 : i32
      %eq3A_170 = arith.cmpi eq, %select_n3A_168, %eq3A_169 : i32
      %select_n3A_171 = arith.constant 0 : i32
      %select_n3A_172 = arith.select %eq3A_170, %select_n3A_171, %select_n3A_168 : i32
      %add3A_173 = arith.constant 0 : i32
      %add3A_174 = arith.addi %select_n3A_172, %add3A_173 : i32
      %add3A_175 = arith.addi %select_n3A_165, %mul3A_6 : i32
      "tpu.trace_start"() <{level = 10 : i32, message = "ep_finalize"}> : () -> ()
      %rem3A_176 = arith.constant 2 : i32
      %rem3A_177 = arith.remui %scan3A_103#3, %rem3A_176 : i32
      %mul3A_178 = arith.constant 1 : i32
      %mul3A_179 = arith.muli %mul3A_178, %add3A_120 : i32
      %mul3A_180 = arith.constant 2 : i32
      %mul3A_181 = arith.muli %mul3A_180, %add3A_121 : i32
      %dma_wait3A = arith.constant 0 : i32
      %dma_wait3A_182 = arith.constant 0 : i32
      %dma_wait3A_183 = arith.constant 0 : i32
      %dma_wait3A_184 = arith.constant 0 : i32
      %dma_wait3A_185 = tpu.memref_slice %run_scoped3A_8[%rem3A_177, %dma_wait3A, %dma_wait3A_182, %dma_wait3A_183, %dma_wait3A_184] : memref<2x1x3x2x512xf32, #tpu.memory_space<vmem>> -> memref<1x1x3x2x512xf32, #tpu.memory_space<vmem>>
      %dma_wait3A_186 = tpu.memref_squeeze %dma_wait3A_185 : memref<1x1x3x2x512xf32, #tpu.memory_space<vmem>> -> memref<1x3x2x512xf32, #tpu.memory_space<vmem>>
      %dma_wait3A_187 = arith.constant 0 : i32
      %dma_wait3A_188 = arith.constant 0 : i32
      %dma_wait3A_189 = tpu.memref_slice %arg4[%mul3A_179, %dma_wait3A_187, %mul3A_181, %dma_wait3A_188] : memref<16x3x512x512xf32, #tpu.memory_space<hbm>> -> memref<1x3x2x512xf32, #tpu.memory_space<hbm>>
      %dma_wait3A_190 = tpu.memref_slice %run_scoped3A_9[%rem3A_177] : memref<2x!tpu.dma_semaphore, #tpu.memory_space<semaphore_mem>> -> memref<1x!tpu.dma_semaphore, #tpu.memory_space<semaphore_mem>>
      %dma_wait3A_191 = tpu.memref_squeeze %dma_wait3A_190 : memref<1x!tpu.dma_semaphore, #tpu.memory_space<semaphore_mem>> -> memref<!tpu.dma_semaphore, #tpu.memory_space<semaphore_mem>>
      %dma_wait3A_192 = arith.constant 0 : i32
      %dma_wait3A_193 = arith.constant 0 : i32
      %dma_wait3A_194 = tpu.memref_slice %arg4[%mul3A_179, %dma_wait3A_192, %mul3A_181, %dma_wait3A_193] : memref<16x3x512x512xf32, #tpu.memory_space<hbm>> -> memref<1x3x2x512xf32, #tpu.memory_space<hbm>>
      %dma_wait3A_195 = arith.constant 0 : i32
      %dma_wait3A_196 = arith.constant 0 : i32
      %dma_wait3A_197 = arith.constant 0 : i32
      %dma_wait3A_198 = arith.constant 0 : i32
      %dma_wait3A_199 = tpu.memref_slice %run_scoped3A_8[%rem3A_177, %dma_wait3A_195, %dma_wait3A_196, %dma_wait3A_197, %dma_wait3A_198] : memref<2x1x3x2x512xf32, #tpu.memory_space<vmem>> -> memref<1x1x3x2x512xf32, #tpu.memory_space<vmem>>
      %dma_wait3A_200 = tpu.memref_squeeze %dma_wait3A_199 : memref<1x1x3x2x512xf32, #tpu.memory_space<vmem>> -> memref<1x3x2x512xf32, #tpu.memory_space<vmem>>
      tpu.wait_dma2 semaphore(%dma_wait3A_191 : memref<!tpu.dma_semaphore, #tpu.memory_space<semaphore_mem>>) src(%dma_wait3A_200 : memref<1x3x2x512xf32, #tpu.memory_space<vmem>>) dst(%dma_wait3A_194 : memref<1x3x2x512xf32, #tpu.memory_space<hbm>>)
      "tpu.trace_stop"() : () -> ()
      tpu.yield
    }) : () -> ()
    return
  }
}

</mosaic_0001>

<sc_bundles>
// kernel: kernel.3.cloned.1.call-start
scs
__scs_entry_jumppad:
0x0: {  	(pc) =	sbr.rel $0x88, $3  }
0x1: {  	(tag) =	ssettag $0x0;
	lr =	simm.s32 $0x1  }
0x2: {  	[smem:$0x3F9F] =	sst lr;
	_ =	strace $0xD0000000  }
0x3: {  	_ = 	snop  }
0x4: {  	_ = 	snop  }
0x5: {  	_ = 	snop  }
0x6: {  	_ = 	snop  }
0x7: {  	_ = 	snop  }
__scs_overlays_trampoline_lowered:
0x8: {  	[smem:$0x3FAE] =	sst s0  }
0x9: {  	[smem:$0x3FAF] =	sst s1  }
0xa: {  	[smem:$0x3FB0] =	sst s2  }
0xb: {  	[smem:$0x3FB1] =	sst s3  }
0xc: {  	[smem:$0x3FB2] =	sst s4  }
0xd: {  	[smem:$0x3FB3] =	sst s5  }
0xe: {  	[smem:$0x3FB4] =	sst s6  }
0xf: {  	[smem:$0x3FB5] =	sst s7  }
0x10: {  	[smem:$0x3FB6] =	sst s8  }
0x11: {  	[smem:$0x3FB7] =	sst s9;
	s0 =	simm.s32 @!p0 $0x0  }
0x12: {  	s1 =	sld [smem:$0x3F9D];
	s0 =	simm.s32 @p0 $0x1  }
0x13: {  	[smem:$0x3FB8] =	sst s0;
	s0 =	simm.s32 @!p1 $0x0  }
0x14: {  	s2 =	sld [smem:$0x3F9C];
	s0 =	simm.s32 @p1 $0x1  }
0x15: {  	[smem:$0x3FB9] =	sst s0;
	s0 =	simm.s32 @!p2 $0x0  }
0x16: {  	s3 =	sld [smem:$0x3FDB];
	s0 =	simm.s32 @p2 $0x1  }
0x17: {  	s4 =	simm.s32 $0x1BF5;
	[smem:$0x3FBB] =	sst s0  }
0x18: {  	s0 =	sld [smem:$0x3F9E];
	_ =	swait.ge [sflag:s4], $0x0  }
0x19: {  	s7 =	sld [smem:$0x3F9F]  }
0x1a: {  	s8 =	sadd.s32 $0xFFFFE003, lr  }
0x1b: {  	s9 =	sadd.s32 $0xFFFFFEF7, lr;
	s5 =	simm.s32 $0xFFFFFFFF;
	p2 =	slt.u32 s8, $0xFFFFF086  }
0x1c: {  	p1 =	slt.u32 s9, $0xF7A;
	s5 =	simm.s32 @!p2 $0x0  }
0x1d: {  	s5 =	simm.s32 @p1 $0x1;
	p0 =	seq.s32 s7, s2  }
0x1e: {  	s7 =	smul.u32 @!p0 $0xF7A, s2;
	p2 =	seq.s32 @!p0 s5, $0x0  }
0x1f: {  	s9 =	smul.u32 $0xF7A, s1;
	s8 =	simm.s32 @!p0 $0x1BF5;
	p2 =	por !p2, p0  }
0x20: {  	[sflag:s8] =	ssyncset.s32 @!p0 $0xFFFFF086;
	s6 =	sadd.s32 @!p0 s3, s7;
	s7 =	simm.s32 @!p0 $0x108  }
0x21: {  	s3 =	sadd.s32 s3, s9;
	s6 =	sadd.s32 @!p0 $0x88, s6;
	s7 =	simm.s32 @p2 $0x1082  }
0x22: {  	[simem:s7], [sflag:s8] =	dma.local @!p0 [hbm:s6], $0xF7A  }
0x23: {  	s9 =	sor.u32 $0xD0000000, s2;
	s6 =	simm.s32 $0x108;
	_ =	swait.ge @!p0 [sflag:s8], $0x0  }
0x24: {  	s3 =	sadd.s32 $0x88, s3;
	s6 =	simm.s32 @!p1 $0x1082;
	[sflag:s4] =	ssyncset.s32 $0xFFFFF086  }
0x25: {  	[simem:s6], [sflag:s4] =	dma.local [hbm:s3], $0xF7A  }
0x26: {  	[smem:$0x3F9F] =	sst s1;
	(tag) =	ssettag s2;
	_ =	strace s9  }
0x27: {  	s1 =	sld [smem:$0x3FAF]  }
0x28: {  	s2 =	sld [smem:$0x3FB0]  }
0x29: {  	s4 =	sld [smem:$0x3FB2]  }
0x2a: {  	p0 =	seq.s32 s5, $0x0;
	s5 =	sld [smem:$0x3FB3]  }
0x2b: {  	s6 =	sld [smem:$0x3FB4]  }
0x2c: {  	s7 =	sld [smem:$0x3FB5]  }
0x2d: {  	s3 =	simm.s32 $0x108;
	s8 =	sld [smem:$0x3FB6]  }
0x2e: {  	s3 =	simm.s32 @!p0 $0x1082;
	s9 =	sld [smem:$0x3FB7]  }
0x2f: {  	lr =	sadd.s32 s0, s3;
	s0 =	sld [smem:$0x3FAE]  }
0x30: {  	s3 =	sld [smem:$0x3FB1]  }
0x31: {  	[smem:$0x3FBA] =	sst s10  }
0x32: {  	s10 =	sld [smem:$0x3FB8];
	_ =	sdelay $0x3  }
0x33: {  	p0 =	seq.s32 s10, $0x1;
	s10 =	sld [smem:$0x3FBA];
	_ =	sdelay $0x3  }
0x34: {  	[smem:$0x3FBA] =	sst s10  }
0x35: {  	s10 =	sld [smem:$0x3FB9];
	_ =	sdelay $0x3  }
0x36: {  	p1 =	seq.s32 s10, $0x1;
	s10 =	sld [smem:$0x3FBA];
	_ =	sdelay $0x3  }
0x37: {  	[smem:$0x3FBA] =	sst s10  }
0x38: {  	s10 =	sld [smem:$0x3FBB]  }
0x39: {  	_ = 	snop;
	(pc) =	sbr.ind lr, $3  }
0x3a: {  	_ = 	snop  }
0x3b: {  	_ = 	snop  }
0x3c: {  	p2 =	seq.s32 s10, $0x1;
	s10 =	sld [smem:$0x3FBA]  }
0x3d: {  	_ =	shalt  }
0x3e: {  	_ =	shalt  }
0x3f: {  	_ =	shalt  }
0x40: {  	_ =	shalt  }
0x41: {  	_ =	shalt  }
0x42: {  	_ =	shalt  }
0x43: {  	_ =	shalt  }
0x44: {  	_ =	shalt  }
0x45: {  	_ =	shalt  }
0x46: {  	_ =	shalt  }
0x47: {  	_ =	shalt  }
0x48: {  	_ =	shalt  }
0x49: {  	_ =	shalt  }
0x4a: {  	_ =	shalt  }
0x4b: {  	_ =	shalt  }
0x4c: {  	_ =	shalt  }
0x4d: {  	_ =	shalt  }
0x4e: {  	_ =	shalt  }
0x4f: {  	_ =	shalt  }
0x50: {  	_ =	shalt  }
0x51: {  	_ =	shalt  }
0x52: {  	_ =	shalt  }
0x53: {  	_ =	shalt  }
0x54: {  	_ =	shalt  }
0x55: {  	_ =	shalt  }
0x56: {  	_ =	shalt  }
0x57: {  	_ =	shalt  }
0x58: {  	_ =	shalt  }
0x59: {  	_ =	shalt  }
0x5a: {  	_ =	shalt  }
0x5b: {  	_ =	shalt  }
0x5c: {  	_ =	shalt  }
0x5d: {  	_ =	shalt  }
0x5e: {  	_ =	shalt  }
0x5f: {  	_ =	shalt  }
0x60: {  	_ =	shalt  }
0x61: {  	_ =	shalt  }
0x62: {  	_ =	shalt  }
0x63: {  	_ =	shalt  }
0x64: {  	_ =	shalt  }
0x65: {  	_ =	shalt  }
0x66: {  	_ =	shalt  }
0x67: {  	_ =	shalt  }
0x68: {  	_ =	shalt  }
0x69: {  	_ =	shalt  }
0x6a: {  	_ =	shalt  }
0x6b: {  	_ =	shalt  }
0x6c: {  	_ =	shalt  }
0x6d: {  	_ =	shalt  }
0x6e: {  	_ =	shalt  }
0x6f: {  	_ =	shalt  }
0x70: {  	_ =	shalt  }
0x71: {  	_ =	shalt  }
0x72: {  	_ =	shalt  }
0x73: {  	_ =	shalt  }
0x74: {  	_ =	shalt  }
0x75: {  	_ =	shalt  }
0x76: {  	_ =	shalt  }
0x77: {  	_ =	shalt  }
0x78: {  	_ =	shalt  }
0x79: {  	_ =	shalt  }
0x7a: {  	_ =	shalt  }
0x7b: {  	_ =	shalt  }
0x7c: {  	_ =	shalt  }
0x7d: {  	_ =	shalt  }
0x7e: {  	_ =	shalt  }
0x7f: {  	_ =	shalt  }
0x80: {  	_ =	shalt  }
0x81: {  	_ =	shalt  }
0x82: {  	_ =	shalt  }
0x83: {  	_ =	shalt  }
0x84: {  	_ =	shalt  }
0x85: {  	_ =	shalt  }
0x86: {  	_ =	shalt  }
0x87: {  	_ =	shalt  }
.Lfunc_end0:
.L_simem_size_0:
called_computation_lowered:
.L_overlay_start_0:
0x88: {  	s2 =	sld [smem:$0x3FD9]  }
0x89: {  	s3 =	sld [smem:$0x3FFE];
	_ =	sdelay $0x1  }
0x8a: {  	s1 =	srdreg.scid  }
0x8b: {  	s0 =	sand.u32 $0x1, s1  }
0x8c: {  	s17 =	sshll.u32 s0, $0xA;
	s2 =	sadd.s32 s3, s2  }
0x8d: {  	s2 =	sadd.s32 s2, s17  }
0x8e: {  	[smem:$0x3FC6] =	sst s2  }
0x8f: {  	_ = 	snop  }
0x90: {  	s2 =	sld [smem:$0x3FC9]  }
0x91: {  	s18 =	sld [smem:$0x3FD0];
	(tm) =	ssettm $0x1  }
0x92: {  	s4 =	sld [smem:$0x3FFB];
	_ =	sdelay $0x3  }
0x93: {  	_ =	strace s4  }
0x94: {  	s4 =	sld [smem:$0x3FFC];
	_ =	sdelay $0x3  }
0x95: {  	_ =	strace s4  }
0x96: {  	s4 =	sld [smem:$0x3FFD];
	_ =	sdelay $0x3  }
0x97: {  	_ =	strace s4  }
0x98: {  	_ =	strace $0x8FFFFFFF  }
0x99: {  	s19 =	sld [smem:$0x3FDB];
	_ =	sdelay $0x1  }
0x9a: {  	s5 =	simm.s32 $_scs_section_size  }
0x9b: {  	s6 =	simm.s32 $_size__tile_overlayer_lowered;
	s7 =	simm.s32 $_tile_overlayer_lowered  }
0x9c: {  	s22 =	simm.s32 $0x1BFF;
	s21 =	sshll.u32 s7, $0x1;
	s4 =	sadd.s32 s5, s19  }
0x9d: {  	s8 =	simm.s32 $0x0;
	s20 =	sshll.u32 s6, $0x1;
	s6 =	sadd.s32 s21, s4  }
0x9e: {  	[timem:s8], [sflag:s22] =	dma.local [hbm:s6], s20  }
0x9f: {  	_ =	swait.ge [sflag:s22], s20  }
0xa0: {  	s5 =	ssub.s32 $0x0, s20;
	[sflag:s22] =	ssyncset.done $0x0  }
0xa1: {  	[sflag:s22] =	ssyncadd.s32 s5;
	_ =	sdelay $0x1  }
0xa2: {  	s23 =	simm.s32 $0x1B8B  }
0xa3: {  	_ =	swait.ge [sflag:s23], $0x1  }
0xa4: {  	[sflag:s23] =	ssyncset.done $0x0  }
0xa5: {  	s25 =	simm.s32 $0x1B8E;
	s24 =	sld [smem:$0x3FFE];
	[sflag:s23] =	ssyncadd.s32 $0xFFFFFFFF  }
0xa6: {  	s26 =	simm.s32 $execute0_lowered;
	[smem:$0x3FD2] =	sst s25  }
0xa7: {  	s6 =	sshll.u32 s26, $0x1;
	_ =	strace $0x80000046;
	[dreg:$0x1] =	wrdreg $0xFFFFFFFF  }
0xa8: {  	s28 =	simm.s32 $_size_execute0_lowered;
	s4 =	sadd.s32 s4, s6;
	[dreg:$0x0] =	wrdreg $0x0  }
0xa9: {  	s6 =	sshll.u32 s28, $0x1;
	[dreg:$0x2] =	wrdreg s4  }
0xaa: {  	[dreg:$0x3] =	wrdreg s6  }
0xab: {  	[dreg:$0x4] =	wrdreg $0xC0  }
0xac: {  	_ =	task [dreg:s8], $0x5FFFF  }
0xad: {  	[dreg:$0x1] =	wrdreg $0xFFFFFFFF  }
0xae: {  	[dreg:$0x0] =	wrdreg $0x60  }
0xaf: {  	[dreg:$0x2] =	wrdreg s2  }
0xb0: {  	[dreg:$0x3] =	wrdreg s24  }
0xb1: {  	[dreg:$0x4] =	wrdreg s18  }
0xb2: {  	[dreg:$0x5] =	wrdreg $0x9  }
0xb3: {  	_ =	task.clear_ibuf [dreg:s8], $0x6FFFF;
	_ =	strace $0x90000046  }
0xb4: {  	s29 =	simm.s32 $0x9;
	_ =	strace $0x8000004F  }
0xb5: {  	_ =	swait.ge [sflag:s29], $0x1  }
0xb6: {  	[sflag:s29] =	ssyncadd.s32 $0xFFFFFFFF  }
0xb7: {  	_ =	strace $0x9000004F  }
0xb8: {  	_ =	sfence  }
0xb9: {  	s30 =	sld [smem:$0x0];
	_ =	sdelay $0x2  }
0xba: {  	s31 =	sshll.u32 s1, $0xD;
	s1 =	sshrl.u32 s1, $0x2  }
0xbb: {  	s3 =	sand.u32 $0x4000, s31;
	s1 =	sadd.s32 s1, s30  }
0xbc: {  	s0 =	sor.u32 s3, s0;
	s1 =	sshll.u32 s1, $0x11  }
0xbd: {  	s0 =	sor.u32 s1, s0  }
0xbe: {  	s0 =	sadd.s32 $0x8F2B, s0  }
0xbf: {  	[sflag:s0] =	ssyncadd.remote.s32 $0x1  }
0xc0: {  	_ =	sfence.sel $0xFFFF  }
0xc1: {  	[dreg:$0x0] =	wrdreg $0xFFFFFFFF;
	(pc) =	sbr.abs _section_cstart, $3  }
0xc2: {  	[dreg:$0x1] =	wrdreg $0xFFFFFFFF  }
0xc3: {  	_ =	task.clear_ibuf [dreg:s8], $0x2FFFF;
	_ =	strace $0x9FFFFFFF  }
0xc4: {  	(tm) =	ssettm $0x7FFFFFFF  }
0xc5: {  	_ =	shalt  }
tec
execute0_lowered:
.L_overlay_start_1:
0x0: {  	(tag) =	ssettag $0x1  }
0x1: {  	s5 =	rddreg [dreg:$0x0]  }
0x2: {  	s0 =	rddreg [dreg:$0x1]  }
0x3: {  	s3 =	simm.s32 $0x0;
	s1 =	srdreg.scid;
	s6 =	stileid.u32  }
0x4: {  	[smem:$0x7FF] =	sst s3;
	s1 =	sand.u32 $0x1, s1;
	s4 =	sadd.s32 $0x400, s0  }
0x5: {  	s25 =	sadd.s32 $0x158D, s0;
	s0 =	sadd.s32 $0x271A, s0;
	_ =	strace $0x80000047  }
0x6: {  	s2 =	ssub.s32 $0x2, s1;
	s1 =	sshll.u32 s1, $0x4;
	[dreg:$0x4] =	wrdreg s4  }
0x7: {  	[dreg:$0x5] =	wrdreg s25;
	s24 =	sshrl.u32 s2, $0x1;
	s1 =	sor.u32 s6, s1  }
0x8: {  	[dreg:$0x6] =	wrdreg s0;
	s2 =	ssub.s32 s2, s24;
	s28 =	sshll.u32 s1, $0x3  }
0x9: {  	s26 =	sshll.u32 s1, $0xA;
	[dreg:$0x7] =	wrdreg s28;
	s30 =	smax.u32 s2, $0x1  }
0xa: {  	s29 =	sadd.s32 s5, s26;
	[dreg:$0x9] =	wrdreg s30  }
0xb: {  	s31 =	sadd.s32 $0x8000, s29;
	[dreg:$0x8] =	wrdreg s29  }
0xc: {  	s11 =	simm.s32 $0x8C80;
	s0 =	sadd.s32 $0x10000, s29;
	[dreg:$0xa] =	wrdreg s31  }
0xd: {  	s12 =	simm.s32 $0x11900;
	s1 =	simm.s32 $0x0;
	[dreg:$0xb] =	wrdreg s0  }
.LBB2_1:
0xe: {  	[dreg:$0xc] =	wrdreg s1  }
0xf: {  	s0 =	rddreg [dreg:$0x4];
	s21 =	simm.s32 $0x1  }
0x10: {  	[tilespmem:s3], [sflag:$0x1] =	stream.linear.gather [hbm4b:s0+s3], $0x8C68, $0x38;
	[tilespmem:$0x1D580] =	vst v63  }
0x11: {  	_ =	swait.ge [sflag:s21], $0x8C68  }
0x12: {  	[sflag:s21] =	ssyncset.done $0x0  }
0x13: {  	s22 =	rddreg [dreg:$0x5];
	[sflag:s21] =	ssyncadd.s32 $0xFFFF7398  }
0x14: {  	[tilespmem:s11], [sflag:$0x1] =	stream.linear.gather [hbm4b:s22+s3], $0x8C68, $0x38;
	[tilespmem:$0x1D580] =	vst v63  }
0x15: {  	_ =	swait.ge [sflag:s21], $0x8C68  }
0x16: {  	[sflag:s21] =	ssyncset.done $0x0  }
0x17: {  	s23 =	rddreg [dreg:$0x6];
	[sflag:s21] =	ssyncadd.s32 $0xFFFF7398  }
0x18: {  	[tilespmem:s12], [sflag:$0x1] =	stream.linear.gather [hbm4b:s23+s3], $0x8C68, $0x38;
	[tilespmem:$0x1D580] =	vst v63  }
0x19: {  	_ =	swait.ge [sflag:s21], $0x8C68  }
0x1a: {  	[sflag:s21] =	ssyncset.done $0x0  }
0x1b: {  	s25 =	simm.s32 $0x100;
	s2 =	simm.s32 $0x400;
	[sflag:s21] =	ssyncadd.s32 $0xFFFF7398  }
0x1c: {  	s4 =	simm.s32 $0x1A580;
	s28 =	simm.s32 $0x1A980;
	_ =	strace $0x80000048  }
0x1d: {  	s31 =	simm.s32 $0x1AD80;
	s30 =	simm.s32 $0x0;
	s24 =	rddreg [dreg:$0x8]  }
0x1e: {  	[tilespmem:s4], [sflag:$0x1] =	stream.strided.gather [hbm4b:s24+s25], $0x400, s2, s25, $0x200038;
	[tilespmem:$0x1D580] =	vst v63  }
0x1f: {  	s1 =	simm.s32 $0x0;
	s8 =	simm.s32 $0x0;
	s26 =	rddreg [dreg:$0xa]  }
0x20: {  	[tilespmem:s28], [sflag:$0x1] =	stream.strided.gather [hbm4b:s26+s25], $0x400, s2, s25, $0x200038;
	[tilespmem:$0x1D580] =	vst v63  }
0x21: {  	s9 =	simm.s32 $0x0;
	s5 =	simm.s32 $0x1;
	s29 =	rddreg [dreg:$0xb]  }
0x22: {  	[tilespmem:s31], [sflag:$0x1] =	stream.strided.gather [hbm4b:s29+s25], $0x400, s2, s25, $0x200038;
	[tilespmem:$0x1D580] =	vst v63  }
0x23: {  	s4 =	simm.s32 $0x0;
	s26 =	simm.s32 $0x0;
	_ =	strace $0x90000048  }
.LBB2_2:
0x24: {  	s28 =	sadd.s32 $0x1, s30  }
0x25: {  	s0 =	simm.s32 $0x1;
	p0 =	seq.s32 s28, $0x8  }
0x26: {  	s0 =	simm.s32 @!p0 $0x0  }
0x27: {  	s29 =	sadd.s32 s0, s1  }
0x28: {  	p1 =	seq.s32 s29, $0x10  }
0x29: {  	s28 =	simm.s32 @p0 $0x0;
	s29 =	simm.s32 @p1 $0x0  }
0x2a: {  	p5 =	sne.s32 s30, s28;
	p4 =	sne.s32 s1, s29  }
0x2b: {  	[dreg:$0xd] =	wrdreg s4;
	p6 =	sne.s32 s26, $0x7F;
	p1 =	por p5, p4  }
0x2c: {  	[dreg:$0x11] =	wrdreg s1;
	p0 =	por !p6, !p1  }
0x2d: {  	s22 =	rddreg [dreg:$0x7];
	p0 =	por !p0, !p0  }
0x2e: {  	[dreg:$0x10] =	wrdreg s5;
	s23 =	sand.u32 $0x1, s9;
	s0 =	sadd.s32 @p0 s22, s28  }
0x2f: {  	s1 =	sand.u32 @p0 $0x1, s5;
	s2 =	smul.u32 @p0 $0xC0000, s29;
	s0 =	sshll.u32 @p0 s0, $0xA  }
0x30: {  	s5 =	sshll.u32 @p0 s28, $0x8;
	_ =	strace @p0 $0x80000049;
	s0 =	sand.u32 @p0 $0xFFFFF000, s0  }
0x31: {  	s4 =	smul.u32 @p0 $0x3000, s1;
	s0 =	sadd.s32 @p0 s0, s2;
	s2 =	sand.u32 @p0 $0x300, s5  }
0x32: {  	s6 =	simm.s32 @p0 $0x400;
	s1 =	sadd.s32 @p0 $0x1, s1;
	s0 =	sor.u32 @p0 s2, s0  }
0x33: {  	s4 =	sshrl.u32 @p0 s4, $0x2;
	s5 =	rddreg [dreg:$0x0];
	s0 =	sshrl.u32 @p0 s0, $0x3  }
0x34: {  	s2 =	sadd.s32 @p0 $0x1A580, s4;
	s0 =	sadd.s32 @p0 s5, s0;
	s5 =	simm.s32 @p0 $0x100  }
0x35: {  	[tilespmem:s2], [sflag:s1] =	stream.strided.gather @p0 [hbm4b:s0+s5], $0x400, s6, s5, $0x200038;
	[tilespmem:$0x1D580] =	vst v63  }
0x36: {  	s24 =	smul.u32 $0x3000, s23;
	s7 =	sadd.s32 @p0 $0x1A980, s4;
	s2 =	sadd.s32 @p0 $0x8000, s0  }
0x37: {  	[tilespmem:s7], [sflag:s1] =	stream.strided.gather @p0 [hbm4b:s2+s5], $0x400, s6, s5, $0x200038;
	[tilespmem:$0x1D580] =	vst v63  }
0x38: {  	[dreg:$0xf] =	wrdreg s9;
	s4 =	sadd.s32 @p0 $0x1AD80, s4;
	s0 =	sadd.s32 @p0 $0x10000, s0  }
0x39: {  	[tilespmem:s4], [sflag:s1] =	stream.strided.gather @p0 [hbm4b:s0+s5], $0x400, s6, s5, $0x200038;
	[tilespmem:$0x1D580] =	vst v63  }
0x3a: {  	s25 =	sshrl.u32 s24, $0x2;
	_ =	strace @p0 $0x90000049  }
0x3b: {  	s31 =	sadd.s32 $0x1, s23;
	s17 =	sadd.s32 $0x1A580, s25;
	_ =	strace $0x8000004A  }
0x3c: {  	v32 =	vmov s17;
	_ =	swait.ge [sflag:s31], $0xC00  }
0x3d: {  	s16 =	simm.s32 $0x0;
	s2 =	simm.s32 $0x0;
	[sflag:s31] =	ssyncset.done $0x0  }
0x3e: {  	s0 =	sand.u32 $0x60, s2;
	s4 =	sand.u32 $0x300, s16;
	[sflag:s31] =	ssyncadd.s32 $0xFFFFF400  }
0x3f: {  	s7 =	sor.u32 s0, s4;
	_ =	strace $0x9000004A  }
0x40: {  	s5 =	sor.u32 $0x410, s7;
	_ =	strace $0x8000004B  }
0x41: {  	s19 =	sor.u32 $0x810, s7;
	v0 =	vld.idx.msk [tilespmem:v32+s5+$0x0 ss:$0x1], $0xffff  }
0x42: {  	s1 =	sor.u32 $0x10, s7;
	v1 =	vld.idx.msk [tilespmem:v32+s19+$0x0 ss:$0x1], $0xffff  }
0x43: {  	v2 =	vld.idx.msk [tilespmem:v32+s1+$0x0 ss:$0x1], $0xffff;
	_ =	sdelay $0x3  }
0x44: {  	v0 =	vmul.f32 $3.200000000e+01, v0  }
0x45: {  	v1 =	vmul.f32 $3.200000000e+01, v1;
	v2 =	vmul.f32 $3.200000000e+01, v2  }
0x46: {  	v0 =	vmax.f32 v0, $0.0e+00  }
0x47: {  	v3 =	vld.idx.msk [tilespmem:v32+s7+$0x0 ss:$0x1], $0xffff;
	v1 =	vmax.f32 v1, $0.0e+00;
	v2 =	vmax.f32 v2, $0.0e+00;
	v4 =	vmin.f32 v0, $3.200000000e+01  }
0x48: {  	v1 =	vmin.f32 v1, $3.200000000e+01;
	v7 =	vmin.f32 v2, $3.200000000e+01;
	v0 =	vtrunc.f32 v4  }
0x49: {  	v5 =	vtrunc.f32 v1;
	v8 =	vtrunc.f32 v7  }
0x4a: {  	s0 =	sor.u32 $0x400, s7;
	v0 =	vcvt.f32.s32 v0;
	v5 =	vcvt.f32.s32 v5  }
0x4b: {  	s10 =	sor.u32 $0x800, s7;
	v6 =	vld.idx.msk [tilespmem:v32+s0+$0x0 ss:$0x1], $0xffff;
	v8 =	vcvt.f32.s32 v8  }
0x4c: {  	v3 =	vmul.f32 $3.200000000e+01, v3;
	v2 =	vld.idx.msk [tilespmem:v32+s10+$0x0 ss:$0x1], $0xffff;
	vm0 =	vlt.s32 v0, $0x1F;
	vm1 =	vlt.s32 v5, $0x1F  }
0x4d: {  	vm6 =	vlt.s32 v8, $0x1F;
	v5 =	vnsel vm1, $0x1F, v5;
	v9 =	vnsel vm0, $0x1F, v0  }
0x4e: {  	v0 =	vmax.f32 v3, $0.0e+00;
	v3 =	vmul.u32 $0x441, v5;
	v10 =	vmul.u32 $0x21, v9  }
0x4f: {  	v8 =	vnsel vm6, $0x1F, v8  }
0x50: {  	v15 =	vmin.f32 v0, $3.200000000e+01;
	v0 =	vmul.f32 $3.200000000e+01, v6;
	v3 =	vadd.s32 v10, v3  }
0x51: {  	v11 =	vmul.f32 $3.200000000e+01, v2;
	v5 =	vcvt.s32.f32 v5;
	v2 =	vadd.s32 v8, v3  }
0x52: {  	v10 =	vmax.f32 v0, $0.0e+00;
	v3 =	vcvt.s32.f32 v9;
	v0 =	vadd.s32 $0x1, v2  }
0x53: {  	v5 =	vsub.f32 v1, v5;
	v17 =	vmin.f32 v10, $3.200000000e+01;
	v8 =	vcvt.s32.f32 v8  }
0x54: {  	v10 =	vmax.f32 v11, $0.0e+00;
	v9 =	vadd.s32 $0x21, v2;
	v11 =	vsub.f32 v4, v3  }
0x55: {  	v6 =	vtrunc.f32 v15;
	v22 =	vmin.f32 v10, $3.200000000e+01;
	v12 =	vsub.f32 v7, v8  }
0x56: {  	v10 =	vadd.s32 $0x22, v2;
	v4 =	vsub.f32 $1.000000000e+00, v5;
	v14 =	vsub.f32 $1.000000000e+00, v11;
	v13 =	vld.idx.msk [tilespmem:v2+s16+$0x0], $0xffff  }
0x57: {  	v1 =	vtrunc.f32 v17;
	v37 =	vadd.s32 $0x441, v2;
	v8 =	vtrunc.f32 v22;
	v16 =	vld.idx.msk [tilespmem:v0+s16+$0x0], $0xffff  }
0x58: {  	v19 =	vcvt.f32.s32 v1;
	v21 =	vsub.f32 $1.000000000e+00, v12;
	v1 =	vmul.f32 v4, v14  }
0x59: {  	v20 =	vcvt.f32.s32 v8;
	v24 =	vmul.f32 v4, v11;
	v23 =	vld.idx.msk [tilespmem:v9+s16+$0x0], $0xffff  }
0x5a: {  	v8 =	vadd.s32 $0x442, v2;
	v4 =	vmul.f32 v1, v21;
	v1 =	vmul.f32 v1, v12  }
0x5b: {  	v6 =	vcvt.f32.s32 v6;
	v45 =	vadd.s32 $0x462, v2;
	v25 =	vld.idx.msk [tilespmem:v10+s16+$0x0], $0xffff;
	v18 =	vmul.f32 v24, v21  }
0x5c: {  	v46 =	vadd.s32 $0x463, v2;
	v26 =	vmul.f32 v4, v13;
	v27 =	vmul.f32 v1, v16  }
0x5d: {  	vm9 =	vlt.s32 v6, $0x1F;
	vm7 =	vlt.s32 v19, $0x1F;
	v28 =	vld.idx.msk [tilespmem:v37+s16+$0x0], $0xffff;
	v14 =	vmul.f32 v14, v5  }
0x5e: {  	v16 =	vmul.f32 v24, v12;
	v23 =	vmul.f32 v18, v23;
	v24 =	vadd.f32 v27, v26  }
0x5f: {  	vm8 =	vlt.s32 v20, $0x1F;
	v5 =	vmul.f32 v5, v11;
	v29 =	vld.idx.msk [tilespmem:v8+s16+$0x0], $0xffff;
	v26 =	vnsel vm7, $0x1F, v19  }
0x60: {  	v19 =	vmul.f32 v14, v21;
	v23 =	vadd.f32 v24, v23;
	v24 =	vmul.f32 v16, v25  }
0x61: {  	v31 =	vld.idx.msk [tilespmem:v45+s16+$0x0], $0xffff;
	[dreg:$0xe] =	wrdreg s8;
	s8 =	sand.u32 $0x1, s8;
	v27 =	vnsel vm8, $0x1F, v20;
	v20 =	vmul.f32 v14, v12;
	v30 =	vmul.u32 $0x21, v26  }
0x62: {  	[tilespmem:$0x1FCC0] =	vst v45;
	[dreg:$0x12] =	wrdreg s8;
	v25 =	vmul.u32 $0x441, v27;
	v14 =	vadd.f32 v23, v24;
	v23 =	vmul.f32 v19, v28  }
0x63: {  	v6 =	vnsel vm9, $0x1F, v6;
	v3 =	vmul.f32 v5, v21;
	s2 =	smul.u32 $0x3000, s8;
	v24 =	vld.idx.msk [tilespmem:v46+s16+$0x0], $0xffff  }
0x64: {  	v25 =	vadd.s32 v30, v25;
	v21 =	vadd.f32 v14, v23;
	v23 =	vmul.f32 v20, v29  }
0x65: {  	v44 =	vmul.f32 v5, v12;
	s2 =	sshrl.u32 s2, $0x2;
	v14 =	vadd.s32 v6, v25  }
0x66: {  	s15 =	sadd.s32 $0x1BD80, s2;
	[tilespmem:$0x1FCE0] =	vst v3;
	v29 =	vmovc v3;
	v5 =	vadd.f32 v21, v23;
	v23 =	vmul.f32 v3, v31;
	v3 =	vadd.s32 $0x1, v14  }
0x67: {  	v11 =	vmov s15;
	v25 =	vcvt.s32.f32 v26  }
0x68: {  	[tilespmem:$0x1FCD0] =	vst v46;
	v5 =	vadd.f32 v5, v23;
	v23 =	vmul.f32 v44, v24;
	v24 =	vcvt.s32.f32 v27  }
0x69: {  	[dreg:$0x13] =	wrdreg s2;
	[tilespmem:$0x1FCF0] =	vst v44;
	v17 =	vsub.f32 v17, v25  }
0x6a: {  	v5 =	vadd.f32 v5, v23;
	v22 =	vsub.f32 v22, v24;
	v23 =	vld.idx.msk [tilespmem:v14+s16+$0x0], $0xffff  }
0x6b: {  	v6 =	vcvt.s32.f32 v6;
	v26 =	vld.idx.msk [tilespmem:v3+s16+$0x0], $0xffff;
	[tilespmem:$0x1FD20] =	vst v3  }
0x6c: {  	v30 =	vadd.s32 $0x21, v14;
	v25 =	vsub.f32 $1.000000000e+00, v17;
	[tilespmem:v11+s1+$0x0 ss:$0x1] =	vst.idx.msk $0xffff, v5;
	v5 =	vsub.f32 $1.000000000e+00, v22;
	_ =	sdelay $0x1  }
0x6d: {  	v33 =	vadd.s32 $0x22, v14;
	v6 =	vsub.f32 v15, v6;
	v24 =	vmul.f32 v5, v25  }
0x6e: {  	v15 =	vld.idx.msk [tilespmem:v2+s11+$0x0], $0xffff  }
0x6f: {  	v63 =	vadd.s32 $0x441, v14;
	v34 =	vsub.f32 $1.000000000e+00, v6;
	v27 =	vld.idx.msk [tilespmem:v0+s11+$0x0], $0xffff;
	v13 =	vmul.f32 v24, v6  }
0x70: {  	v35 =	vld.idx.msk [tilespmem:v30+s16+$0x0], $0xffff;
	[tilespmem:$0x1FD60] =	vst v30;
	v5 =	vmul.f32 v5, v17  }
0x71: {  	v36 =	vld.idx.msk [tilespmem:v9+s11+$0x0], $0xffff;
	v28 =	vmul.f32 v24, v34;
	[tilespmem:$0x1FD50] =	vst v13  }
0x72: {  	s13 =	simm.s32 $0x40;
	s9 =	simm.s32 $0x20;
	v31 =	vmul.f32 v5, v34;
	v12 =	vmul.f32 v5, v6;
	v39 =	vld.idx.msk [tilespmem:v33+s16+$0x0], $0xffff;
	[tilespmem:$0x1FD80] =	vst v33  }
0x73: {  	s2 =	sand.u32 $0x300, s13;
	s1 =	sand.u32 $0x60, s9;
	v23 =	vmul.f32 v28, v23;
	v26 =	vmul.f32 v13, v26;
	v40 =	vld.idx.msk [tilespmem:v10+s11+$0x0], $0xffff;
	[tilespmem:$0x1FD30] =	vst v28  }
0x74: {  	s6 =	sor.u32 s1, s2;
	v15 =	vmul.f32 v4, v15;
	v27 =	vmul.f32 v27, v1;
	v41 =	vld.idx.msk [tilespmem:v63+s16+$0x0], $0xffff;
	[tilespmem:$0x1FDA0] =	vst v63  }
0x75: {  	v7 =	vmov v3;
	s1 =	sor.u32 $0x410, s6;
	v5 =	vadd.f32 v26, v23;
	v23 =	vmul.f32 v31, v35;
	v42 =	vld.idx.msk [tilespmem:v37+s11+$0x0], $0xffff;
	[tilespmem:$0x1FD90] =	vst v31  }
0x76: {  	v3 =	vmovc v30;
	v30 =	vadd.s32 $0x442, v14;
	s21 =	sor.u32 $0x810, s6;
	v25 =	vmul.f32 v25, v22;
	v17 =	vmul.f32 v22, v17;
	v26 =	vld.idx.msk [tilespmem:v32+s1+$0x0 ss:$0x1], $0xffff  }
0x77: {  	v15 =	vadd.f32 v27, v15;
	v27 =	vmul.f32 v36, v18;
	v5 =	vadd.f32 v5, v23;
	v43 =	vld.idx.msk [tilespmem:v32+s21+$0x0 ss:$0x1], $0xffff  }
0x78: {  	v36 =	vmov v12;
	v22 =	vld.idx.msk [tilespmem:v8+s11+$0x0], $0xffff;
	[tilespmem:$0x1FDD0] =	vst v12;
	v23 =	vmul.f32 v12, v39;
	v12 =	vmul.f32 v25, v34  }
0x79: {  	s14 =	sor.u32 $0x10, s6;
	v21 =	vmul.f32 v17, v34;
	v15 =	vadd.f32 v27, v15;
	v49 =	vld.idx.msk [tilespmem:v45+s11+$0x0], $0xffff;
	v48 =	vmul.f32 v40, v16  }
0x7a: {  	v13 =	vmul.f32 v25, v6;
	v5 =	vadd.f32 v5, v23;
	v23 =	vld.idx.msk [tilespmem:v32+s14+$0x0 ss:$0x1], $0xffff;
	v25 =	vmul.f32 v12, v41  }
0x7b: {  	v34 =	vmovc v12;
	[tilespmem:$0x1FDE0] =	vst v12;
	v12 =	vadd.s32 $0x463, v14;
	v15 =	vadd.f32 v48, v15;
	v50 =	vmul.f32 v42, v19  }
0x7c: {  	v24 =	vadd.s32 $0x462, v14;
	[tilespmem:$0x1FE00] =	vst v12;
	v26 =	vmul.f32 $3.200000000e+01, v26;
	v51 =	vmul.f32 $3.200000000e+01, v43  }
0x7d: {  	v52 =	vld.idx.msk [tilespmem:v46+s11+$0x0], $0xffff;
	v5 =	vadd.f32 v5, v25;
	v22 =	vmul.f32 v22, v20;
	v15 =	vadd.f32 v50, v15  }
0x7e: {  	v25 =	vmul.f32 v49, v29;
	v26 =	vmax.f32 v26, $0.0e+00;
	v53 =	vmax.f32 v51, $0.0e+00  }
0x7f: {  	v23 =	vmul.f32 $3.200000000e+01, v23;
	v54 =	vmin.f32 v26, $3.200000000e+01;
	v39 =	vmin.f32 v53, $3.200000000e+01  }
0x80: {  	v15 =	vadd.f32 v22, v15;
	v22 =	vtrunc.f32 v54;
	v55 =	vtrunc.f32 v39  }
0x81: {  	v26 =	vld.idx.msk [tilespmem:v30+s16+$0x0], $0xffff;
	[tilespmem:$0x1FDB0] =	vst v30;
	v23 =	vmax.f32 v23, $0.0e+00;
	v22 =	vcvt.f32.s32 v22;
	v41 =	vcvt.f32.s32 v55  }
0x82: {  	v56 =	vld.idx.msk [tilespmem:v24+s16+$0x0], $0xffff;
	[tilespmem:$0x1FDC0] =	vst v24;
	v15 =	vadd.f32 v25, v15;
	v25 =	vmul.f32 v52, v44;
	v57 =	vmin.f32 v23, $3.200000000e+01  }
0x83: {  	v23 =	vld.idx.msk [tilespmem:v32+s6+$0x0 ss:$0x1], $0xffff;
	v58 =	vtrunc.f32 v57;
	vm10 =	vlt.s32 v22, $0x1F;
	vm11 =	vlt.s32 v41, $0x1F  }
0x84: {  	v44 =	vcvt.f32.s32 v58;
	v59 =	vnsel vm11, $0x1F, v41;
	v22 =	vnsel vm10, $0x1F, v22  }
0x85: {  	v60 =	vld.idx.msk [tilespmem:v12+s16+$0x0], $0xffff;
	v12 =	vmul.f32 v17, v6;
	v47 =	vmul.u32 $0x441, v59;
	v48 =	vmul.u32 $0x21, v22  }
0x86: {  	[tilespmem:$0x1FDF0] =	vst v13;
	v61 =	vmul.f32 v13, v26;
	vm12 =	vlt.s32 v44, $0x1F  }
0x87: {  	s2 =	sor.u32 $0x400, s6;
	[tilespmem:$0x1FF50] =	vst v12;
	v6 =	vadd.f32 v25, v15;
	v17 =	vnsel vm12, $0x1F, v44;
	v25 =	vadd.s32 v48, v47  }
0x88: {  	v15 =	vadd.f32 v5, v61;
	v5 =	vld.idx.msk [tilespmem:v32+s2+$0x0 ss:$0x1], $0xffff;
	[tilespmem:$0x1FE20] =	vst v21;
	v62 =	vmul.f32 $3.200000000e+01, v23;
	v41 =	vadd.s32 v17, v25  }
0x89: {  	[tilespmem:v11+s5+$0x0 ss:$0x1] =	vst.idx.msk $0xffff, v6;
	v6 =	vcvt.s32.f32 v22;
	v22 =	vcvt.s32.f32 v59;
	v23 =	vadd.s32 $0x1, v41  }
0x8a: {  	s18 =	sor.u32 $0x800, s6;
	v43 =	vmul.f32 v21, v56;
	v2 =	vld.idx.msk [tilespmem:v2+s12+$0x0], $0xffff;
	v17 =	vcvt.s32.f32 v17;
	v44 =	vmax.f32 v62, $0.0e+00  }
0x8b: {  	v35 =	vld.idx.msk [tilespmem:v32+s18+$0x0 ss:$0x1], $0xffff;
	v25 =	vadd.s32 $0x21, v41;
	v6 =	vsub.f32 v54, v6;
	v39 =	vsub.f32 v39, v22  }
0x8c: {  	v48 =	vmin.f32 v44, $3.200000000e+01;
	v40 =	vsub.f32 v57, v17;
	v44 =	vadd.s32 $0x22, v41  }
0x8d: {  	v5 =	vmul.f32 $3.200000000e+01, v5;
	v38 =	vsub.f32 $1.000000000e+00, v6;
	v62 =	vsub.f32 $1.000000000e+00, v39;
	v17 =	vld.idx.msk [tilespmem:v41+s16+$0x0], $0xffff  }
0x8e: {  	v45 =	vmul.f32 v12, v60;
	v22 =	vadd.s32 $0x441, v41;
	v54 =	vsub.f32 $1.000000000e+00, v40;
	v51 =	vld.idx.msk [tilespmem:v23+s16+$0x0], $0xffff  }
0x8f: {  	v5 =	vmax.f32 v5, $0.0e+00;
	v50 =	vmul.f32 v2, v4;
	v4 =	vmul.f32 v62, v38  }
0x90: {  	v53 =	vmul.f32 v62, v6;
	v55 =	vmin.f32 v5, $3.200000000e+01;
	v5 =	vmul.f32 $3.200000000e+01, v35;
	v56 =	vld.idx.msk [tilespmem:v25+s16+$0x0], $0xffff  }
0x91: {  	v12 =	vadd.s32 $0x442, v41;
	v46 =	vmul.f32 v4, v54;
	v52 =	vmul.f32 v4, v40  }
0x92: {  	v26 =	vmovc v21;
	v21 =	vadd.s32 $0x462, v41;
	v42 =	vmul.f32 v38, v39;
	v58 =	vld.idx.msk [tilespmem:v44+s16+$0x0], $0xffff;
	v47 =	vmul.f32 v53, v54  }
0x93: {  	v5 =	vmax.f32 v5, $0.0e+00;
	v17 =	vmul.f32 v46, v17;
	v51 =	vmul.f32 v52, v51  }
0x94: {  	v60 =	vld.idx.msk [tilespmem:v22+s16+$0x0], $0xffff;
	v57 =	vtrunc.f32 v55;
	v53 =	vmul.f32 v53, v40;
	v59 =	vmin.f32 v5, $3.200000000e+01  }
0x95: {  	v61 =	vld.idx.msk [tilespmem:v0+s12+$0x0], $0xffff;
	v5 =	vadd.s32 $0x463, v41;
	v35 =	vmul.f32 v47, v56;
	v17 =	vadd.f32 v51, v17  }
0x96: {  	v15 =	vadd.f32 v15, v43;
	v0 =	vmul.f32 v42, v54;
	v56 =	vcvt.f32.s32 v57;
	v57 =	vld.idx.msk [tilespmem:v12+s16+$0x0], $0xffff  }
0x97: {  	v38 =	vtrunc.f32 v59;
	v58 =	vmul.f32 v53, v58;
	v51 =	vadd.f32 v17, v35  }
0x98: {  	v15 =	vadd.f32 v15, v45;
	v6 =	vmul.f32 v39, v6;
	v45 =	vld.idx.msk [tilespmem:v21+s16+$0x0], $0xffff;
	v43 =	vcvt.f32.s32 v38  }
0x99: {  	v17 =	vmul.f32 v42, v40;
	v35 =	vmul.f32 v0, v60;
	v62 =	vadd.f32 v51, v58  }
0x9a: {  	v49 =	vtrunc.f32 v48;
	[tilespmem:v11+s7+$0x0 ss:$0x1] =	vst.idx.msk $0xffff, v15;
	v15 =	vmul.f32 v6, v54;
	v51 =	vld.idx.msk [tilespmem:v5+s16+$0x0], $0xffff  }
0x9b: {  	vm14 =	vlt.s32 v43, $0x1F;
	v38 =	vmul.f32 v17, v57;
	v39 =	vadd.f32 v62, v35  }
0x9c: {  	v9 =	vld.idx.msk [tilespmem:v9+s12+$0x0], $0xffff;
	v49 =	vcvt.f32.s32 v49;
	vm13 =	vlt.s32 v56, $0x1F;
	v43 =	vnsel vm14, $0x1F, v43  }
0x9d: {  	v8 =	vld.idx.msk [tilespmem:v8+s12+$0x0], $0xffff;
	v60 =	vmul.f32 v15, v45;
	v35 =	vmul.f32 v6, v40;
	v39 =	vadd.f32 v39, v38  }
0x9e: {  	v1 =	vmul.f32 v61, v1;
	v54 =	vld.idx.msk [tilespmem:v14+s11+$0x0], $0xffff;
	v56 =	vnsel vm13, $0x1F, v56;
	v61 =	vmul.u32 $0x441, v43  }
0x9f: {  	v57 =	vld.idx.msk [tilespmem:v7+s11+$0x0], $0xffff;
	v62 =	vmul.u32 $0x21, v56;
	v51 =	vmul.f32 v35, v51;
	v39 =	vadd.f32 v39, v60  }
0xa0: {  	vm15 =	vlt.s32 v49, $0x1F;
	v58 =	vld.idx.msk [tilespmem:v3+s11+$0x0], $0xffff  }
0xa1: {  	v49 =	vnsel vm15, $0x1F, v49;
	v7 =	vld.idx.msk [tilespmem:v10+s12+$0x0], $0xffff;
	v45 =	vadd.s32 v62, v61;
	v61 =	vadd.f32 v39, v51  }
0xa2: {  	v43 =	vcvt.s32.f32 v43;
	v62 =	vld.idx.msk [tilespmem:v37+s12+$0x0], $0xffff;
	v40 =	vadd.s32 v49, v45  }
0xa3: {  	v9 =	vmul.f32 v9, v18;
	v56 =	vcvt.s32.f32 v56;
	v60 =	vld.idx.msk [tilespmem:v33+s11+$0x0], $0xffff;
	[tilespmem:v11+s14+$0x0 ss:$0x1] =	vst.idx.msk $0xffff, v61  }
0xa4: {  	v1 =	vadd.f32 v1, v50;
	v50 =	vsub.f32 v59, v43;
	v33 =	vadd.s32 $0x1, v40;
	v38 =	vld.idx.msk [tilespmem:v41+s11+$0x0], $0xffff  }
0xa5: {  	v3 =	vcvt.s32.f32 v49;
	v55 =	vsub.f32 v55, v56;
	v4 =	vadd.s32 $0x21, v40;
	v6 =	vld [tilespmem:$0x1FD50]  }
0xa6: {  	v1 =	vadd.f32 v9, v1;
	v37 =	vsub.f32 $1.000000000e+00, v50;
	v7 =	vmul.f32 v7, v16;
	v9 =	vld.idx.msk [tilespmem:v23+s11+$0x0], $0xffff  }
0xa7: {  	v3 =	vsub.f32 v48, v3;
	v18 =	vsub.f32 $1.000000000e+00, v55;
	v2 =	vadd.s32 $0x22, v40;
	v39 =	vld.idx.msk [tilespmem:v40+s16+$0x0], $0xffff  }
0xa8: {  	v49 =	vmul.f32 v37, v55;
	v1 =	vadd.f32 v7, v1;
	v19 =	vmul.f32 v62, v19;
	v42 =	vld.idx.msk [tilespmem:v25+s11+$0x0], $0xffff  }
0xa9: {  	v56 =	vsub.f32 $1.000000000e+00, v3;
	v7 =	vmul.f32 v8, v20;
	v20 =	vmul.f32 v28, v54;
	v8 =	vld.idx.msk [tilespmem:v33+s16+$0x0], $0xffff;
	[tilespmem:$0x1FE40] =	vst v33  }
0xaa: {  	v16 =	vmul.f32 v37, v18;
	v1 =	vadd.f32 v19, v1;
	v19 =	vld.idx.msk [tilespmem:v4+s16+$0x0], $0xffff;
	v43 =	vmul.f32 v57, v6  }
0xab: {  	v57 =	vld.idx.msk [tilespmem:v44+s11+$0x0], $0xffff;
	[tilespmem:$0x1FE60] =	vst v4;
	v48 =	vmul.f32 v46, v38;
	v9 =	vmul.f32 v9, v52  }
0xac: {  	s20 =	simm.s32 $0x40;
	s23 =	simm.s32 $0x80;
	v29 =	vmov v24;
	v27 =	vmul.f32 v16, v56;
	v24 =	vmul.f32 v16, v3;
	v54 =	vld.idx.msk [tilespmem:v63+s11+$0x0], $0xffff  }
0xad: {  	s4 =	sand.u32 $0x60, s20;
	s5 =	sand.u32 $0x300, s23;
	v37 =	vmul.f32 v49, v56;
	v45 =	vmul.f32 v42, v47;
	v63 =	vld.idx.msk [tilespmem:v2+s16+$0x0], $0xffff;
	v9 =	vadd.f32 v9, v48  }
0xae: {  	s5 =	sor.u32 s4, s5;
	v51 =	vmul.f32 v27, v39;
	v8 =	vmul.f32 v24, v8;
	v16 =	vadd.f32 v43, v20;
	v20 =	vld.idx.msk [tilespmem:v22+s11+$0x0], $0xffff  }
0xaf: {  	s31 =	sor.u32 $0x810, s5;
	v62 =	vmul.f32 v58, v31;
	v61 =	vld.idx.msk [tilespmem:v12+s11+$0x0], $0xffff;
	[tilespmem:$0x1FE80] =	vst v2;
	v9 =	vadd.f32 v45, v9  }
0xb0: {  	v42 =	vld.idx.msk [tilespmem:v32+s31+$0x0 ss:$0x1], $0xffff;
	v45 =	vadd.f32 v7, v1;
	v7 =	vadd.f32 v8, v51;
	v8 =	vmul.f32 v37, v19  }
0xb1: {  	s4 =	sor.u32 $0x410, s5;
	v38 =	vmul.f32 v49, v3;
	v43 =	vadd.s32 $0x441, v40;
	v19 =	vld.idx.msk [tilespmem:v21+s11+$0x0], $0xffff;
	v57 =	vmul.f32 v57, v53  }
0xb2: {  	v18 =	vmul.f32 v18, v50;
	v16 =	vadd.f32 v62, v16;
	v7 =	vadd.f32 v7, v8;
	v8 =	vld.idx.msk [tilespmem:v32+s4+$0x0 ss:$0x1], $0xffff  }
0xb3: {  	s24 =	sor.u32 $0x10, s5;
	v62 =	vmul.f32 v38, v63;
	v63 =	vld.idx.msk [tilespmem:v5+s11+$0x0], $0xffff;
	v9 =	vadd.f32 v57, v9;
	v20 =	vmul.f32 v20, v0  }
0xb4: {  	v60 =	vmul.f32 v60, v36;
	v36 =	vmul.f32 v18, v56;
	v59 =	vld.idx.msk [tilespmem:v32+s24+$0x0 ss:$0x1], $0xffff  }
0xb5: {  	v1 =	vadd.s32 $0x442, v40;
	v9 =	vadd.f32 v20, v9;
	v20 =	vmul.f32 v61, v17  }
0xb6: {  	v16 =	vadd.f32 v60, v16;
	v60 =	vmul.f32 $3.200000000e+01, v42;
	v42 =	vmul.f32 v18, v3;
	v61 =	vld.idx.msk [tilespmem:v43+s16+$0x0], $0xffff  }
0xb7: {  	v19 =	vmul.f32 v19, v15;
	v9 =	vadd.f32 v20, v9;
	v20 =	vmul.f32 v54, v34  }
0xb8: {  	v7 =	vadd.f32 v7, v62;
	v8 =	vmul.f32 $3.200000000e+01, v8;
	v62 =	vmul.f32 v63, v35  }
0xb9: {  	v54 =	vmul.f32 $3.200000000e+01, v59;
	v16 =	vadd.f32 v20, v16;
	v20 =	vmax.f32 v60, $0.0e+00  }
0xba: {  	v9 =	vadd.f32 v19, v9;
	v8 =	vmax.f32 v8, $0.0e+00;
	v20 =	vmin.f32 v20, $3.200000000e+01  }
0xbb: {  	v19 =	vld.idx.msk [tilespmem:v30+s11+$0x0], $0xffff;
	v18 =	vmul.f32 v36, v61;
	v57 =	vmin.f32 v8, $3.200000000e+01;
	v8 =	vtrunc.f32 v20  }
0xbc: {  	v48 =	vadd.s32 $0x462, v40;
	v63 =	vmax.f32 v54, $0.0e+00;
	v61 =	vld.idx.msk [tilespmem:v1+s16+$0x0], $0xffff;
	v8 =	vcvt.f32.s32 v8  }
0xbd: {  	v9 =	vadd.f32 v62, v9;
	v7 =	vadd.f32 v7, v18;
	v18 =	vtrunc.f32 v57  }
0xbe: {  	[tilespmem:$0x1FEB0] =	vst v1;
	v54 =	vmin.f32 v63, $3.200000000e+01;
	v18 =	vcvt.f32.s32 v18;
	vm4 =	vlt.s32 v8, $0x1F  }
0xbf: {  	v34 =	vtrunc.f32 v54;
	[tilespmem:v11+s1+$0x0 ss:$0x1] =	vst.idx.msk $0xffff, v9;
	v58 =	vnsel vm4, $0x1F, v8;
	v8 =	vld.idx.msk [tilespmem:v29+s11+$0x0], $0xffff  }
0xc0: {  	v55 =	vmul.f32 v50, v55;
	v30 =	vmovc v1;
	v59 =	vcvt.f32.s32 v34;
	v1 =	vld [tilespmem:$0x1FE00];
	vm5 =	vlt.s32 v18, $0x1F  }
0xc1: {  	v19 =	vmul.f32 v19, v13;
	v22 =	vld.idx.msk [tilespmem:v22+s12+$0x0], $0xffff;
	v51 =	vmul.f32 v42, v61;
	v18 =	vnsel vm5, $0x1F, v18  }
0xc2: {  	v63 =	vld.idx.msk [tilespmem:v48+s16+$0x0], $0xffff;
	vm6 =	vlt.s32 v59, $0x1F;
	v39 =	vmul.u32 $0x441, v58;
	v49 =	vmul.u32 $0x21, v18  }
0xc3: {  	v23 =	vld.idx.msk [tilespmem:v23+s12+$0x0], $0xffff;
	v62 =	vnsel vm6, $0x1F, v59;
	v16 =	vadd.f32 v19, v16;
	v9 =	vadd.f32 v7, v51  }
0xc4: {  	v25 =	vld.idx.msk [tilespmem:v25+s12+$0x0], $0xffff;
	v7 =	vadd.s32 v49, v39;
	v49 =	vadd.s32 $0x463, v40;
	v61 =	vmul.f32 v8, v26  }
0xc5: {  	v19 =	vld.idx.msk [tilespmem:v41+s12+$0x0], $0xffff;
	v8 =	vadd.s32 v62, v7;
	v7 =	vcvt.s32.f32 v18;
	v18 =	vcvt.s32.f32 v58  }
0xc6: {  	v28 =	vmov v4;
	v34 =	vcvt.s32.f32 v62;
	v4 =	vmul.f32 v22, v0;
	v0 =	vld [tilespmem:$0x1FCC0]  }
0xc7: {  	v10 =	vmul.f32 v55, v56;
	v50 =	vadd.s32 $0x1, v8;
	v18 =	vsub.f32 v20, v18;
	v20 =	vld.idx.msk [tilespmem:v44+s12+$0x0], $0xffff  }
0xc8: {  	v59 =	vsub.f32 v54, v34;
	v41 =	vld.idx.msk [tilespmem:v1+s11+$0x0], $0xffff  }
0xc9: {  	v39 =	vmul.f32 v10, v63;
	v34 =	vadd.s32 $0x21, v8;
	v57 =	vsub.f32 v57, v7;
	v1 =	vld [tilespmem:$0x1FF50]  }
0xca: {  	v23 =	vmul.f32 v23, v52;
	v26 =	vmul.f32 v55, v3;
	v58 =	vsub.f32 $1.000000000e+00, v59;
	v3 =	vld.idx.msk [tilespmem:v49+s16+$0x0], $0xffff  }
0xcb: {  	v25 =	vmul.f32 v25, v47;
	v44 =	vsub.f32 $1.000000000e+00, v57;
	v54 =	vsub.f32 $1.000000000e+00, v18;
	v56 =	vld.idx.msk [tilespmem:v8+s16+$0x0], $0xffff  }
0xcc: {  	s13 =	sor.u32 $0x400, s5;
	v19 =	vmul.f32 v19, v46;
	v31 =	vadd.s32 $0x22, v8;
	v16 =	vadd.f32 v61, v16;
	v52 =	vld.idx.msk [tilespmem:v50+s16+$0x0], $0xffff  }
0xcd: {  	v61 =	vadd.f32 v9, v39;
	v39 =	vld.idx.msk [tilespmem:v32+s13+$0x0 ss:$0x1], $0xffff;
	v46 =	vmul.f32 v54, v44;
	v20 =	vmul.f32 v20, v53  }
0xce: {  	v19 =	vadd.f32 v23, v19;
	v23 =	vmul.f32 v41, v1;
	v41 =	vld.idx.msk [tilespmem:v34+s16+$0x0], $0xffff;
	v53 =	vmul.f32 v54, v57  }
0xcf: {  	s9 =	sor.u32 $0x800, s5;
	v47 =	vadd.s32 $0x441, v8;
	v55 =	vmul.f32 v46, v58;
	v9 =	vmul.f32 v46, v59  }
0xd0: {  	v19 =	vadd.f32 v25, v19;
	v46 =	vld.idx.msk [tilespmem:v32+s9+$0x0 ss:$0x1], $0xffff;
	v3 =	vmul.f32 v26, v3;
	v54 =	vmul.f32 v53, v58  }
0xd1: {  	v62 =	vld.idx.msk [tilespmem:v31+s16+$0x0], $0xffff;
	v16 =	vadd.f32 v23, v16;
	v25 =	vmul.f32 v55, v56;
	v23 =	vmul.f32 v9, v52  }
0xd2: {  	v22 =	vmul.f32 $3.200000000e+01, v39;
	v19 =	vadd.f32 v20, v19  }
0xd3: {  	v61 =	vadd.f32 v61, v3;
	v20 =	vmul.f32 v54, v41;
	v3 =	vadd.f32 v23, v25;
	v23 =	vld.idx.msk [tilespmem:v32+s5+$0x0 ss:$0x1], $0xffff  }
0xd4: {  	v22 =	vmax.f32 v22, $0.0e+00;
	v56 =	vadd.s32 $0x442, v8;
	v52 =	vmul.f32 v53, v59;
	v25 =	vld.idx.msk [tilespmem:v47+s16+$0x0], $0xffff  }
0xd5: {  	v6 =	vmovc v2;
	v39 =	vmul.f32 $3.200000000e+01, v46;
	v3 =	vadd.f32 v3, v20;
	v20 =	vmul.f32 v44, v18  }
0xd6: {  	v2 =	vld.idx.msk [tilespmem:v0+s12+$0x0], $0xffff;
	v22 =	vmin.f32 v22, $3.200000000e+01;
	[tilespmem:v11+s0+$0x0 ss:$0x1] =	vst.idx.msk $0xffff, v16;
	v41 =	vadd.s32 $0x463, v8;
	v62 =	vmul.f32 v52, v62  }
0xd7: {  	v0 =	vld [tilespmem:$0x1FCD0];
	v44 =	vadd.s32 $0x462, v8;
	v51 =	vmax.f32 v39, $0.0e+00;
	v53 =	vmul.f32 v20, v58  }
0xd8: {  	v18 =	vmul.f32 v18, v57;
	v57 =	vtrunc.f32 v22;
	v60 =	vmin.f32 v51, $3.200000000e+01  }
0xd9: {  	v3 =	vadd.f32 v3, v62;
	v62 =	vld.idx.msk [tilespmem:v56+s16+$0x0], $0xffff;
	v23 =	vmul.f32 $3.200000000e+01, v23;
	v25 =	vmul.f32 v53, v25  }
0xda: {  	v46 =	vcvt.f32.s32 v57;
	v51 =	vtrunc.f32 v60  }
0xdb: {  	v25 =	vadd.f32 v3, v25;
	v3 =	vmax.f32 v23, $0.0e+00;
	v23 =	vcvt.f32.s32 v51  }
0xdc: {  	v39 =	vmul.f32 v20, v59;
	v57 =	vld.idx.msk [tilespmem:v44+s16+$0x0], $0xffff  }
0xdd: {  	v12 =	vld.idx.msk [tilespmem:v12+s12+$0x0], $0xffff;
	v7 =	vmul.f32 v18, v58;
	vm7 =	vlt.s32 v46, $0x1F;
	vm8 =	vlt.s32 v23, $0x1F  }
0xde: {  	v1 =	vld.idx.msk [tilespmem:v41+s16+$0x0], $0xffff;
	v20 =	vnsel vm7, $0x1F, v46;
	v58 =	vmul.f32 v39, v62;
	v23 =	vnsel vm8, $0x1F, v23  }
0xdf: {  	v13 =	vld.idx.msk [tilespmem:v0+s12+$0x0], $0xffff;
	v0 =	vmul.u32 $0x21, v20;
	v3 =	vmin.f32 v3, $3.200000000e+01;
	v51 =	vmul.u32 $0x441, v23  }
0xe0: {  	v46 =	vtrunc.f32 v3;
	v25 =	vadd.f32 v25, v58  }
0xe1: {  	v57 =	vmul.f32 v7, v57;
	v0 =	vadd.s32 v0, v51;
	v51 =	vmul.f32 v18, v59  }
0xe2: {  	v5 =	vld.idx.msk [tilespmem:v5+s12+$0x0], $0xffff;
	v16 =	vmov v11;
	v62 =	vcvt.f32.s32 v46  }
0xe3: {  	v14 =	vld.idx.msk [tilespmem:v14+s12+$0x0], $0xffff;
	v20 =	vcvt.s32.f32 v20;
	v18 =	vadd.f32 v25, v57;
	v1 =	vmul.f32 v51, v1  }
0xe4: {  	v12 =	vmul.f32 v12, v17;
	[tilespmem:v11+s6+$0x0 ss:$0x1] =	vst.idx.msk $0xffff, v61;
	v11 =	vld.idx.msk [tilespmem:v21+s12+$0x0], $0xffff;
	v23 =	vcvt.s32.f32 v23;
	vm9 =	vlt.s32 v62, $0x1F  }
0xe5: {  	v21 =	vld [tilespmem:$0x1FCE0];
	v20 =	vsub.f32 v22, v20;
	v25 =	vnsel vm9, $0x1F, v62;
	v1 =	vadd.f32 v18, v1  }
0xe6: {  	v22 =	vsub.f32 v60, v23;
	v23 =	vld.idx.msk [tilespmem:v28+s11+$0x0], $0xffff;
	v0 =	vadd.s32 v25, v0;
	v25 =	vcvt.s32.f32 v25  }
0xe7: {  	v19 =	vadd.f32 v4, v19;
	v17 =	vsub.f32 $1.000000000e+00, v20;
	v28 =	vld.idx.msk [tilespmem:v6+s11+$0x0], $0xffff;
	[tilespmem:v16+s24+$0x0 ss:$0x1] =	vst.idx.msk $0xffff, v1  }
0xe8: {  	v4 =	vadd.s32 $0x1, v0;
	v3 =	vsub.f32 v3, v25;
	v18 =	vsub.f32 $1.000000000e+00, v22;
	v6 =	vld [tilespmem:$0x1FCF0]  }
0xe9: {  	v59 =	vld.idx.msk [tilespmem:v40+s11+$0x0], $0xffff  }
0xea: {  	v12 =	vadd.f32 v12, v19;
	v57 =	vld.idx.msk [tilespmem:v33+s11+$0x0], $0xffff;
	v19 =	vsub.f32 $1.000000000e+00, v3;
	v1 =	vmul.f32 v18, v17  }
0xeb: {  	v2 =	vmul.f32 v2, v21;
	v33 =	vld.idx.msk [tilespmem:v43+s11+$0x0], $0xffff  }
0xec: {  	v11 =	vmul.f32 v11, v15;
	v15 =	vld.idx.msk [tilespmem:v0+s16+$0x0], $0xffff;
	v25 =	vmul.f32 v1, v19  }
0xed: {  	v2 =	vadd.f32 v2, v45;
	v21 =	vld.idx.msk [tilespmem:v4+s16+$0x0], $0xffff;
	v29 =	vmul.f32 v13, v6  }
0xee: {  	v5 =	vmul.f32 v5, v35;
	v11 =	vadd.f32 v11, v12;
	v6 =	vld.idx.msk [tilespmem:v8+s11+$0x0], $0xffff;
	[tilespmem:$0x1FFA0] =	vst v25  }
0xef: {  	v45 =	vmul.f32 v1, v3;
	v1 =	vld.idx.msk [tilespmem:v50+s11+$0x0], $0xffff;
	[tilespmem:$0x1FD00] =	vst v27;
	v2 =	vadd.f32 v29, v2  }
0xf0: {  	[tilespmem:$0x1FD10] =	vst v24  }
0xf1: {  	v12 =	vmul.f32 v27, v59;
	v59 =	vld.idx.msk [tilespmem:v30+s11+$0x0], $0xffff;
	[tilespmem:$0x1FF10] =	vst v2;
	v2 =	vadd.f32 v5, v11  }
0xf2: {  	v62 =	vadd.s32 $0x21, v0  }
0xf3: {  	v57 =	vmul.f32 v57, v24;
	[tilespmem:$0x1FF30] =	vst v2  }
0xf4: {  	v13 =	vadd.s32 $0x22, v0;
	v29 =	vmul.f32 v18, v20;
	v2 =	vld.idx.msk [tilespmem:v34+s11+$0x0], $0xffff  }
0xf5: {  	v23 =	vmul.f32 v23, v37;
	v11 =	vadd.f32 v57, v12;
	v12 =	vmul.f32 v25, v15  }
0xf6: {  	v15 =	vmul.f32 v45, v21;
	v5 =	vmul.f32 v29, v3;
	v35 =	vld.idx.msk [tilespmem:v31+s11+$0x0], $0xffff  }
0xf7: {  	v6 =	vmul.f32 v55, v6;
	v1 =	vmul.f32 v1, v9;
	v21 =	vld.idx.msk [tilespmem:v62+s16+$0x0], $0xffff  }
0xf8: {  	v57 =	vmul.f32 v17, v22;
	v17 =	vmov v37;
	v12 =	vadd.f32 v15, v12;
	v37 =	vld.idx.msk [tilespmem:v47+s11+$0x0], $0xffff  }
0xf9: {  	v15 =	vld.idx.msk [tilespmem:v13+s16+$0x0], $0xffff;
	[tilespmem:$0x1FFB0] =	vst v5;
	v1 =	vadd.f32 v1, v6;
	v2 =	vmul.f32 v2, v54  }
0xfa: {  	v11 =	vadd.f32 v23, v11;
	v23 =	vmul.f32 v28, v38;
	v28 =	vld.idx.msk [tilespmem:v56+s11+$0x0], $0xffff  }
0xfb: {  	v1 =	vadd.f32 v2, v1;
	v2 =	vmul.f32 v35, v52  }
0xfc: {  	v27 =	vmul.f32 v29, v19  }
0xfd: {  	v63 =	vadd.s32 $0x441, v0;
	v1 =	vadd.f32 v2, v1;
	v2 =	vmul.f32 v37, v53  }
0xfe: {  	v21 =	vmul.f32 v27, v21  }
0xff: {  	v25 =	vadd.s32 $0x442, v0;
	v6 =	vld.idx.msk [tilespmem:v48+s11+$0x0], $0xffff;
	v1 =	vadd.f32 v2, v1;
	v2 =	vmul.f32 v28, v39  }
0x100: {  	v12 =	vadd.f32 v12, v21;
	v21 =	vld.idx.msk [tilespmem:v44+s11+$0x0], $0xffff  }
0x101: {  	s8 =	simm.s32 $0xC0;
	s1 =	simm.s32 $0x60;
	v15 =	vmul.f32 v5, v15;
	v1 =	vadd.f32 v2, v1;
	v2 =	vld [tilespmem:$0x1FD20]  }
0x102: {  	s14 =	sand.u32 $0x300, s8;
	s25 =	sand.u32 $0x60, s1;
	v18 =	vmov v38;
	v29 =	vmul.f32 v22, v20;
	v38 =	vld.idx.msk [tilespmem:v63+s16+$0x0], $0xffff  }
0x103: {  	s0 =	sor.u32 s25, s14;
	v46 =	vmov v36;
	v12 =	vadd.f32 v12, v15;
	v15 =	vmul.f32 v33, v36;
	v36 =	vld.idx.msk [tilespmem:v41+s11+$0x0], $0xffff  }
0x104: {  	s20 =	sor.u32 $0x410, s0;
	v22 =	vmul.f32 v57, v3;
	v11 =	vadd.f32 v23, v11;
	v23 =	vld.idx.msk [tilespmem:v25+s16+$0x0], $0xffff;
	v37 =	vmul.f32 v29, v19  }
0x105: {  	v30 =	vmul.f32 v59, v42;
	v35 =	vmul.f32 v57, v19;
	v28 =	vld.idx.msk [tilespmem:v32+s20+$0x0 ss:$0x1], $0xffff  }
0x106: {  	s14 =	sor.u32 $0x810, s0;
	v61 =	vadd.s32 $0x462, v0;
	v19 =	vmovc v42;
	[tilespmem:$0x1FFE0] =	vst v37;
	v42 =	vmul.f32 v21, v7;
	v21 =	vmul.f32 v29, v3;
	v3 =	vld [tilespmem:$0x1FD30]  }
0x107: {  	v11 =	vadd.f32 v15, v11;
	v15 =	vmul.f32 v35, v38;
	v38 =	vld.idx.msk [tilespmem:v32+s14+$0x0 ss:$0x1], $0xffff  }
0x108: {  	v5 =	vmov v7;
	v7 =	vld [tilespmem:$0x1FD50];
	v24 =	vmul.f32 v36, v51;
	v1 =	vadd.f32 v42, v1  }
0x109: {  	s23 =	sor.u32 $0x10, s0;
	v2 =	vld.idx.msk [tilespmem:v2+s12+$0x0], $0xffff  }
0x10a: {  	v12 =	vadd.f32 v12, v15;
	v15 =	vmul.f32 v22, v23;
	v23 =	vld.idx.msk [tilespmem:v32+s23+$0x0 ss:$0x1], $0xffff;
	v1 =	vadd.f32 v24, v1  }
0x10b: {  	v3 =	vmul.f32 v14, v3;
	v14 =	vld.idx.msk [tilespmem:v61+s16+$0x0], $0xffff;
	[tilespmem:$0x1FD40] =	vst v10  }
0x10c: {  	[tilespmem:v16+s4+$0x0 ss:$0x1] =	vst.idx.msk $0xffff, v1  }
0x10d: {  	v1 =	vld [tilespmem:$0x1FD60]  }
0x10e: {  	v2 =	vmul.f32 v2, v7;
	v7 =	vld [tilespmem:$0x1FD80]  }
0x10f: {  	v60 =	vadd.s32 $0x463, v0;
	_ =	sdelay $0x1  }
0x110: {  	v6 =	vmul.f32 v6, v10;
	v11 =	vadd.f32 v30, v11;
	_ =	sdelay $0x1  }
0x111: {  	v6 =	vadd.f32 v6, v11;
	v11 =	vld.idx.msk [tilespmem:v49+s11+$0x0], $0xffff  }
0x112: {  	v2 =	vadd.f32 v2, v3;
	v3 =	vld.idx.msk [tilespmem:v60+s16+$0x0], $0xffff  }
0x113: {  	v1 =	vld.idx.msk [tilespmem:v1+s12+$0x0], $0xffff;
	[tilespmem:$0x1FD70] =	vst v26  }
0x114: {  	v12 =	vadd.f32 v12, v15;
	v15 =	vmul.f32 $3.200000000e+01, v28;
	v28 =	vmul.f32 $3.200000000e+01, v38;
	v58 =	vld.idx.msk [tilespmem:v7+s12+$0x0], $0xffff  }
0x115: {  	v7 =	vld [tilespmem:$0x1FD90]  }
0x116: {  	v15 =	vmax.f32 v15, $0.0e+00;
	v23 =	vmul.f32 $3.200000000e+01, v23;
	v24 =	vmax.f32 v28, $0.0e+00  }
0x117: {  	v15 =	vmin.f32 v15, $3.200000000e+01;
	v24 =	vmin.f32 v24, $3.200000000e+01;
	v14 =	vmul.f32 v37, v14  }
0x118: {  	v28 =	vtrunc.f32 v15;
	v23 =	vmax.f32 v23, $0.0e+00;
	v29 =	vtrunc.f32 v24;
	v8 =	vld.idx.msk [tilespmem:v8+s12+$0x0], $0xffff  }
0x119: {  	v28 =	vcvt.f32.s32 v28;
	v12 =	vadd.f32 v12, v14;
	v14 =	vmin.f32 v23, $3.200000000e+01;
	v23 =	vld.idx.msk [tilespmem:v50+s12+$0x0], $0xffff  }
0x11a: {  	v29 =	vcvt.f32.s32 v29;
	v1 =	vmul.f32 v1, v7;
	v7 =	vld [tilespmem:$0x1FDA0];
	_ =	sdelay $0x1  }
0x11b: {  	vm10 =	vlt.s32 v28, $0x1F;
	vm11 =	vlt.s32 v29, $0x1F;
	v30 =	vtrunc.f32 v14  }
0x11c: {  	v28 =	vnsel vm10, $0x1F, v28;
	v29 =	vnsel vm11, $0x1F, v29;
	v30 =	vcvt.f32.s32 v30  }
0x11d: {  	v20 =	vmovc v32;
	v32 =	vmul.u32 $0x21, v28;
	v59 =	vmul.u32 $0x441, v29;
	v3 =	vmul.f32 v21, v3  }
0x11e: {  	vm12 =	vlt.s32 v30, $0x1F;
	v8 =	vmul.f32 v8, v55;
	v9 =	vmul.f32 v23, v9  }
0x11f: {  	v11 =	vmul.f32 v11, v26;
	v30 =	vnsel vm12, $0x1F, v30;
	v3 =	vadd.f32 v12, v3;
	v23 =	vld [tilespmem:$0x1FDB0]  }
0x120: {  	v12 =	vadd.s32 v32, v59;
	v2 =	vadd.f32 v1, v2;
	v1 =	vadd.f32 v9, v8;
	v8 =	vld [tilespmem:$0x1FDC0]  }
0x121: {  	v6 =	vadd.f32 v11, v6;
	v32 =	vadd.s32 v30, v12;
	v11 =	vld.idx.msk [tilespmem:v7+s12+$0x0], $0xffff  }
0x122: {  	v7 =	vld.idx.msk [tilespmem:v34+s12+$0x0], $0xffff  }
0x123: {  	v28 =	vcvt.s32.f32 v28;
	v12 =	vld.idx.msk [tilespmem:v31+s12+$0x0], $0xffff;
	[tilespmem:v16+s2+$0x0 ss:$0x1] =	vst.idx.msk $0xffff, v6  }
0x124: {  	v6 =	vld [tilespmem:$0x1FDD0]  }
0x125: {  	v15 =	vsub.f32 v15, v28;
	v28 =	vld.idx.msk [tilespmem:v47+s12+$0x0], $0xffff  }
0x126: {  	v50 =	vmovc v22;
	v22 =	vmovc v35;
	v35 =	vcvt.s32.f32 v29;
	v29 =	vadd.s32 $0x1, v32;
	v9 =	vcvt.s32.f32 v30;
	v42 =	vld.idx.msk [tilespmem:v32+s16+$0x0], $0xffff  }
0x127: {  	v26 =	vmov v27;
	v27 =	vld [tilespmem:$0x1FDE0];
	v7 =	vmul.f32 v7, v54  }
0x128: {  	v24 =	vsub.f32 v24, v35;
	v9 =	vsub.f32 v14, v9;
	v14 =	vld.idx.msk [tilespmem:v56+s12+$0x0], $0xffff  }
0x129: {  	v12 =	vmul.f32 v12, v52;
	v23 =	vld.idx.msk [tilespmem:v23+s12+$0x0], $0xffff;
	v6 =	vmul.f32 v58, v6;
	v7 =	vadd.f32 v7, v1  }
0x12a: {  	v38 =	vsub.f32 $1.000000000e+00, v15;
	v47 =	vsub.f32 $1.000000000e+00, v24;
	v8 =	vld.idx.msk [tilespmem:v8+s12+$0x0], $0xffff  }
0x12b: {  	v2 =	vadd.f32 v6, v2;
	v1 =	vld.idx.msk [tilespmem:v29+s16+$0x0], $0xffff;
	v6 =	vadd.f32 v12, v7;
	v7 =	vmul.f32 v28, v53  }
0x12c: {  	v30 =	vmul.f32 v47, v38;
	v52 =	vsub.f32 $1.000000000e+00, v9;
	v11 =	vmul.f32 v11, v27;
	v27 =	vld [tilespmem:$0x1FDF0]  }
0x12d: {  	v6 =	vadd.f32 v7, v6;
	v7 =	vld [tilespmem:$0x1FE20]  }
0x12e: {  	v35 =	vmul.f32 v30, v9;
	v34 =	vmul.f32 v30, v52;
	v12 =	vld [tilespmem:$0x1FE00];
	_ =	sdelay $0x1  }
0x12f: {  	v31 =	vadd.s32 $0x21, v32;
	v57 =	vmul.f32 v34, v42;
	v1 =	vmul.f32 v35, v1  }
0x130: {  	v10 =	vmul.f32 v14, v39;
	v14 =	vld.idx.msk [tilespmem:v40+s12+$0x0], $0xffff  }
0x131: {  	s4 =	sor.u32 $0x400, s0;
	v7 =	vmul.f32 v8, v7;
	v8 =	vadd.f32 v1, v57;
	v1 =	vld [tilespmem:$0x1FE40]  }
0x132: {  	v59 =	vmul.f32 v23, v27;
	v23 =	vld.idx.msk [tilespmem:v20+s4+$0x0 ss:$0x1], $0xffff;
	_ =	sdelay $0x1  }
0x133: {  	v56 =	vld.idx.msk [tilespmem:v31+s16+$0x0], $0xffff  }
0x134: {  	s2 =	sor.u32 $0x800, s0;
	v12 =	vld.idx.msk [tilespmem:v12+s12+$0x0], $0xffff;
	[tilespmem:$0x1FE10] =	vst v14  }
0x135: {  	v30 =	vadd.s32 $0x22, v32;
	v58 =	vld.idx.msk [tilespmem:v20+s2+$0x0 ss:$0x1], $0xffff  }
0x136: {  	v33 =	vadd.s32 $0x441, v32;
	v28 =	vadd.f32 v11, v2;
	v2 =	vmul.f32 $3.200000000e+01, v23;
	v23 =	vld.idx.msk [tilespmem:v44+s12+$0x0], $0xffff;
	[tilespmem:$0x1FFC0] =	vst v7  }
0x137: {  	[tilespmem:$0x1FE30] =	vst v20  }
0x138: {  	v14 =	vmul.f32 v47, v15;
	v1 =	vld.idx.msk [tilespmem:v1+s12+$0x0], $0xffff  }
0x139: {  	v6 =	vadd.f32 v10, v6;
	v10 =	vld.idx.msk [tilespmem:v20+s0+$0x0 ss:$0x1], $0xffff  }
0x13a: {  	v37 =	vmul.f32 v14, v52;
	v44 =	vld.idx.msk [tilespmem:v30+s16+$0x0], $0xffff  }
0x13b: {  	v53 =	vmul.f32 v38, v24;
	v15 =	vmul.f32 v24, v15;
	v24 =	vld.idx.msk [tilespmem:v33+s16+$0x0], $0xffff  }
0x13c: {  	v27 =	vmul.f32 v37, v56;
	v56 =	vld.idx.msk [tilespmem:v41+s12+$0x0], $0xffff  }
0x13d: {  	[tilespmem:$0x1FE50] =	vst v1;
	v1 =	vld [tilespmem:$0x1FE60];
	_ =	sdelay $0x7  }
0x13e: {  	v1 =	vld.idx.msk [tilespmem:v1+s12+$0x0], $0xffff;
	_ =	sdelay $0x4  }
0x13f: {  	[tilespmem:$0x1FE70] =	vst v1;
	v1 =	vld [tilespmem:$0x1FE80];
	_ =	sdelay $0x7  }
0x140: {  	v36 =	vadd.s32 $0x442, v32;
	v1 =	vld.idx.msk [tilespmem:v1+s12+$0x0], $0xffff;
	_ =	sdelay $0x4  }
0x141: {  	v42 =	vld.idx.msk [tilespmem:v36+s16+$0x0], $0xffff;
	[tilespmem:$0x1FE90] =	vst v1  }
0x142: {  	v1 =	vld.idx.msk [tilespmem:v43+s12+$0x0], $0xffff;
	_ =	sdelay $0x4  }
0x143: {  	[tilespmem:$0x1FEA0] =	vst v1;
	v1 =	vld [tilespmem:$0x1FEB0];
	_ =	sdelay $0x7  }
0x144: {  	v40 =	vadd.s32 $0x462, v32;
	v2 =	vmax.f32 v2, $0.0e+00;
	v1 =	vld.idx.msk [tilespmem:v1+s12+$0x0], $0xffff  }
0x145: {  	v2 =	vmin.f32 v2, $3.200000000e+01  }
0x146: {  	v55 =	vtrunc.f32 v2  }
0x147: {  	v41 =	vmul.f32 v14, v9;
	v8 =	vadd.f32 v8, v27;
	v27 =	vmul.f32 $3.200000000e+01, v58  }
0x148: {  	v57 =	vcvt.f32.s32 v55  }
0x149: {  	v14 =	vmax.f32 v27, $0.0e+00;
	v27 =	vmul.f32 v41, v44;
	v44 =	vadd.s32 $0x463, v32;
	v55 =	vld.idx.msk [tilespmem:v40+s16+$0x0], $0xffff;
	[tilespmem:$0x1FEC0] =	vst v1  }
0x14a: {  	v38 =	vmul.f32 v53, v52;
	vm13 =	vlt.s32 v57, $0x1F;
	[tilespmem:v16+s5+$0x0 ss:$0x1] =	vst.idx.msk $0xffff, v3;
	v3 =	vld.idx.msk [tilespmem:v49+s12+$0x0], $0xffff  }
0x14b: {  	v39 =	vnsel vm13, $0x1F, v57;
	v10 =	vmul.f32 $3.200000000e+01, v10  }
0x14c: {  	v24 =	vmul.f32 v38, v24;
	v58 =	vcvt.s32.f32 v39  }
0x14d: {  	v14 =	vmin.f32 v14, $3.200000000e+01;
	v8 =	vadd.f32 v8, v27;
	v43 =	vmul.f32 v53, v9;
	v53 =	vmovc v45;
	v45 =	vld.idx.msk [tilespmem:v48+s12+$0x0], $0xffff  }
0x14e: {  	v10 =	vmax.f32 v10, $0.0e+00;
	v27 =	vtrunc.f32 v14;
	v47 =	vld.idx.msk [tilespmem:v44+s16+$0x0], $0xffff;
	[tilespmem:$0x1FEE0] =	vst v0  }
0x14f: {  	v57 =	vsub.f32 v2, v58;
	v27 =	vcvt.f32.s32 v27;
	v2 =	vadd.f32 v8, v24;
	[tilespmem:$0x1FED0] =	vst v3  }
0x150: {  	v8 =	vmin.f32 v10, $3.200000000e+01;
	v10 =	vmul.f32 v43, v42;
	v42 =	vmul.f32 v15, v52;
	v52 =	vld.idx.msk [tilespmem:v0+s11+$0x0], $0xffff  }
0x151: {  	vm14 =	vlt.s32 v27, $0x1F;
	v0 =	vld [tilespmem:$0x1FF10]  }
0x152: {  	v27 =	vnsel vm14, $0x1F, v27  }
0x153: {  	v2 =	vadd.f32 v2, v10;
	v10 =	vmul.u32 $0x441, v27;
	v3 =	vmul.u32 $0x21, v39  }
0x154: {  	[tilespmem:$0x1FEF0] =	vst v4  }
0x155: {  	v3 =	vadd.s32 v3, v10;
	v10 =	vld.idx.msk [tilespmem:v4+s11+$0x0], $0xffff;
	[tilespmem:$0x1FF00] =	vst v62  }
0x156: {  	[tilespmem:v16+s19+$0x0 ss:$0x1] =	vst.idx.msk $0xffff, v0  }
0x157: {  	v24 =	vtrunc.f32 v8;
	v1 =	vmov v16;
	v4 =	vld [tilespmem:$0x1FF30]  }
0x158: {  	v24 =	vcvt.f32.s32 v24  }
0x159: {  	v58 =	vmul.f32 v42, v55  }
0x15a: {  	vm15 =	vlt.s32 v24, $0x1F;
	v39 =	vmul.f32 v15, v9  }
0x15b: {  	v27 =	vcvt.s32.f32 v27;
	v7 =	vmovc v1;
	v9 =	vnsel vm15, $0x1F, v24;
	v15 =	vadd.f32 v2, v58;
	v24 =	vld.idx.msk [tilespmem:v62+s11+$0x0], $0xffff;
	[tilespmem:$0x1FF20] =	vst v13  }
0x15c: {  	v2 =	vadd.s32 v9, v3;
	v3 =	vmul.f32 v39, v47;
	v16 =	vld.idx.msk [tilespmem:v13+s11+$0x0], $0xffff;
	[tilespmem:v1+s21+$0x0 ss:$0x1] =	vst.idx.msk $0xffff, v4  }
0x15d: {  	v14 =	vsub.f32 v14, v27;
	v55 =	vadd.s32 $0x1, v2;
	v0 =	vcvt.s32.f32 v9;
	[tilespmem:$0x1FF40] =	vst v63;
	v1 =	vld [tilespmem:$0x1FF50]  }
0x15e: {  	v5 =	vmul.f32 v23, v5;
	v23 =	vsub.f32 $1.000000000e+00, v57;
	v3 =	vadd.f32 v15, v3;
	v13 =	vld.idx.msk [tilespmem:v63+s11+$0x0], $0xffff;
	[tilespmem:$0x1FF60] =	vst v25  }
0x15f: {  	v0 =	vsub.f32 v8, v0;
	v63 =	vsub.f32 $1.000000000e+00, v14;
	v20 =	vld.idx.msk [tilespmem:v25+s11+$0x0], $0xffff;
	[tilespmem:$0x1FF70] =	vst v61  }
0x160: {  	v5 =	vadd.f32 v5, v6;
	v4 =	vmul.f32 v56, v51;
	v51 =	vld.idx.msk [tilespmem:v61+s11+$0x0], $0xffff  }
0x161: {  	v48 =	vsub.f32 $1.000000000e+00, v0;
	v8 =	vmul.f32 v63, v23;
	[tilespmem:v7+s23+$0x0 ss:$0x1] =	vst.idx.msk $0xffff, v3;
	v47 =	vld.idx.msk [tilespmem:v2+s16+$0x0], $0xffff  }
0x162: {  	v3 =	vadd.f32 v4, v5;
	v4 =	vmul.f32 v23, v14;
	v23 =	vld.idx.msk [tilespmem:v55+s16+$0x0], $0xffff;
	[tilespmem:$0x1FF80] =	vst v60  }
0x163: {  	v6 =	vmul.f32 v8, v0;
	v5 =	vmul.f32 v8, v48;
	v8 =	vld.idx.msk [tilespmem:v60+s11+$0x0], $0xffff;
	_ =	sdelay $0x3  }
0x164: {  	[tilespmem:$0x1FF90] =	vst v7  }
0x165: {  	v58 =	vadd.s32 $0x21, v2;
	v54 =	vmul.f32 v12, v1;
	v1 =	vmul.f32 v63, v57;
	[tilespmem:$0x1FFF0] =	vst v8  }
0x166: {  	[tilespmem:v7+s31+$0x0 ss:$0x1] =	vst.idx.msk $0xffff, v3  }
0x167: {  	v63 =	vmul.f32 v1, v0;
	v3 =	vmul.f32 v1, v48;
	v1 =	vld [tilespmem:$0x1FFA0];
	_ =	sdelay $0x1  }
0x168: {  	v62 =	vmul.f32 v4, v48  }
0x169: {  	v61 =	vmul.f32 v4, v0;
	v4 =	vmul.f32 v10, v53;
	v10 =	vld.idx.msk [tilespmem:v58+s16+$0x0], $0xffff;
	_ =	sdelay $0x1  }
0x16a: {  	v14 =	vmul.f32 v14, v57;
	v7 =	vmul.f32 v1, v52  }
0x16b: {  	v9 =	vadd.f32 v59, v28;
	v49 =	vmul.f32 v5, v47;
	v23 =	vmul.f32 v6, v23;
	v8 =	vld.idx.msk [tilespmem:v32+s11+$0x0], $0xffff  }
0x16c: {  	v24 =	vmul.f32 v24, v26;
	v56 =	vadd.s32 $0x22, v2;
	v11 =	vld.idx.msk [tilespmem:v29+s11+$0x0], $0xffff;
	v4 =	vadd.f32 v4, v7  }
0x16d: {  	v59 =	vmul.f32 v14, v0;
	v0 =	vadd.f32 v23, v49;
	v23 =	vmul.f32 v3, v10;
	v10 =	vld [tilespmem:$0x1FFC0]  }
0x16e: {  	v57 =	vadd.s32 $0x441, v2;
	v60 =	vmul.f32 v14, v48;
	v14 =	vadd.f32 v24, v4;
	v4 =	vld [tilespmem:$0x1FFB0]  }
0x16f: {  	v25 =	vmov v1;
	v1 =	vld.idx.msk [tilespmem:v31+s11+$0x0], $0xffff;
	_ =	sdelay $0x1  }
0x170: {  	v15 =	vld.idx.msk [tilespmem:v30+s11+$0x0], $0xffff  }
0x171: {  	v8 =	vmul.f32 v34, v8;
	v11 =	vmul.f32 v11, v35;
	v7 =	vld.idx.msk [tilespmem:v56+s16+$0x0], $0xffff;
	v9 =	vadd.f32 v10, v9  }
0x172: {  	v49 =	vadd.s32 $0x462, v2;
	v52 =	vadd.s32 $0x442, v2;
	v24 =	vld.idx.msk [tilespmem:v57+s16+$0x0], $0xffff;
	v16 =	vmul.f32 v16, v4  }
0x173: {  	v1 =	vmul.f32 v1, v37;
	v27 =	vmov v4;
	v4 =	vld.idx.msk [tilespmem:v33+s11+$0x0], $0xffff;
	[tilespmem:$0x1FFD0] =	vst v9;
	v9 =	vadd.f32 v11, v8  }
0x174: {  	v23 =	vadd.f32 v0, v23;
	v0 =	vmul.f32 v13, v22;
	v12 =	vadd.f32 v16, v14  }
0x175: {  	v14 =	vadd.f32 v1, v9;
	v1 =	vld [tilespmem:$0x1FFE0]  }
0x176: {  	v48 =	vadd.s32 $0x463, v2;
	v16 =	vmul.f32 v15, v41;
	v15 =	vadd.f32 v0, v12;
	v0 =	vld [tilespmem:$0x1FFF0]  }
0x177: {  	v10 =	vld.idx.msk [tilespmem:v52+s16+$0x0], $0xffff  }
0x178: {  	v7 =	vmul.f32 v63, v7;
	v8 =	vld.idx.msk [tilespmem:v36+s11+$0x0], $0xffff  }
0x179: {  	s31 =	sadd.s32 s22, s30;
	v11 =	vld.idx.msk [tilespmem:v49+s16+$0x0], $0xffff  }
0x17a: {  	v23 =	vadd.f32 v23, v7;
	v24 =	vmul.f32 v62, v24;
	v7 =	vld.idx.msk [tilespmem:v40+s11+$0x0], $0xffff;
	[dreg:$0x14] =	wrdreg s31;
	v9 =	vmul.f32 v20, v50  }
0x17b: {  	v12 =	vld.idx.msk [tilespmem:v48+s16+$0x0], $0xffff;
	v47 =	vmovc v1;
	v1 =	vmul.f32 v51, v1;
	v51 =	vmov v21;
	v0 =	vmul.f32 v0, v21  }
.LBB2_3:
0x17c: {  	v13 =	vld [tilespmem:$0x1FD00]  }
0x17d: {  	v20 =	vld [tilespmem:$0x1FE10];
	_ =	sdelay $0x3  }
0x17e: {  	v9 =	vadd.f32 v9, v15;
	v15 =	vld [tilespmem:$0x1FE50]  }
0x17f: {  	v28 =	vmul.f32 v20, v13;
	v13 =	vld [tilespmem:$0x1FD10];
	_ =	sdelay $0x4  }
0x180: {  	v15 =	vmul.f32 v15, v13;
	v13 =	vmov v53  }
0x181: {  	[tilespmem:$0x1FD10] =	vst v13;
	v13 =	vld [tilespmem:$0x1FE30];
	_ =	sdelay $0x3  }
0x182: {  	v21 =	vld [tilespmem:$0x1FF90]  }
0x183: {  	s1 =	sadd.s32 $0x20, s1;
	s8 =	sadd.s32 $0x40, s8;
	v14 =	vadd.f32 v16, v14;
	v16 =	vmul.f32 v4, v38  }
0x184: {  	s21 =	sand.u32 $0x60, s1;
	s23 =	sand.u32 $0x300, s8;
	v24 =	vadd.f32 v23, v24;
	v10 =	vmul.f32 v61, v10  }
0x185: {  	s19 =	sor.u32 s21, s23;
	v1 =	vadd.f32 v1, v9;
	v8 =	vmul.f32 v8, v43;
	v14 =	vadd.f32 v16, v14  }
0x186: {  	s31 =	sor.u32 $0x10, s19;
	v11 =	vmul.f32 v60, v11;
	v10 =	vadd.f32 v24, v10;
	v16 =	vld.idx.msk [tilespmem:v13+s19+$0x0 ss:$0x1], $0xffff  }
0x187: {  	s25 =	sor.u32 $0x410, s19;
	v0 =	vadd.f32 v0, v1;
	v8 =	vadd.f32 v8, v14;
	v9 =	vld.idx.msk [tilespmem:v13+s31+$0x0 ss:$0x1], $0xffff  }
0x188: {  	s23 =	sor.u32 $0x810, s19;
	v10 =	vadd.f32 v10, v11;
	v11 =	vmul.f32 v59, v12;
	v14 =	vadd.f32 v15, v28;
	v15 =	vld.idx.msk [tilespmem:v13+s25+$0x0 ss:$0x1], $0xffff  }
0x189: {  	s24 =	sor.u32 $0x400, s19;
	v1 =	vld.idx.msk [tilespmem:v13+s23+$0x0 ss:$0x1], $0xffff  }
0x18a: {  	s21 =	sor.u32 $0x800, s19;
	v10 =	vadd.f32 v10, v11;
	v12 =	vld.idx.msk [tilespmem:v13+s24+$0x0 ss:$0x1], $0xffff;
	[tilespmem:v21+s13+$0x0 ss:$0x1] =	vst.idx.msk $0xffff, v0  }
0x18b: {  	v24 =	vld.idx.msk [tilespmem:v13+s21+$0x0 ss:$0x1], $0xffff  }
0x18c: {  	[tilespmem:v21+s0+$0x0 ss:$0x1] =	vst.idx.msk $0xffff, v10;
	v10 =	vld [tilespmem:$0x1FD70]  }
0x18d: {  	v13 =	vld [tilespmem:$0x1FED0];
	_ =	sdelay $0x4  }
0x18e: {  	v10 =	vmul.f32 v13, v10;
	v13 =	vmov v22;
	_ =	sdelay $0x2  }
0x18f: {  	[tilespmem:$0x1FCB0] =	vst v13;
	v13 =	vmov v51  }
0x190: {  	[tilespmem:$0x1FD70] =	vst v13;
	v13 =	vld [tilespmem:$0x1FEF0];
	_ =	sdelay $0x7  }
0x191: {  	v13 =	vld.idx.msk [tilespmem:v13+s12+$0x0], $0xffff;
	_ =	sdelay $0x4  }
0x192: {  	[tilespmem:$0x1FE50] =	vst v13;
	v13 =	vmov v55  }
0x193: {  	[tilespmem:$0x1FEF0] =	vst v13;
	v13 =	vld [tilespmem:$0x1FF00]  }
0x194: {  	v0 =	vld [tilespmem:$0x1FE90]  }
0x195: {  	v7 =	vmul.f32 v7, v42  }
0x196: {  	v4 =	vld.idx.msk [tilespmem:v44+s11+$0x0], $0xffff  }
0x197: {  	v7 =	vadd.f32 v7, v8;
	v8 =	vld [tilespmem:$0x1FE70];
	_ =	sdelay $0x1  }
0x198: {  	v11 =	vmul.f32 v0, v18;
	v0 =	vld [tilespmem:$0x1FEA0];
	_ =	sdelay $0x1  }
0x199: {  	v13 =	vld.idx.msk [tilespmem:v13+s12+$0x0], $0xffff  }
0x19a: {  	v4 =	vmul.f32 v4, v39;
	v8 =	vmul.f32 v8, v17;
	_ =	sdelay $0x1  }
0x19b: {  	v4 =	vadd.f32 v4, v7;
	v7 =	vadd.f32 v8, v14;
	v14 =	vmul.f32 v0, v46;
	v0 =	vld [tilespmem:$0x1FEE0];
	_ =	sdelay $0x1  }
0x19c: {  	[tilespmem:$0x1FE70] =	vst v13;
	v13 =	vmov v58  }
0x19d: {  	[tilespmem:$0x1FF00] =	vst v13;
	v13 =	vld [tilespmem:$0x1FF20];
	_ =	sdelay $0x4  }
0x19e: {  	v0 =	vld.idx.msk [tilespmem:v0+s12+$0x0], $0xffff;
	_ =	sdelay $0x2  }
0x19f: {  	v13 =	vld.idx.msk [tilespmem:v13+s12+$0x0], $0xffff;
	_ =	sdelay $0x1  }
0x1a0: {  	[tilespmem:$0x1FE10] =	vst v0;
	v0 =	vld [tilespmem:$0x1FEC0];
	_ =	sdelay $0x2  }
0x1a1: {  	[tilespmem:$0x1FE90] =	vst v13;
	v13 =	vmov v56  }
0x1a2: {  	[tilespmem:$0x1FF20] =	vst v13;
	v13 =	vld [tilespmem:$0x1FF40]  }
0x1a3: {  	v8 =	vmul.f32 v0, v19;
	v0 =	vmov v2  }
0x1a4: {  	[tilespmem:$0x1FEE0] =	vst v0;
	v0 =	vld.idx.msk [tilespmem:v2+s11+$0x0], $0xffff  }
0x1a5: {  	[tilespmem:v21+s20+$0x0 ss:$0x1] =	vst.idx.msk $0xffff, v4;
	v2 =	vld [tilespmem:$0x1FD40]  }
0x1a6: {  	v30 =	vld.idx.msk [tilespmem:v30+s12+$0x0], $0xffff;
	_ =	sdelay $0x1  }
0x1a7: {  	v16 =	vmul.f32 $3.200000000e+01, v16;
	v18 =	vmul.f32 $3.200000000e+01, v15;
	v15 =	vld.idx.msk [tilespmem:v29+s12+$0x0], $0xffff  }
0x1a8: {  	v9 =	vmul.f32 $3.200000000e+01, v9;
	v4 =	vadd.f32 v11, v7;
	v11 =	vld.idx.msk [tilespmem:v32+s12+$0x0], $0xffff  }
0x1a9: {  	v23 =	vmovc v54;
	v1 =	vmul.f32 $3.200000000e+01, v1;
	v7 =	vmul.f32 v45, v2;
	v2 =	vmax.f32 v16, $0.0e+00;
	v13 =	vld.idx.msk [tilespmem:v13+s12+$0x0], $0xffff  }
0x1aa: {  	v30 =	vmul.f32 v30, v41;
	[tilespmem:$0x1FC70] =	vst v10;
	v10 =	vmul.f32 $3.200000000e+01, v12;
	v12 =	vmax.f32 v9, $0.0e+00;
	v46 =	vmovc v3;
	v3 =	vmovc v27  }
0x1ab: {  	v54 =	vmovc v6;
	v6 =	vmovc v25;
	v18 =	vmax.f32 v18, $0.0e+00;
	v1 =	vmax.f32 v1, $0.0e+00;
	[tilespmem:$0x1FCA0] =	vst v3;
	v3 =	vmin.f32 v12, $3.200000000e+01;
	v12 =	vld.idx.msk [tilespmem:v31+s12+$0x0], $0xffff  }
0x1ac: {  	[tilespmem:$0x1FD00] =	vst v6;
	v15 =	vmul.f32 v15, v35;
	v29 =	vtrunc.f32 v3;
	v6 =	vmin.f32 v2, $3.200000000e+01;
	v2 =	vmovc v50  }
0x1ad: {  	v34 =	vmul.f32 v11, v34;
	v16 =	vmin.f32 v18, $3.200000000e+01;
	v45 =	vmin.f32 v1, $3.200000000e+01;
	[tilespmem:$0x1FC80] =	vst v2  }
0x1ae: {  	v33 =	vld.idx.msk [tilespmem:v33+s12+$0x0], $0xffff;
	v31 =	vtrunc.f32 v45;
	v2 =	vmax.f32 v10, $0.0e+00;
	v10 =	vtrunc.f32 v16;
	[tilespmem:$0x1FEA0] =	vst v13;
	v13 =	vmovc v57  }
0x1af: {  	v17 =	vmov v47;
	v31 =	vcvt.f32.s32 v31;
	v47 =	vcvt.f32.s32 v10;
	[tilespmem:$0x1FF40] =	vst v13;
	v13 =	vld [tilespmem:$0x1FF60]  }
0x1b0: {  	v50 =	vmovc v60;
	v60 =	vadd.f32 v14, v4;
	v14 =	vadd.f32 v15, v34;
	v15 =	vmul.f32 v12, v37  }
0x1b1: {  	v53 =	vmovc v59;
	v59 =	vld.idx.msk [tilespmem:v36+s12+$0x0], $0xffff;
	v4 =	vcvt.f32.s32 v29;
	vm1 =	vlt.s32 v31, $0x1F;
	vm0 =	vlt.s32 v47, $0x1F  }
0x1b2: {  	v22 =	vmovc v61;
	v31 =	vnsel vm1, $0x1F, v31;
	v15 =	vadd.f32 v15, v14;
	v61 =	vnsel vm0, $0x1F, v47  }
0x1b3: {  	v28 =	vmovc v62;
	v62 =	vld.idx.msk [tilespmem:v40+s12+$0x0], $0xffff;
	vm12 =	vlt.s32 v4, $0x1F;
	v29 =	vmul.u32 $0x441, v31;
	v32 =	vmul.u32 $0x21, v61  }
0x1b4: {  	v33 =	vmul.f32 v33, v38;
	v4 =	vnsel vm12, $0x1F, v4;
	v30 =	vadd.f32 v30, v15  }
0x1b5: {  	v20 =	vmovc v5;
	v5 =	vmovc v26;
	v26 =	vmov v63;
	v63 =	vld.idx.msk [tilespmem:v44+s12+$0x0], $0xffff;
	v47 =	vcvt.s32.f32 v4;
	v29 =	vadd.s32 v32, v29  }
0x1b6: {  	v32 =	vadd.s32 v4, v29;
	v4 =	vadd.f32 v33, v30;
	v30 =	vmul.f32 v59, v43  }
0x1b7: {  	v13 =	vld.idx.msk [tilespmem:v13+s12+$0x0], $0xffff  }
0x1b8: {  	v59 =	vmul.f32 v62, v42;
	v29 =	vadd.s32 $0x1, v32;
	v4 =	vadd.f32 v30, v4  }
0x1b9: {  	v9 =	vld.idx.msk [tilespmem:v55+s11+$0x0], $0xffff;
	v55 =	vcvt.s32.f32 v31;
	v31 =	vadd.s32 $0x21, v32  }
0x1ba: {  	v51 =	vcvt.s32.f32 v61;
	v61 =	vmul.f32 v63, v39;
	v4 =	vadd.f32 v59, v4;
	_ =	sdelay $0x1  }
0x1bb: {  	v41 =	vld.idx.msk [tilespmem:v32+s16+$0x0], $0xffff;
	v4 =	vadd.f32 v61, v4;
	[tilespmem:$0x1FEC0] =	vst v13;
	v13 =	vmov v52  }
0x1bc: {  	v43 =	vld.idx.msk [tilespmem:v29+s16+$0x0], $0xffff  }
0x1bd: {  	v61 =	vld.idx.msk [tilespmem:v31+s16+$0x0], $0xffff;
	[tilespmem:v21+s14+$0x0 ss:$0x1] =	vst.idx.msk $0xffff, v4  }
0x1be: {  	v4 =	vld [tilespmem:$0x1FF70];
	[tilespmem:$0x1FF60] =	vst v13;
	v13 =	vmov v49  }
0x1bf: {  	[tilespmem:$0x1FF70] =	vst v13;
	v13 =	vld [tilespmem:$0x1FF80]  }
0x1c0: {  	v24 =	vmul.f32 $3.200000000e+01, v24;
	_ =	sdelay $0x1  }
0x1c1: {  	v24 =	vmax.f32 v24, $0.0e+00  }
0x1c2: {  	[tilespmem:$0x1FC90] =	vst v5;
	v24 =	vmin.f32 v24, $3.200000000e+01;
	v5 =	vtrunc.f32 v6  }
0x1c3: {  	v2 =	vmin.f32 v2, $3.200000000e+01;
	v16 =	vsub.f32 v16, v51;
	v42 =	vsub.f32 v45, v55  }
0x1c4: {  	v5 =	vcvt.f32.s32 v5;
	v37 =	vtrunc.f32 v2;
	v3 =	vsub.f32 v3, v47  }
0x1c5: {  	v11 =	vld.idx.msk [tilespmem:v57+s11+$0x0], $0xffff;
	v38 =	vsub.f32 $1.000000000e+00, v16;
	v30 =	vadd.s32 $0x22, v32;
	v39 =	vsub.f32 $1.000000000e+00, v42  }
0x1c6: {  	vm15 =	vlt.s32 v5, $0x1F;
	v63 =	vcvt.f32.s32 v37;
	v62 =	vtrunc.f32 v24;
	v13 =	vld.idx.msk [tilespmem:v13+s12+$0x0], $0xffff  }
0x1c7: {  	v12 =	vld.idx.msk [tilespmem:v52+s11+$0x0], $0xffff;
	v55 =	vsub.f32 $1.000000000e+00, v3;
	v33 =	vadd.s32 $0x441, v32;
	v51 =	vmul.f32 v39, v38  }
0x1c8: {  	v15 =	vld.idx.msk [tilespmem:v48+s11+$0x0], $0xffff;
	vm13 =	vlt.s32 v63, $0x1F;
	v62 =	vcvt.f32.s32 v62;
	v39 =	vmul.f32 v39, v16  }
0x1c9: {  	v36 =	vadd.s32 $0x442, v32;
	v34 =	vmul.f32 v51, v55;
	v35 =	vmul.f32 v51, v3;
	v45 =	vld.idx.msk [tilespmem:v4+s12+$0x0], $0xffff  }
0x1ca: {  	v40 =	vadd.s32 $0x462, v32;
	vm14 =	vlt.s32 v62, $0x1F;
	v37 =	vmul.f32 v39, v55;
	v4 =	vld.idx.msk [tilespmem:v30+s16+$0x0], $0xffff  }
0x1cb: {  	v43 =	vmul.f32 v35, v43;
	[tilespmem:$0x1FED0] =	vst v13;
	v13 =	vmovc v48;
	v48 =	vnsel vm13, $0x1F, v63;
	v63 =	vmul.f32 v34, v41  }
0x1cc: {  	v44 =	vadd.s32 $0x463, v32;
	v47 =	vmul.f32 v38, v42;
	v57 =	vld.idx.msk [tilespmem:v33+s16+$0x0], $0xffff;
	v52 =	vnsel vm14, $0x1F, v62  }
0x1cd: {  	v14 =	vld.idx.msk [tilespmem:v49+s11+$0x0], $0xffff;
	v41 =	vmul.f32 v39, v3;
	v62 =	vadd.f32 v43, v63;
	v63 =	vmul.f32 v37, v61  }
0x1ce: {  	v5 =	vnsel vm15, $0x1F, v5;
	v16 =	vmul.f32 v42, v16;
	v49 =	vld.idx.msk [tilespmem:v36+s16+$0x0], $0xffff  }
0x1cf: {  	v10 =	vld.idx.msk [tilespmem:v56+s11+$0x0], $0xffff;
	v38 =	vmul.f32 v47, v55;
	v4 =	vmul.f32 v41, v4;
	v39 =	vadd.f32 v62, v63  }
0x1d0: {  	v56 =	vmul.u32 $0x441, v52;
	v59 =	vmul.u32 $0x21, v48;
	v48 =	vcvt.s32.f32 v48;
	v61 =	vld.idx.msk [tilespmem:v40+s16+$0x0], $0xffff  }
0x1d1: {  	v43 =	vmul.f32 v47, v3;
	v4 =	vadd.f32 v39, v4;
	v39 =	vmul.f32 v38, v57  }
0x1d2: {  	v42 =	vmul.f32 v16, v55;
	v47 =	vld.idx.msk [tilespmem:v44+s16+$0x0], $0xffff;
	v62 =	vsub.f32 v2, v48;
	v2 =	vcvt.s32.f32 v52  }
0x1d3: {  	v59 =	vadd.s32 v59, v56;
	v49 =	vmul.f32 v43, v49;
	v4 =	vadd.f32 v4, v39  }
0x1d4: {  	v63 =	vcvt.s32.f32 v5;
	v24 =	vsub.f32 v24, v2;
	v2 =	vadd.s32 v5, v59  }
0x1d5: {  	v39 =	vmul.f32 v16, v3;
	v3 =	vadd.f32 v4, v49;
	v4 =	vmul.f32 v42, v61  }
0x1d6: {  	v59 =	vsub.f32 v6, v63;
	v55 =	vadd.s32 $0x1, v2  }
0x1d7: {  	v1 =	vld.idx.msk [tilespmem:v58+s11+$0x0], $0xffff;
	v58 =	vadd.s32 $0x21, v2;
	v3 =	vadd.f32 v3, v4;
	v4 =	vmul.f32 v39, v47  }
0x1d8: {  	v16 =	vsub.f32 $1.000000000e+00, v62;
	v5 =	vsub.f32 $1.000000000e+00, v24  }
0x1d9: {  	[tilespmem:$0x1FD40] =	vst v17;
	v17 =	vld.idx.msk [tilespmem:v2+s16+$0x0], $0xffff;
	v4 =	vadd.f32 v3, v4  }
0x1da: {  	v9 =	vmul.f32 v9, v54;
	[tilespmem:$0x1FF80] =	vst v13;
	v13 =	vsub.f32 $1.000000000e+00, v59;
	v48 =	vmul.f32 v5, v16  }
0x1db: {  	v0 =	vmul.f32 v20, v0;
	v18 =	vld.idx.msk [tilespmem:v55+s16+$0x0], $0xffff;
	[tilespmem:v21+s31+$0x0 ss:$0x1] =	vst.idx.msk $0xffff, v4;
	v4 =	vmul.f32 v16, v24  }
0x1dc: {  	v25 =	vmov v20;
	v47 =	vmul.f32 v5, v62;
	v5 =	vmul.f32 v48, v13;
	v20 =	vld.idx.msk [tilespmem:v58+s16+$0x0], $0xffff  }
0x1dd: {  	v56 =	vadd.s32 $0x22, v2;
	v24 =	vmul.f32 v24, v62;
	v16 =	vld.idx.msk [tilespmem:v32+s11+$0x0], $0xffff;
	v62 =	vmul.f32 v4, v13  }
0x1de: {  	v61 =	vmul.f32 v4, v59;
	v4 =	vadd.f32 v8, v60;
	v8 =	vmul.f32 v5, v17;
	v17 =	vld [tilespmem:$0x1FFD0]  }
0x1df: {  	v0 =	vadd.f32 v9, v0;
	v1 =	vmul.f32 v1, v46;
	v6 =	vmul.f32 v48, v59;
	v19 =	vld.idx.msk [tilespmem:v29+s11+$0x0], $0xffff  }
0x1e0: {  	v3 =	vmul.f32 v47, v13;
	v60 =	vmul.f32 v24, v13;
	v13 =	vld.idx.msk [tilespmem:v31+s11+$0x0], $0xffff;
	v4 =	vadd.f32 v7, v4  }
0x1e1: {  	v27 =	vmov v26;
	v0 =	vadd.f32 v1, v0;
	v57 =	vadd.s32 $0x441, v2;
	v7 =	vld.idx.msk [tilespmem:v30+s11+$0x0], $0xffff  }
0x1e2: {  	v52 =	vadd.s32 $0x442, v2;
	[tilespmem:$0x1FFD0] =	vst v4;
	v4 =	vmul.f32 v6, v18;
	v18 =	vmul.f32 v10, v26;
	v26 =	vmovc v46;
	v46 =	vld [tilespmem:$0x1FCB0]  }
0x1e3: {  	v17 =	vadd.f32 v23, v17;
	v23 =	vld.idx.msk [tilespmem:v56+s16+$0x0], $0xffff  }
0x1e4: {  	v51 =	vmovc v53;
	v49 =	vadd.s32 $0x462, v2;
	v18 =	vadd.f32 v18, v0;
	v0 =	vmul.f32 v15, v53;
	v53 =	vmovc v54;
	v54 =	vld [tilespmem:$0x1FC70]  }
0x1e5: {  	[tilespmem:v21+s10+$0x0 ss:$0x1] =	vst.idx.msk $0xffff, v17;
	v21 =	vmul.f32 v11, v28;
	v11 =	vadd.f32 v4, v8;
	v4 =	vld.idx.msk [tilespmem:v33+s11+$0x0], $0xffff  }
0x1e6: {  	v8 =	vmul.f32 v34, v16;
	v16 =	vmul.f32 v19, v35;
	v17 =	vld.idx.msk [tilespmem:v57+s16+$0x0], $0xffff  }
0x1e7: {  	v48 =	vadd.s32 $0x463, v2;
	v19 =	vmul.f32 v3, v20;
	v10 =	vld.idx.msk [tilespmem:v52+s16+$0x0], $0xffff  }
0x1e8: {  	v9 =	vmul.f32 v12, v22;
	v12 =	vadd.f32 v16, v8;
	v8 =	vld.idx.msk [tilespmem:v36+s11+$0x0], $0xffff  }
0x1e9: {  	p2 =	slt.u32 s1, $0x1E0;
	v63 =	vmul.f32 v47, v59;
	v19 =	vadd.f32 v11, v19;
	v11 =	vld.idx.msk [tilespmem:v49+s16+$0x0], $0xffff  }
.Ltmp0:
0x1ea: {  	v13 =	vmul.f32 v13, v37;
	v16 =	vmul.f32 v7, v41;
	v7 =	vld.idx.msk [tilespmem:v40+s11+$0x0], $0xffff;
	(pc) =	sbr.rel @p2 .LBB2_3-.Ltmp0, $4  }
0x1eb: {  	v15 =	vadd.f32 v21, v18;
	v18 =	vld [tilespmem:$0x1FCA0];
	v20 =	vmul.f32 v63, v23  }
0x1ec: {  	s13 =	smov.u32 s4;
	s4 =	smov.u32 s24;
	s20 =	smov.u32 s25;
	v1 =	vmul.f32 v14, v50;
	v14 =	vadd.f32 v13, v12;
	v12 =	vld.idx.msk [tilespmem:v48+s16+$0x0], $0xffff  }
0x1ed: {  	s0 =	smov.u32 s19;
	s14 =	smov.u32 s23;
	s10 =	smov.u32 s18;
	v23 =	vadd.f32 v19, v20;
	v19 =	vld [tilespmem:$0x1FC80]  }
0x1ee: {  	v47 =	vmovc v50;
	v50 =	vmovc v22;
	v22 =	vmov v28;
	v59 =	vmul.f32 v24, v59;
	s18 =	smov.u32 s9;
	s9 =	smov.u32 s2;
	s2 =	smov.u32 s21;
	v24 =	vmul.f32 v62, v17;
	v17 =	vld [tilespmem:$0x1FC90]  }
0x1ef: {  	_ = 	snop  }
0x1f0: {  	v10 =	vmul.f32 v61, v10;
	v20 =	vld [tilespmem:$0x1FF90];
	v13 =	vadd.f32 v23, v24;
	_ =	sdelay $0x1  }
0x1f1: {  	v11 =	vmul.f32 v60, v11;
	v10 =	vadd.f32 v13, v10;
	_ =	sdelay $0x1  }
0x1f2: {  	v10 =	vadd.f32 v10, v11;
	v11 =	vmul.f32 v59, v12;
	_ =	sdelay $0x1  }
0x1f3: {  	v10 =	vadd.f32 v10, v11;
	_ =	sdelay $0x1  }
0x1f4: {  	[tilespmem:v20+s0+$0x0 ss:$0x1] =	vst.idx.msk $0xffff, v10  }
0x1f5: {  	v10 =	vld.idx.msk [tilespmem:v2+s11+$0x0], $0xffff  }
0x1f6: {  	v11 =	vld.idx.msk [tilespmem:v55+s11+$0x0], $0xffff;
	_ =	sdelay $0x1  }
0x1f7: {  	v4 =	vmul.f32 v4, v38;
	v12 =	vadd.f32 v16, v14;
	v13 =	vld.idx.msk [tilespmem:v58+s11+$0x0], $0xffff  }
0x1f8: {  	v14 =	vld.idx.msk [tilespmem:v44+s11+$0x0], $0xffff  }
0x1f9: {  	v9 =	vadd.f32 v9, v15;
	v8 =	vmul.f32 v8, v43;
	v4 =	vadd.f32 v4, v12;
	v12 =	vld.idx.msk [tilespmem:v56+s11+$0x0], $0xffff  }
0x1fa: {  	v10 =	vmul.f32 v5, v10;
	v11 =	vmul.f32 v11, v6  }
0x1fb: {  	v7 =	vmul.f32 v7, v42;
	v1 =	vadd.f32 v1, v9;
	v4 =	vadd.f32 v8, v4;
	v8 =	vld.idx.msk [tilespmem:v57+s11+$0x0], $0xffff  }
0x1fc: {  	v9 =	vadd.f32 v11, v10;
	v10 =	vmul.f32 v13, v3  }
0x1fd: {  	v0 =	vadd.f32 v0, v1;
	v1 =	vadd.f32 v7, v4;
	v4 =	vmul.f32 v14, v39;
	v7 =	vld.idx.msk [tilespmem:v52+s11+$0x0], $0xffff  }
0x1fe: {  	v9 =	vadd.f32 v10, v9;
	v10 =	vmul.f32 v12, v63  }
0x1ff: {  	[tilespmem:v20+s13+$0x0 ss:$0x1] =	vst.idx.msk $0xffff, v0;
	v0 =	vadd.f32 v4, v1;
	v1 =	vld.idx.msk [tilespmem:v49+s11+$0x0], $0xffff  }
0x200: {  	v8 =	vmul.f32 v8, v62;
	v4 =	vadd.f32 v10, v9;
	v9 =	vld [tilespmem:$0x1FEE0]  }
0x201: {  	[tilespmem:v20+s20+$0x0 ss:$0x1] =	vst.idx.msk $0xffff, v0;
	v0 =	vld.idx.msk [tilespmem:v48+s11+$0x0], $0xffff  }
0x202: {  	v7 =	vmul.f32 v7, v61;
	v10 =	vld.idx.msk [tilespmem:v29+s12+$0x0], $0xffff;
	v4 =	vadd.f32 v8, v4  }
0x203: {  	v8 =	vld.idx.msk [tilespmem:v32+s12+$0x0], $0xffff  }
0x204: {  	v1 =	vmul.f32 v1, v60;
	v4 =	vadd.f32 v7, v4;
	_ =	sdelay $0x1  }
0x205: {  	v0 =	vmul.f32 v0, v59;
	v1 =	vadd.f32 v1, v4;
	_ =	sdelay $0x1  }
0x206: {  	v10 =	vmul.f32 v10, v35;
	v8 =	vmul.f32 v8, v34;
	v0 =	vadd.f32 v0, v1;
	_ =	sdelay $0x1  }
0x207: {  	v8 =	vadd.f32 v10, v8;
	v10 =	vld [tilespmem:$0x1FEF0];
	[tilespmem:v20+s4+$0x0 ss:$0x1] =	vst.idx.msk $0xffff, v0  }
0x208: {  	v0 =	vld [tilespmem:$0x1FD00]  }
0x209: {  	v14 =	vld [tilespmem:$0x1FE10];
	_ =	sdelay $0x2  }
0x20a: {  	v11 =	vld.idx.msk [tilespmem:v30+s12+$0x0], $0xffff  }
0x20b: {  	v15 =	vld [tilespmem:$0x1FE50]  }
0x20c: {  	v0 =	vmul.f32 v14, v0;
	v14 =	vld [tilespmem:$0x1FD10]  }
0x20d: {  	v12 =	vld.idx.msk [tilespmem:v36+s12+$0x0], $0xffff  }
0x20e: {  	v7 =	vld.idx.msk [tilespmem:v31+s12+$0x0], $0xffff  }
0x20f: {  	v13 =	vld.idx.msk [tilespmem:v44+s12+$0x0], $0xffff  }
0x210: {  	v4 =	vld.idx.msk [tilespmem:v33+s12+$0x0], $0xffff  }
0x211: {  	v9 =	vld.idx.msk [tilespmem:v9+s12+$0x0], $0xffff;
	v14 =	vmul.f32 v15, v14  }
0x212: {  	v1 =	vld.idx.msk [tilespmem:v40+s12+$0x0], $0xffff  }
0x213: {  	v7 =	vmul.f32 v7, v37;
	v0 =	vadd.f32 v14, v0;
	v14 =	vld [tilespmem:$0x1FE90]  }
0x214: {  	v2 =	vld.idx.msk [tilespmem:v2+s12+$0x0], $0xffff  }
0x215: {  	v7 =	vadd.f32 v7, v8;
	v8 =	vmul.f32 v11, v41;
	v11 =	vld.idx.msk [tilespmem:v55+s12+$0x0], $0xffff  }
0x216: {  	v15 =	vld [tilespmem:$0x1FE70]  }
0x217: {  	v16 =	vld [tilespmem:$0x1FEA0]  }
0x218: {  	v14 =	vmul.f32 v14, v18;
	v18 =	vld [tilespmem:$0x1FEC0]  }
0x219: {  	v7 =	vadd.f32 v8, v7;
	v8 =	vld.idx.msk [tilespmem:v58+s12+$0x0], $0xffff  }
0x21a: {  	v2 =	vmul.f32 v2, v5;
	v5 =	vmul.f32 v11, v6;
	v11 =	vld [tilespmem:$0x1FF60]  }
0x21b: {  	v4 =	vmul.f32 v4, v38;
	v15 =	vmul.f32 v15, v17;
	v17 =	vld [tilespmem:$0x1FF00]  }
0x21c: {  	v12 =	vmul.f32 v12, v43;
	v10 =	vld.idx.msk [tilespmem:v10+s12+$0x0], $0xffff  }
0x21d: {  	v4 =	vadd.f32 v4, v7;
	v0 =	vadd.f32 v15, v0;
	v18 =	vmul.f32 v18, v19;
	v19 =	vld [tilespmem:$0x1FF20]  }
0x21e: {  	v2 =	vadd.f32 v5, v2;
	v5 =	vld [tilespmem:$0x1FD70]  }
0x21f: {  	v1 =	vmul.f32 v1, v42;
	v4 =	vadd.f32 v12, v4;
	v0 =	vadd.f32 v14, v0;
	v14 =	vld [tilespmem:$0x1FF40]  }
0x220: {  	v3 =	vmul.f32 v8, v3;
	v8 =	vld [tilespmem:$0x1FED0]  }
0x221: {  	v1 =	vadd.f32 v1, v4;
	v4 =	vld [tilespmem:$0x1FF70]  }
0x222: {  	v2 =	vadd.f32 v3, v2;
	v3 =	vmul.f32 v13, v39;
	v13 =	vld [tilespmem:$0x1FF80]  }
0x223: {  	v17 =	vld.idx.msk [tilespmem:v17+s12+$0x0], $0xffff  }
0x224: {  	v7 =	vmul.f32 v9, v25;
	v9 =	vmul.f32 v10, v53;
	v10 =	vld.idx.msk [tilespmem:v56+s12+$0x0], $0xffff  }
0x225: {  	v19 =	vld.idx.msk [tilespmem:v19+s12+$0x0], $0xffff  }
0x226: {  	v6 =	vadd.f32 v9, v7;
	v9 =	vld.idx.msk [tilespmem:v57+s12+$0x0], $0xffff  }
0x227: {  	v14 =	vld.idx.msk [tilespmem:v14+s12+$0x0], $0xffff  }
0x228: {  	v11 =	vld.idx.msk [tilespmem:v11+s12+$0x0], $0xffff;
	v7 =	vmul.f32 v17, v26  }
0x229: {  	v5 =	vmul.f32 v8, v5;
	v15 =	vld [tilespmem:$0x1FD40]  }
0x22a: {  	v10 =	vmul.f32 v10, v63;
	v6 =	vadd.f32 v7, v6;
	v7 =	vld.idx.msk [tilespmem:v52+s12+$0x0], $0xffff;
	v8 =	vmul.f32 v19, v27  }
0x22b: {  	v16 =	vmul.f32 v16, v46;
	v4 =	vld.idx.msk [tilespmem:v4+s12+$0x0], $0xffff;
	v9 =	vmul.f32 v9, v62  }
0x22c: {  	v13 =	vld.idx.msk [tilespmem:v13+s12+$0x0], $0xffff;
	v2 =	vadd.f32 v10, v2;
	v12 =	vmul.f32 v14, v22;
	v6 =	vadd.f32 v8, v6  }
0x22d: {  	v1 =	vadd.f32 v3, v1;
	v3 =	vmul.f32 v11, v50;
	v0 =	vadd.f32 v16, v0;
	v8 =	vld.idx.msk [tilespmem:v49+s12+$0x0], $0xffff  }
0x22e: {  	v2 =	vadd.f32 v9, v2;
	v15 =	vmul.f32 v45, v15;
	v6 =	vadd.f32 v12, v6  }
0x22f: {  	v10 =	vld.idx.msk [tilespmem:v48+s12+$0x0], $0xffff;
	[tilespmem:v20+s14+$0x0 ss:$0x1] =	vst.idx.msk $0xffff, v1;
	v0 =	vadd.f32 v18, v0;
	v7 =	vmul.f32 v7, v61  }
0x230: {  	v1 =	vmul.f32 v4, v47;
	v3 =	vadd.f32 v3, v6;
	v6 =	vld [tilespmem:$0x1FFD0]  }
0x231: {  	v0 =	vadd.f32 v15, v0;
	v2 =	vadd.f32 v7, v2  }
0x232: {  	v7 =	vmul.f32 v13, v51;
	v4 =	vmul.f32 v8, v60;
	v1 =	vadd.f32 v1, v3  }
0x233: {  	v0 =	vadd.f32 v5, v0  }
0x234: {  	v3 =	vmul.f32 v10, v59;
	v2 =	vadd.f32 v4, v2;
	v1 =	vadd.f32 v7, v1  }
0x235: {  	[tilespmem:v20+s18+$0x0 ss:$0x1] =	vst.idx.msk $0xffff, v0;
	v6 =	vadd.f32 v54, v6  }
0x236: {  	v0 =	vadd.f32 v3, v2;
	[tilespmem:v20+s9+$0x0 ss:$0x1] =	vst.idx.msk $0xffff, v1  }
0x237: {  	s8 =	sor.u32 $0x490, s7;
	[tilespmem:v20+s10+$0x0 ss:$0x1] =	vst.idx.msk $0xffff, v6  }
0x238: {  	s24 =	sadd.s32 s8, s17;
	[tilespmem:v20+s2+$0x0 ss:$0x1] =	vst.idx.msk $0xffff, v0;
	s10 =	sor.u32 $0x890, s7  }
0x239: {  	v0 =	vld [tilespmem:s24+$0x0];
	s25 =	sadd.s32 s10, s17  }
0x23a: {  	v1 =	vld [tilespmem:s25+$0x0]  }
0x23b: {  	s31 =	sor.u32 $0x90, s7  }
0x23c: {  	s1 =	sadd.s32 s31, s17  }
0x23d: {  	v2 =	vld [tilespmem:s1+$0x0];
	_ =	sdelay $0x1  }
0x23e: {  	v0 =	vmul.f32 $3.200000000e+01, v0;
	v1 =	vmul.f32 $3.200000000e+01, v1;
	_ =	sdelay $0x1  }
0x23f: {  	v0 =	vmax.f32 v0, $0.0e+00;
	v1 =	vmax.f32 v1, $0.0e+00  }
0x240: {  	v2 =	vmul.f32 $3.200000000e+01, v2;
	v0 =	vmin.f32 v0, $3.200000000e+01;
	v1 =	vmin.f32 v1, $3.200000000e+01  }
0x241: {  	v3 =	vtrunc.f32 v0;
	v4 =	vtrunc.f32 v1  }
0x242: {  	v2 =	vmax.f32 v2, $0.0e+00;
	v3 =	vcvt.f32.s32 v3;
	v4 =	vcvt.f32.s32 v4  }
0x243: {  	v5 =	vmin.f32 v2, $3.200000000e+01  }
0x244: {  	v2 =	vtrunc.f32 v5;
	vm0 =	vlt.s32 v3, $0x1F;
	vm1 =	vlt.s32 v4, $0x1F  }
0x245: {  	v2 =	vcvt.f32.s32 v2;
	v3 =	vnsel vm0, $0x1F, v3;
	v4 =	vnsel vm1, $0x1F, v4  }
0x246: {  	v7 =	vmul.u32 $0x21, v3;
	v6 =	vmul.u32 $0x441, v4  }
0x247: {  	s14 =	sor.u32 $0x80, s7;
	vm6 =	vlt.s32 v2, $0x1F;
	v3 =	vcvt.s32.f32 v3  }
0x248: {  	s16 =	sadd.s32 s14, s17;
	s2 =	sor.u32 $0x480, s7;
	v2 =	vnsel vm6, $0x1F, v2;
	v4 =	vcvt.s32.f32 v4;
	v6 =	vadd.s32 v7, v6  }
0x249: {  	s9 =	sor.u32 $0x880, s7;
	s4 =	sadd.s32 s2, s17;
	v8 =	vcvt.s32.f32 v2;
	v16 =	vsub.f32 v0, v3;
	v3 =	vld [tilespmem:s16+$0x0];
	v13 =	vadd.s32 v2, v6  }
0x24a: {  	s13 =	sadd.s32 s9, s17;
	v7 =	vld [tilespmem:s4+$0x0];
	v17 =	vsub.f32 v1, v4;
	v12 =	vadd.s32 $0x1, v13  }
0x24b: {  	v5 =	vsub.f32 v5, v8;
	v6 =	vld [tilespmem:s13+$0x0]  }
0x24c: {  	v8 =	vsub.f32 $1.000000000e+00, v16;
	v2 =	vadd.s32 $0x21, v13;
	v4 =	vsub.f32 $1.000000000e+00, v17  }
0x24d: {  	v1 =	vadd.s32 $0x22, v13  }
0x24e: {  	v9 =	vmul.f32 v4, v8;
	v10 =	vld.idx.msk [tilespmem:v13+s3+$0x0], $0xffff  }
0x24f: {  	v19 =	vsub.f32 $1.000000000e+00, v5;
	v21 =	vmul.f32 v4, v16;
	v7 =	vmul.f32 $3.200000000e+01, v7;
	v11 =	vld.idx.msk [tilespmem:v12+s3+$0x0], $0xffff  }
0x250: {  	v0 =	vadd.s32 $0x441, v13;
	v22 =	vmul.f32 $3.200000000e+01, v3;
	v6 =	vmul.f32 $3.200000000e+01, v6  }
0x251: {  	v15 =	vmul.f32 v9, v19;
	v14 =	vmul.f32 v9, v5;
	v7 =	vmax.f32 v7, $0.0e+00;
	v20 =	vld.idx.msk [tilespmem:v2+s3+$0x0], $0xffff  }
0x252: {  	v18 =	vmax.f32 v6, $0.0e+00;
	v6 =	vadd.s32 $0x442, v13;
	v24 =	vmin.f32 v7, $3.200000000e+01;
	v7 =	vld.idx.msk [tilespmem:v1+s3+$0x0], $0xffff  }
0x253: {  	v4 =	vadd.s32 $0x462, v13;
	v8 =	vmul.f32 v8, v17;
	v9 =	vmul.f32 v21, v19  }
0x254: {  	v3 =	vadd.s32 $0x463, v13;
	v23 =	vmul.f32 v15, v10;
	v11 =	vmul.f32 v14, v11  }
0x255: {  	v16 =	vmul.f32 v17, v16;
	v26 =	vld.idx.msk [tilespmem:v0+s3+$0x0], $0xffff;
	v25 =	vmin.f32 v18, $3.200000000e+01;
	v10 =	vmul.f32 v21, v5  }
0x256: {  	v21 =	vtrunc.f32 v24;
	v20 =	vmul.f32 v9, v20;
	v18 =	vadd.f32 v11, v23  }
0x257: {  	v21 =	vcvt.f32.s32 v21;
	v27 =	vld.idx.msk [tilespmem:v6+s3+$0x0], $0xffff;
	v7 =	vmul.f32 v10, v7  }
0x258: {  	v28 =	vld.idx.msk [tilespmem:v4+s3+$0x0], $0xffff;
	v23 =	vtrunc.f32 v25;
	v11 =	vmul.f32 v8, v19;
	v20 =	vadd.f32 v18, v20  }
0x259: {  	v22 =	vmax.f32 v22, $0.0e+00;
	vm8 =	vlt.s32 v21, $0x1F;
	v23 =	vcvt.f32.s32 v23  }
0x25a: {  	v18 =	vmul.f32 v8, v5;
	v17 =	vmul.f32 v11, v26;
	v8 =	vadd.f32 v20, v7  }
0x25b: {  	v5 =	vmul.f32 v16, v5;
	v20 =	vmin.f32 v22, $3.200000000e+01;
	v22 =	vld.idx.msk [tilespmem:v3+s3+$0x0], $0xffff;
	v7 =	vmul.f32 v16, v19  }
0x25c: {  	vm7 =	vlt.s32 v23, $0x1F;
	v8 =	vadd.f32 v8, v17;
	v17 =	vmul.f32 v18, v27  }
0x25d: {  	v26 =	vnsel vm7, $0x1F, v23;
	v19 =	vtrunc.f32 v20;
	v16 =	vmul.f32 v7, v28  }
0x25e: {  	v8 =	vadd.f32 v8, v17;
	v17 =	vcvt.f32.s32 v19;
	v19 =	vnsel vm8, $0x1F, v21  }
0x25f: {  	v21 =	vmul.u32 $0x441, v26;
	v23 =	vmul.u32 $0x21, v19  }
0x260: {  	v8 =	vadd.f32 v8, v16;
	v16 =	vmul.f32 v5, v22;
	vm9 =	vlt.s32 v17, $0x1F  }
0x261: {  	v17 =	vnsel vm9, $0x1F, v17;
	v21 =	vadd.s32 v23, v21  }
0x262: {  	v16 =	vadd.f32 v8, v16;
	v8 =	vadd.s32 v17, v21  }
0x263: {  	s0 =	sadd.s32 s31, s15;
	v31 =	vadd.s32 $0x1, v8  }
0x264: {  	[tilespmem:s0+$0x0] =	vst v16  }
0x265: {  	v21 =	vcvt.s32.f32 v26;
	v16 =	vcvt.s32.f32 v19;
	v19 =	vld.idx.msk [tilespmem:v13+s11+$0x0], $0xffff  }
0x266: {  	v17 =	vcvt.s32.f32 v17;
	v22 =	vld.idx.msk [tilespmem:v12+s11+$0x0], $0xffff  }
0x267: {  	v32 =	vadd.s32 $0x21, v8;
	v21 =	vsub.f32 v25, v21;
	v16 =	vsub.f32 v24, v16;
	v24 =	vld.idx.msk [tilespmem:v2+s11+$0x0], $0xffff  }
0x268: {  	v17 =	vsub.f32 v20, v17;
	v27 =	vld.idx.msk [tilespmem:v31+s3+$0x0], $0xffff;
	[tilespmem:$0x1FA60] =	vst v31  }
0x269: {  	v34 =	vadd.s32 $0x22, v8;
	v20 =	vsub.f32 $1.000000000e+00, v21;
	v25 =	vsub.f32 $1.000000000e+00, v16;
	v28 =	vld.idx.msk [tilespmem:v1+s11+$0x0], $0xffff  }
0x26a: {  	v29 =	vld.idx.msk [tilespmem:v8+s3+$0x0], $0xffff  }
0x26b: {  	v30 =	vld.idx.msk [tilespmem:v0+s11+$0x0], $0xffff;
	v26 =	vmul.f32 v20, v25  }
0x26c: {  	v35 =	vadd.s32 $0x441, v8;
	v48 =	vld.idx.msk [tilespmem:v32+s3+$0x0], $0xffff;
	[tilespmem:$0x1FA70] =	vst v32;
	v19 =	vmul.f32 v15, v19;
	v22 =	vmul.f32 v22, v14  }
0x26d: {  	v47 =	vsub.f32 $1.000000000e+00, v17;
	v20 =	vmul.f32 v20, v16;
	v49 =	vld.idx.msk [tilespmem:v6+s11+$0x0], $0xffff;
	v57 =	vmul.f32 v26, v17  }
0x26e: {  	v36 =	vadd.s32 $0x442, v8;
	v50 =	vld.idx.msk [tilespmem:v34+s3+$0x0], $0xffff;
	v25 =	vmul.f32 v25, v21  }
0x26f: {  	v24 =	vmul.f32 v24, v9;
	v19 =	vadd.f32 v22, v19;
	v59 =	vmul.f32 v20, v47;
	[tilespmem:$0x1FA90] =	vst v57  }
0x270: {  	v33 =	vmul.f32 v26, v47;
	v23 =	vmul.f32 v20, v17;
	v52 =	vld.idx.msk [tilespmem:v4+s11+$0x0], $0xffff  }
0x271: {  	v61 =	vadd.s32 $0x462, v8;
	v19 =	vadd.f32 v24, v19;
	v24 =	vmul.f32 v28, v10;
	v53 =	vld.idx.msk [tilespmem:v35+s3+$0x0], $0xffff;
	[tilespmem:$0x1FAB0] =	vst v59  }
0x272: {  	s18 =	sor.u32 $0x490, s6;
	v51 =	vmul.f32 v57, v27;
	v29 =	vmul.f32 v33, v29;
	v54 =	vld.idx.msk [tilespmem:v3+s11+$0x0], $0xffff  }
0x273: {  	s20 =	sadd.s32 s18, s17;
	s7 =	sor.u32 $0x890, s6;
	v62 =	vadd.s32 $0x463, v8;
	v19 =	vadd.f32 v24, v19;
	v24 =	vmul.f32 v30, v11;
	v55 =	vld.idx.msk [tilespmem:v36+s3+$0x0], $0xffff;
	[tilespmem:$0x1FAD0] =	vst v23  }
0x274: {  	s21 =	sadd.s32 s7, s17;
	v16 =	vmul.f32 v21, v16;
	v20 =	vadd.f32 v51, v29;
	v29 =	vmul.f32 v59, v48;
	v58 =	vld [tilespmem:s20+$0x0]  }
0x275: {  	v60 =	vmul.f32 v25, v47;
	v63 =	vld [tilespmem:s21+$0x0];
	v19 =	vadd.f32 v24, v19;
	v24 =	vmul.f32 v49, v18  }
0x276: {  	v56 =	vmul.f32 v23, v50;
	v21 =	vld.idx.msk [tilespmem:v61+s3+$0x0], $0xffff;
	[tilespmem:$0x1FAA0] =	vst v61;
	v20 =	vadd.f32 v20, v29  }
0x277: {  	s22 =	sor.u32 $0x90, s6;
	v25 =	vmul.f32 v25, v17;
	[tilespmem:$0x1FAE0] =	vst v60;
	v19 =	vadd.f32 v24, v19;
	v24 =	vmul.f32 v52, v7  }
0x278: {  	s23 =	sadd.s32 s22, s17;
	v46 =	vld.idx.msk [tilespmem:v62+s3+$0x0], $0xffff;
	v20 =	vadd.f32 v20, v56;
	v44 =	vmul.f32 v60, v53  }
0x279: {  	v45 =	vld [tilespmem:s23+$0x0];
	v29 =	vmovc v23;
	v23 =	vmul.f32 v16, v47;
	v47 =	vmul.f32 v25, v55;
	v19 =	vadd.f32 v24, v19  }
0x27a: {  	[tilespmem:$0x1FAC0] =	vst v62;
	v24 =	vmul.f32 v54, v5;
	v20 =	vadd.f32 v20, v44;
	v40 =	vmul.f32 $3.200000000e+01, v58  }
0x27b: {  	s0 =	sor.u32 $0x480, s6;
	[tilespmem:$0x1FAF0] =	vst v25;
	v48 =	vmul.f32 $3.200000000e+01, v63;
	v63 =	vmul.f32 v16, v17  }
0x27c: {  	s24 =	sadd.s32 s0, s17;
	v17 =	vmul.f32 v23, v21;
	[tilespmem:$0x1FB10] =	vst v23;
	v19 =	vadd.f32 v24, v19;
	v16 =	vadd.f32 v20, v47  }
0x27d: {  	s8 =	sadd.s32 s8, s15;
	v20 =	vld [tilespmem:s24+$0x0];
	v21 =	vmax.f32 v40, $0.0e+00;
	v49 =	vmax.f32 v48, $0.0e+00;
	v37 =	vmul.f32 v63, v46  }
0x27e: {  	v21 =	vmin.f32 v21, $3.200000000e+01;
	v38 =	vmin.f32 v49, $3.200000000e+01;
	[tilespmem:s8+$0x0] =	vst v19;
	v19 =	vmul.f32 $3.200000000e+01, v45  }
0x27f: {  	v50 =	vtrunc.f32 v21;
	v51 =	vtrunc.f32 v38;
	v13 =	vld.idx.msk [tilespmem:v13+s12+$0x0], $0xffff;
	[tilespmem:$0x1FC10] =	vst v63  }
0x280: {  	s13 =	sor.u32 $0x880, s6;
	v16 =	vadd.f32 v16, v17;
	v53 =	vcvt.f32.s32 v51;
	v12 =	vld.idx.msk [tilespmem:v12+s12+$0x0], $0xffff;
	v19 =	vmax.f32 v19, $0.0e+00  }
0x281: {  	s25 =	sadd.s32 s13, s17;
	v2 =	vld.idx.msk [tilespmem:v2+s12+$0x0], $0xffff;
	v52 =	vmin.f32 v19, $3.200000000e+01;
	v19 =	vcvt.f32.s32 v50  }
0x282: {  	v17 =	vld [tilespmem:s25+$0x0];
	v37 =	vadd.f32 v16, v37;
	v20 =	vmul.f32 $3.200000000e+01, v20;
	vm11 =	vlt.s32 v53, $0x1F  }
0x283: {  	v1 =	vld.idx.msk [tilespmem:v1+s12+$0x0], $0xffff;
	v54 =	vtrunc.f32 v52;
	v39 =	vnsel vm11, $0x1F, v53;
	vm10 =	vlt.s32 v19, $0x1F  }
0x284: {  	v0 =	vld.idx.msk [tilespmem:v0+s12+$0x0], $0xffff;
	v16 =	vmax.f32 v20, $0.0e+00;
	v13 =	vmul.f32 v13, v15;
	v15 =	vcvt.f32.s32 v54  }
0x285: {  	v19 =	vnsel vm10, $0x1F, v19;
	v42 =	vmin.f32 v16, $3.200000000e+01;
	v12 =	vmul.f32 v12, v14  }
0x286: {  	v14 =	vmul.u32 $0x441, v39;
	v55 =	vmul.u32 $0x21, v19;
	v2 =	vmul.f32 v2, v9  }
0x287: {  	v9 =	vmul.f32 $3.200000000e+01, v17;
	v17 =	vcvt.s32.f32 v39;
	vm12 =	vlt.s32 v15, $0x1F  }
0x288: {  	v12 =	vadd.f32 v12, v13;
	v13 =	vnsel vm12, $0x1F, v15;
	v14 =	vadd.s32 v55, v14  }
0x289: {  	s31 =	sor.u32 $0x80, s6;
	v1 =	vmul.f32 v1, v10;
	v40 =	vmul.f32 v0, v11;
	v48 =	vadd.s32 v13, v14  }
0x28a: {  	s19 =	sadd.s32 s31, s17;
	v46 =	vtrunc.f32 v42;
	v15 =	vcvt.s32.f32 v19;
	v19 =	vadd.s32 $0x1, v48  }
0x28b: {  	v46 =	vcvt.f32.s32 v46;
	v38 =	vsub.f32 v38, v17;
	v9 =	vmax.f32 v9, $0.0e+00;
	v14 =	vld [tilespmem:s19+$0x0]  }
0x28c: {  	v10 =	vcvt.s32.f32 v13;
	v39 =	vsub.f32 v21, v15;
	v15 =	vadd.s32 $0x21, v48  }
0x28d: {  	v43 =	vmin.f32 v9, $3.200000000e+01;
	v2 =	vadd.f32 v2, v12;
	v13 =	vsub.f32 $1.000000000e+00, v38  }
0x28e: {  	v12 =	vadd.s32 $0x22, v48;
	v11 =	vsub.f32 v52, v10;
	v10 =	vsub.f32 $1.000000000e+00, v39;
	v17 =	vld.idx.msk [tilespmem:v48+s3+$0x0], $0xffff  }
0x28f: {  	vm13 =	vlt.s32 v46, $0x1F;
	v22 =	vadd.s32 $0x441, v48;
	v58 =	vtrunc.f32 v43;
	v41 =	vld.idx.msk [tilespmem:v19+s3+$0x0], $0xffff  }
0x290: {  	v44 =	vsub.f32 $1.000000000e+00, v11;
	v20 =	vmul.f32 $3.200000000e+01, v14;
	v9 =	vmul.f32 v13, v10  }
0x291: {  	v16 =	vadd.s32 $0x462, v48;
	v47 =	vmul.f32 v13, v39;
	v14 =	vadd.s32 $0x442, v48;
	v45 =	vld.idx.msk [tilespmem:v15+s3+$0x0], $0xffff  }
0x292: {  	v56 =	vmax.f32 v20, $0.0e+00;
	v20 =	vmul.f32 v9, v44;
	v21 =	vmul.f32 v9, v11  }
0x293: {  	v46 =	vnsel vm13, $0x1F, v46;
	v51 =	vcvt.f32.s32 v58;
	v50 =	vld.idx.msk [tilespmem:v12+s3+$0x0], $0xffff;
	v13 =	vmul.f32 v47, v44  }
0x294: {  	v49 =	vmin.f32 v56, $3.200000000e+01;
	v56 =	vmul.f32 v20, v17;
	v41 =	vmul.f32 v21, v41  }
0x295: {  	vm14 =	vlt.s32 v51, $0x1F;
	v10 =	vmul.f32 v10, v38;
	v53 =	vld.idx.msk [tilespmem:v22+s3+$0x0], $0xffff;
	v9 =	vmul.f32 v47, v11  }
0x296: {  	v17 =	vadd.s32 $0x463, v48;
	v45 =	vmul.f32 v13, v45;
	v41 =	vadd.f32 v41, v56  }
0x297: {  	v38 =	vmul.f32 v38, v39;
	v47 =	vadd.f32 v1, v2;
	v2 =	vmul.f32 v10, v44;
	v52 =	vld.idx.msk [tilespmem:v14+s3+$0x0], $0xffff  }
0x298: {  	v26 =	vmovc v23;
	v23 =	vmul.f32 v10, v11;
	v58 =	vmul.f32 v9, v50;
	v41 =	vadd.f32 v41, v45  }
0x299: {  	s1 =	sadd.s32 s14, s15;
	v51 =	vnsel vm14, $0x1F, v51;
	v10 =	vmul.f32 v38, v44;
	v54 =	vtrunc.f32 v49;
	v50 =	vld.idx.msk [tilespmem:v16+s3+$0x0], $0xffff  }
0x29a: {  	v6 =	vld.idx.msk [tilespmem:v6+s12+$0x0], $0xffff;
	[tilespmem:s1+$0x0] =	vst v37;
	v37 =	vcvt.f32.s32 v54;
	v56 =	vmul.f32 v2, v53;
	v55 =	vadd.f32 v41, v58  }
0x29b: {  	v44 =	vmul.u32 $0x441, v51;
	v11 =	vmul.f32 v38, v11;
	v53 =	vmul.u32 $0x21, v46;
	v45 =	vld.idx.msk [tilespmem:v17+s3+$0x0], $0xffff  }
0x29c: {  	v4 =	vld.idx.msk [tilespmem:v4+s12+$0x0], $0xffff;
	vm15 =	vlt.s32 v37, $0x1F;
	v58 =	vmul.f32 v23, v52;
	v39 =	vadd.f32 v55, v56  }
0x29d: {  	v3 =	vld.idx.msk [tilespmem:v3+s12+$0x0], $0xffff;
	v40 =	vadd.f32 v40, v47;
	v37 =	vnsel vm15, $0x1F, v37;
	v44 =	vadd.s32 v53, v44  }
0x29e: {  	v47 =	vld.idx.msk [tilespmem:v32+s11+$0x0], $0xffff;
	v56 =	vmul.f32 v10, v50;
	v55 =	vadd.f32 v39, v58;
	v39 =	vadd.s32 v37, v44  }
0x29f: {  	v54 =	vld.idx.msk [tilespmem:v31+s11+$0x0], $0xffff;
	v0 =	vadd.s32 $0x1, v39  }
0x2a0: {  	v6 =	vmul.f32 v6, v18;
	v53 =	vld.idx.msk [tilespmem:v36+s11+$0x0], $0xffff;
	v45 =	vmul.f32 v11, v45;
	v55 =	vadd.f32 v55, v56  }
0x2a1: {  	v52 =	vld.idx.msk [tilespmem:v8+s11+$0x0], $0xffff  }
0x2a2: {  	v4 =	vmul.f32 v4, v7;
	v6 =	vadd.f32 v6, v40;
	v50 =	vld.idx.msk [tilespmem:v34+s11+$0x0], $0xffff;
	v56 =	vadd.f32 v55, v45  }
0x2a3: {  	s20 =	sadd.s32 s22, s15;
	v45 =	vld.idx.msk [tilespmem:v35+s11+$0x0], $0xffff  }
0x2a4: {  	v3 =	vmul.f32 v3, v5;
	v4 =	vadd.f32 v4, v6;
	[tilespmem:s20+$0x0] =	vst v56;
	v55 =	vld.idx.msk [tilespmem:v0+s3+$0x0], $0xffff  }
0x2a5: {  	v18 =	vcvt.s32.f32 v51;
	v41 =	vld.idx.msk [tilespmem:v48+s11+$0x0], $0xffff  }
0x2a6: {  	v58 =	vcvt.s32.f32 v46;
	v1 =	vadd.s32 $0x21, v39;
	v46 =	vmovc v0;
	v6 =	vld.idx.msk [tilespmem:v19+s11+$0x0], $0xffff;
	[tilespmem:$0x1FB40] =	vst v0;
	v0 =	vadd.f32 v3, v4  }
0x2a7: {  	v18 =	vsub.f32 v43, v18;
	v47 =	vmul.f32 v47, v59;
	v37 =	vcvt.s32.f32 v37  }
0x2a8: {  	v54 =	vmul.f32 v54, v57;
	v51 =	vsub.f32 v42, v58;
	v56 =	vld.idx.msk [tilespmem:v15+s11+$0x0], $0xffff;
	[tilespmem:$0x1FC50] =	vst v0  }
0x2a9: {  	v53 =	vmul.f32 v53, v25;
	v43 =	vmul.f32 v33, v52;
	v49 =	vsub.f32 v49, v37;
	v3 =	vld.idx.msk [tilespmem:v39+s3+$0x0], $0xffff  }
0x2aa: {  	v27 =	vadd.s32 $0x22, v39;
	v58 =	vsub.f32 $1.000000000e+00, v18;
	v7 =	vsub.f32 $1.000000000e+00, v51;
	v4 =	vld.idx.msk [tilespmem:v12+s11+$0x0], $0xffff  }
0x2ab: {  	v54 =	vadd.f32 v54, v43;
	v50 =	vmul.f32 v50, v29;
	s20 =	sor.u32 $0x490, s5;
	v52 =	vld.idx.msk [tilespmem:v1+s3+$0x0], $0xffff;
	[tilespmem:$0x1FB60] =	vst v1  }
0x2ac: {  	s1 =	sor.u32 $0x890, s5;
	v5 =	vsub.f32 $1.000000000e+00, v49;
	v37 =	vmul.f32 v58, v51;
	v32 =	vmul.f32 v58, v7;
	s21 =	sadd.s32 s20, s17;
	v58 =	vld.idx.msk [tilespmem:v22+s11+$0x0], $0xffff  }
0x2ad: {  	s22 =	sadd.s32 s1, s17;
	v7 =	vmul.f32 v7, v18;
	v18 =	vmul.f32 v18, v51;
	v51 =	vld [tilespmem:s21+$0x0]  }
0x2ae: {  	v47 =	vadd.f32 v47, v54;
	v31 =	vmul.f32 v37, v5;
	v28 =	vmul.f32 v32, v5;
	v57 =	vld [tilespmem:s22+$0x0]  }
0x2af: {  	s23 =	sor.u32 $0x90, s5;
	v30 =	vmul.f32 v32, v49;
	v32 =	vmul.f32 v37, v49;
	v59 =	vld.idx.msk [tilespmem:v27+s3+$0x0], $0xffff;
	[tilespmem:$0x1FB80] =	vst v27  }
0x2b0: {  	s24 =	sadd.s32 s23, s17;
	v44 =	vadd.s32 $0x441, v39;
	v29 =	vmul.f32 v7, v5;
	v25 =	vmul.f32 v18, v5;
	v54 =	vld.idx.msk [tilespmem:v14+s11+$0x0], $0xffff  }
0x2b1: {  	v47 =	vadd.f32 v50, v47;
	v38 =	vmul.f32 v20, v41;
	v6 =	vmul.f32 v6, v21;
	v40 =	vld [tilespmem:s24+$0x0]  }
0x2b2: {  	v0 =	vadd.s32 $0x442, v39;
	v45 =	vmul.f32 v45, v60;
	v55 =	vmul.f32 v30, v55  }
0x2b3: {  	v60 =	vld.idx.msk [tilespmem:v16+s11+$0x0], $0xffff;
	v56 =	vmul.f32 v56, v13;
	v6 =	vadd.f32 v6, v38;
	v3 =	vmul.f32 v28, v3  }
0x2b4: {  	v37 =	vmovc v1;
	v1 =	vadd.s32 $0x462, v39;
	v4 =	vmul.f32 v4, v9;
	v52 =	vmul.f32 v31, v52  }
0x2b5: {  	v6 =	vadd.f32 v56, v6;
	v41 =	vmul.f32 v58, v2;
	v42 =	vmul.f32 $3.200000000e+01, v57  }
0x2b6: {  	v3 =	vadd.f32 v55, v3;
	v54 =	vmul.f32 v54, v23;
	v55 =	vmul.f32 $3.200000000e+01, v40  }
0x2b7: {  	v4 =	vadd.f32 v4, v6;
	v6 =	vmul.f32 $3.200000000e+01, v51;
	v51 =	vmax.f32 v42, $0.0e+00  }
0x2b8: {  	v42 =	vmul.f32 v60, v10;
	v3 =	vadd.f32 v3, v52;
	v52 =	vmul.f32 v32, v59  }
0x2b9: {  	v58 =	vld.idx.msk [tilespmem:v17+s11+$0x0], $0xffff;
	v51 =	vmin.f32 v51, $3.200000000e+01;
	v55 =	vmax.f32 v55, $0.0e+00;
	v4 =	vadd.f32 v41, v4  }
0x2ba: {  	v6 =	vmax.f32 v6, $0.0e+00;
	v41 =	vtrunc.f32 v51;
	v55 =	vmin.f32 v55, $3.200000000e+01  }
0x2bb: {  	v6 =	vmin.f32 v6, $3.200000000e+01;
	v57 =	vcvt.f32.s32 v41;
	v4 =	vadd.f32 v54, v4  }
0x2bc: {  	v60 =	vtrunc.f32 v55;
	v52 =	vadd.f32 v3, v52;
	v40 =	vtrunc.f32 v6  }
0x2bd: {  	v56 =	vcvt.f32.s32 v60;
	v50 =	vcvt.f32.s32 v40;
	v3 =	vadd.f32 v42, v4;
	v4 =	vld.idx.msk [tilespmem:v61+s11+$0x0], $0xffff  }
0x2be: {  	v38 =	vadd.s32 $0x463, v39;
	vm5 =	vlt.s32 v57, $0x1F;
	v42 =	vmul.f32 v58, v11;
	v58 =	vld.idx.msk [tilespmem:v44+s3+$0x0], $0xffff  }
0x2bf: {  	v57 =	vnsel vm5, $0x1F, v57;
	vm6 =	vlt.s32 v56, $0x1F;
	vm4 =	vlt.s32 v50, $0x1F  }
0x2c0: {  	v40 =	vmul.u32 $0x441, v57;
	v57 =	vcvt.s32.f32 v57;
	v50 =	vnsel vm4, $0x1F, v50  }
0x2c1: {  	v59 =	vadd.f32 v45, v47;
	v56 =	vnsel vm6, $0x1F, v56;
	v41 =	vmul.u32 $0x21, v50  }
0x2c2: {  	[tilespmem:$0x1FB90] =	vst v44;
	v3 =	vadd.f32 v42, v3;
	v50 =	vcvt.s32.f32 v50;
	v57 =	vsub.f32 v51, v57  }
0x2c3: {  	v60 =	vld.idx.msk [tilespmem:v62+s11+$0x0], $0xffff;
	v45 =	vadd.s32 v41, v40;
	v5 =	vmul.f32 v29, v58;
	v4 =	vmul.f32 v4, v26  }
0x2c4: {  	v62 =	vcvt.s32.f32 v56;
	v45 =	vadd.s32 v56, v45;
	v56 =	vsub.f32 v6, v50;
	v6 =	vld.idx.msk [tilespmem:v0+s3+$0x0], $0xffff;
	[tilespmem:$0x1FBA0] =	vst v0  }
0x2c5: {  	s4 =	sadd.s32 s18, s15;
	s18 =	sor.u32 $0x880, s5;
	v26 =	vmul.f32 v18, v49;
	v50 =	vadd.f32 v53, v59;
	v47 =	vadd.s32 $0x1, v45;
	v53 =	vld.idx.msk [tilespmem:v1+s3+$0x0], $0xffff  }
0x2c6: {  	s19 =	sadd.s32 s18, s17;
	v59 =	vsub.f32 v55, v62;
	v42 =	vadd.s32 $0x21, v45;
	v18 =	vadd.f32 v52, v5;
	v52 =	vld.idx.msk [tilespmem:v38+s3+$0x0], $0xffff  }
0x2c7: {  	v24 =	vmovc v0;
	[tilespmem:s4+$0x0] =	vst v3;
	v3 =	vmul.f32 v7, v49;
	v7 =	vsub.f32 $1.000000000e+00, v57;
	v0 =	vld [tilespmem:s19+$0x0];
	v55 =	vsub.f32 $1.000000000e+00, v56  }
0x2c8: {  	v41 =	vmul.f32 v60, v63;
	v54 =	vld.idx.msk [tilespmem:v48+s12+$0x0], $0xffff  }
0x2c9: {  	v48 =	vadd.s32 $0x22, v45;
	v62 =	vsub.f32 $1.000000000e+00, v59;
	v40 =	vmul.f32 v7, v55;
	v58 =	vld.idx.msk [tilespmem:v45+s3+$0x0], $0xffff  }
0x2ca: {  	v5 =	vadd.s32 $0x441, v45;
	v7 =	vmul.f32 v7, v56;
	v6 =	vmul.f32 v3, v6;
	v61 =	vld.idx.msk [tilespmem:v47+s3+$0x0], $0xffff  }
0x2cb: {  	v4 =	vadd.f32 v4, v50;
	v19 =	vld.idx.msk [tilespmem:v19+s12+$0x0], $0xffff;
	v50 =	vmul.f32 v40, v62;
	v51 =	vmul.f32 v40, v59  }
0x2cc: {  	v60 =	vld.idx.msk [tilespmem:v42+s3+$0x0], $0xffff;
	v40 =	vmul.f32 v7, v62;
	v6 =	vadd.f32 v18, v6;
	v18 =	vmul.f32 v25, v53  }
0x2cd: {  	s8 =	sor.u32 $0x480, s5;
	v52 =	vmul.f32 v26, v52;
	v7 =	vmul.f32 v7, v59  }
0x2ce: {  	s16 =	sadd.s32 s8, s17;
	v0 =	vmul.f32 $3.200000000e+01, v0;
	v63 =	vld.idx.msk [tilespmem:v48+s3+$0x0], $0xffff;
	v18 =	vadd.f32 v6, v18;
	v6 =	vadd.s32 $0x442, v45  }
0x2cf: {  	s4 =	sor.u32 $0x80, s5;
	v49 =	vadd.f32 v41, v4;
	v58 =	vmul.f32 v50, v58;
	v4 =	vmul.f32 v51, v61;
	v61 =	vld [tilespmem:s16+$0x0]  }
0x2d0: {  	s5 =	sadd.s32 s4, s17;
	v20 =	vmul.f32 v54, v20;
	v19 =	vmul.f32 v19, v21;
	v21 =	vld.idx.msk [tilespmem:v5+s3+$0x0], $0xffff  }
0x2d1: {  	v0 =	vmax.f32 v0, $0.0e+00;
	v53 =	vmul.f32 v40, v60;
	v60 =	vld [tilespmem:s5+$0x0];
	v4 =	vadd.f32 v4, v58  }
0x2d2: {  	v15 =	vld.idx.msk [tilespmem:v15+s12+$0x0], $0xffff;
	v18 =	vadd.f32 v18, v52;
	v52 =	vmul.f32 v55, v57;
	v55 =	vadd.s32 $0x462, v45  }
0x2d3: {  	v57 =	vmul.f32 v57, v56;
	v41 =	vmul.f32 v7, v63;
	v58 =	vld.idx.msk [tilespmem:v6+s3+$0x0], $0xffff;
	v4 =	vadd.f32 v4, v53  }
0x2d4: {  	v19 =	vadd.f32 v19, v20;
	v56 =	vmul.f32 v52, v62;
	v20 =	vmul.f32 $3.200000000e+01, v61  }
0x2d5: {  	v52 =	vmul.f32 v52, v59;
	v54 =	vadd.f32 v4, v41;
	v41 =	vadd.s32 $0x463, v45  }
0x2d6: {  	v21 =	vmul.f32 v56, v21;
	v60 =	vmul.f32 $3.200000000e+01, v60;
	v20 =	vmax.f32 v20, $0.0e+00  }
0x2d7: {  	v13 =	vmul.f32 v15, v13;
	v63 =	vmin.f32 v0, $3.200000000e+01;
	v0 =	vld.idx.msk [tilespmem:v55+s3+$0x0], $0xffff;
	v20 =	vmin.f32 v20, $3.200000000e+01  }
0x2d8: {  	v21 =	vadd.f32 v54, v21;
	v54 =	vmax.f32 v60, $0.0e+00;
	v60 =	vmul.f32 v52, v58  }
0x2d9: {  	v43 =	vmovc v27;
	v27 =	vmovc v1;
	v53 =	vtrunc.f32 v20;
	v1 =	vmin.f32 v54, $3.200000000e+01;
	v54 =	vmul.f32 v57, v62  }
0x2da: {  	v61 =	vcvt.f32.s32 v53;
	v53 =	vtrunc.f32 v63;
	v62 =	vld.idx.msk [tilespmem:v41+s3+$0x0], $0xffff  }
0x2db: {  	v12 =	vld.idx.msk [tilespmem:v12+s12+$0x0], $0xffff;
	v4 =	vmul.f32 v57, v59;
	v58 =	vcvt.f32.s32 v53  }
0x2dc: {  	v21 =	vadd.f32 v21, v60;
	v60 =	vtrunc.f32 v1;
	v0 =	vmul.f32 v54, v0  }
0x2dd: {  	v57 =	vcvt.f32.s32 v60;
	vm7 =	vlt.s32 v61, $0x1F;
	vm8 =	vlt.s32 v58, $0x1F  }
0x2de: {  	s25 =	sadd.s32 s31, s15;
	v22 =	vld.idx.msk [tilespmem:v22+s12+$0x0], $0xffff;
	v53 =	vnsel vm7, $0x1F, v61;
	v0 =	vadd.f32 v21, v0;
	v58 =	vnsel vm8, $0x1F, v58  }
0x2df: {  	v15 =	vld.idx.msk [tilespmem:v17+s12+$0x0], $0xffff;
	[tilespmem:s25+$0x0] =	vst v18;
	v61 =	vmul.u32 $0x21, v53;
	v17 =	vmul.u32 $0x441, v58;
	v18 =	vmul.f32 v4, v62  }
0x2e0: {  	s2 =	sadd.s32 s2, s15;
	v14 =	vld.idx.msk [tilespmem:v14+s12+$0x0], $0xffff;
	v9 =	vmul.f32 v12, v9;
	v13 =	vadd.f32 v13, v19;
	vm9 =	vlt.s32 v57, $0x1F  }
0x2e1: {  	v16 =	vld.idx.msk [tilespmem:v16+s12+$0x0], $0xffff;
	[tilespmem:s2+$0x0] =	vst v49;
	v19 =	vnsel vm9, $0x1F, v57;
	v17 =	vadd.s32 v61, v17;
	v0 =	vadd.f32 v0, v18  }
0x2e2: {  	v8 =	vld.idx.msk [tilespmem:v8+s12+$0x0], $0xffff;
	v61 =	vadd.s32 v19, v17;
	v17 =	vcvt.s32.f32 v53;
	v18 =	vcvt.s32.f32 v58  }
0x2e3: {  	v2 =	vmul.f32 v22, v2;
	v9 =	vadd.f32 v9, v13;
	v12 =	vld.idx.msk [tilespmem:v46+s11+$0x0], $0xffff  }
0x2e4: {  	v21 =	vld.idx.msk [tilespmem:v39+s11+$0x0], $0xffff;
	v17 =	vsub.f32 v20, v17;
	v18 =	vsub.f32 v63, v18  }
0x2e5: {  	v2 =	vadd.f32 v2, v9;
	v9 =	vmul.f32 v14, v23;
	v57 =	vld.idx.msk [tilespmem:v37+s11+$0x0], $0xffff;
	v13 =	vcvt.s32.f32 v19  }
0x2e6: {  	s31 =	sadd.s32 s23, s15;
	v19 =	vld.idx.msk [tilespmem:v43+s11+$0x0], $0xffff;
	v49 =	vadd.s32 $0x1, v61;
	v14 =	vsub.f32 $1.000000000e+00, v17;
	v20 =	vsub.f32 $1.000000000e+00, v18  }
0x2e7: {  	v2 =	vadd.f32 v9, v2;
	v9 =	vmul.f32 v16, v10;
	[tilespmem:s31+$0x0] =	vst v0;
	v0 =	vld.idx.msk [tilespmem:v44+s11+$0x0], $0xffff  }
0x2e8: {  	v1 =	vsub.f32 v1, v13;
	v13 =	vld.idx.msk [tilespmem:v45+s11+$0x0], $0xffff;
	v16 =	vmul.f32 v20, v14  }
0x2e9: {  	v11 =	vmul.f32 v15, v11;
	v2 =	vadd.f32 v9, v2;
	v22 =	vld.idx.msk [tilespmem:v47+s11+$0x0], $0xffff  }
0x2ea: {  	v23 =	vld.idx.msk [tilespmem:v42+s11+$0x0], $0xffff;
	v63 =	vmul.f32 v16, v1  }
0x2eb: {  	v2 =	vadd.f32 v11, v2;
	v10 =	vld.idx.msk [tilespmem:v49+s3+$0x0], $0xffff  }
0x2ec: {  	v62 =	vadd.s32 $0x21, v61;
	v9 =	vmul.f32 v20, v17;
	v20 =	vld.idx.msk [tilespmem:v61+s3+$0x0], $0xffff;
	[tilespmem:$0x1FC00] =	vst v63  }
0x2ed: {  	v58 =	vld.idx.msk [tilespmem:v24+s11+$0x0], $0xffff;
	[tilespmem:$0x1FC60] =	vst v2  }
0x2ee: {  	v11 =	vmul.f32 v12, v30;
	v15 =	vsub.f32 $1.000000000e+00, v1;
	v60 =	vmul.f32 v18, v17;
	[tilespmem:$0x1F9E0] =	vst v28  }
0x2ef: {  	v46 =	vadd.s32 $0x22, v61;
	v14 =	vmul.f32 v14, v18;
	v0 =	vmul.f32 v0, v29;
	[tilespmem:$0x1F9F0] =	vst v30  }
0x2f0: {  	v53 =	vmul.f32 v16, v15;
	v2 =	vmul.f32 v28, v21;
	v12 =	vld.idx.msk [tilespmem:v48+s11+$0x0], $0xffff  }
0x2f1: {  	v37 =	vadd.s32 $0x441, v61;
	v13 =	vmul.f32 v50, v13;
	v16 =	vmul.f32 v22, v51;
	v21 =	vld.idx.msk [tilespmem:v62+s3+$0x0], $0xffff;
	[tilespmem:$0x1FA00] =	vst v31  }
0x2f2: {  	v59 =	vmul.f32 v9, v1;
	v2 =	vadd.f32 v11, v2;
	v11 =	vmul.f32 v57, v31;
	v22 =	vld.idx.msk [tilespmem:v27+s11+$0x0], $0xffff  }
0x2f3: {  	v13 =	vadd.f32 v16, v13;
	v16 =	vmul.f32 v23, v40;
	v10 =	vmul.f32 v63, v10;
	v57 =	vld.idx.msk [tilespmem:v5+s11+$0x0], $0xffff  }
0x2f4: {  	s14 =	simm.s32 $0x60;
	s16 =	simm.s32 $0xC0;
	v23 =	vmul.f32 v53, v20;
	v2 =	vadd.f32 v11, v2;
	v11 =	vld.idx.msk [tilespmem:v46+s3+$0x0], $0xffff;
	[tilespmem:$0x1FA10] =	vst v32  }
0x2f5: {  	s5 =	sand.u32 $0x60, s14;
	s6 =	sand.u32 $0x300, s16;
	v63 =	vmul.f32 v9, v15;
	v13 =	vadd.f32 v16, v13;
	v16 =	vmul.f32 v19, v32;
	v18 =	vld.idx.msk [tilespmem:v6+s11+$0x0], $0xffff  }
0x2f6: {  	s23 =	sor.u32 s5, s6;
	v10 =	vadd.f32 v10, v23;
	v19 =	vld.idx.msk [tilespmem:v37+s3+$0x0], $0xffff;
	[tilespmem:$0x1FA20] =	vst v29;
	v12 =	vmul.f32 v12, v7  }
0x2f7: {  	s6 =	sor.u32 $0x490, s23;
	v17 =	vmul.f32 v63, v21;
	v21 =	vadd.s32 $0x442, v61;
	v2 =	vadd.f32 v16, v2;
	v9 =	vld.idx.msk [tilespmem:v38+s11+$0x0], $0xffff  }
0x2f8: {  	s5 =	sor.u32 $0x890, s23;
	s19 =	sadd.s32 s6, s17;
	v23 =	vld.idx.msk [tilespmem:v55+s11+$0x0], $0xffff;
	v16 =	vmul.f32 v14, v15;
	v12 =	vadd.f32 v12, v13;
	v13 =	vmul.f32 v57, v56  }
0x2f9: {  	s21 =	sadd.s32 s5, s17;
	v10 =	vadd.f32 v10, v17;
	v0 =	vadd.f32 v0, v2;
	v2 =	vmul.f32 v59, v11;
	v11 =	vld [tilespmem:s19+$0x0];
	[tilespmem:$0x1FA30] =	vst v3  }
0x2fa: {  	v17 =	vmul.f32 v14, v1;
	v12 =	vadd.f32 v13, v12;
	v13 =	vmul.f32 v58, v3;
	v14 =	vld [tilespmem:s21+$0x0]  }
0x2fb: {  	v2 =	vadd.f32 v10, v2;
	v10 =	vmul.f32 v18, v52;
	v18 =	vmul.f32 v60, v1;
	v1 =	vld.idx.msk [tilespmem:v41+s11+$0x0], $0xffff  }
0x2fc: {  	s2 =	sor.u32 $0x90, s23;
	v43 =	vmov v38;
	v32 =	vmul.f32 v16, v19;
	v38 =	vld.idx.msk [tilespmem:v21+s3+$0x0], $0xffff  }
0x2fd: {  	s22 =	sadd.s32 s2, s17;
	[tilespmem:$0x1FA40] =	vst v25;
	v0 =	vadd.f32 v13, v0;
	v10 =	vadd.f32 v10, v12;
	v12 =	vmul.f32 v22, v25  }
0x2fe: {  	v3 =	vmul.f32 v60, v15;
	v15 =	vmul.f32 v8, v33;
	v60 =	vadd.s32 $0x462, v61;
	v13 =	vld [tilespmem:s22+$0x0]  }
0x2ff: {  	v8 =	vmul.f32 v23, v54;
	v0 =	vadd.f32 v12, v0;
	v12 =	vmul.f32 $3.200000000e+01, v14;
	v14 =	vld [tilespmem:$0x1FA60]  }
0x300: {  	v19 =	vmov v4;
	v1 =	vmul.f32 v1, v4;
	v4 =	vld [tilespmem:$0x1FA70]  }
0x301: {  	v2 =	vadd.f32 v2, v32;
	v8 =	vadd.f32 v8, v10;
	v10 =	vmul.f32 v17, v38  }
0x302: {  	[tilespmem:$0x1FA50] =	vst v26  }
0x303: {  	v13 =	vmul.f32 $3.200000000e+01, v13;
	v2 =	vadd.f32 v2, v10;
	v10 =	vld.idx.msk [tilespmem:v60+s3+$0x0], $0xffff  }
0x304: {  	v9 =	vmul.f32 v9, v26;
	v1 =	vadd.f32 v1, v8;
	v8 =	vld.idx.msk [tilespmem:v34+s12+$0x0], $0xffff  }
0x305: {  	v34 =	vld.idx.msk [tilespmem:v36+s12+$0x0], $0xffff;
	v13 =	vmax.f32 v13, $0.0e+00  }
0x306: {  	v11 =	vmul.f32 $3.200000000e+01, v11;
	v0 =	vadd.f32 v9, v0;
	v9 =	vmin.f32 v13, $3.200000000e+01;
	v13 =	vld.idx.msk [tilespmem:v35+s12+$0x0], $0xffff  }
0x307: {  	s24 =	sadd.s32 s20, s15;
	v14 =	vld.idx.msk [tilespmem:v14+s12+$0x0], $0xffff  }
0x308: {  	v11 =	vmax.f32 v11, $0.0e+00;
	v12 =	vmax.f32 v12, $0.0e+00;
	[tilespmem:s24+$0x0] =	vst v1;
	v33 =	vld.idx.msk [tilespmem:v4+s12+$0x0], $0xffff  }
0x309: {  	v11 =	vmin.f32 v11, $3.200000000e+01;
	v12 =	vmin.f32 v12, $3.200000000e+01;
	v10 =	vmul.f32 v3, v10;
	[tilespmem:$0x1FA80] =	vst v3;
	v3 =	vld [tilespmem:$0x1FA90]  }
0x30a: {  	v22 =	vtrunc.f32 v11;
	v23 =	vtrunc.f32 v12  }
0x30b: {  	v22 =	vcvt.f32.s32 v22;
	v31 =	vtrunc.f32 v9  }
0x30c: {  	v23 =	vcvt.f32.s32 v23;
	v1 =	vcvt.f32.s32 v31  }
0x30d: {  	vm10 =	vlt.s32 v22, $0x1F  }
0x30e: {  	vm11 =	vlt.s32 v23, $0x1F;
	vm12 =	vlt.s32 v1, $0x1F;
	v14 =	vmul.f32 v14, v3;
	v3 =	vld [tilespmem:$0x1FAA0]  }
0x30f: {  	v22 =	vnsel vm10, $0x1F, v22;
	v23 =	vnsel vm11, $0x1F, v23;
	v26 =	vnsel vm12, $0x1F, v1;
	v1 =	vld [tilespmem:$0x1FAB0]  }
0x310: {  	v58 =	vadd.s32 $0x463, v61;
	v31 =	vmul.u32 $0x441, v23;
	v35 =	vld.idx.msk [tilespmem:v45+s12+$0x0], $0xffff;
	v45 =	vmul.u32 $0x21, v22;
	_ =	sdelay $0x1  }
0x311: {  	v47 =	vld.idx.msk [tilespmem:v47+s12+$0x0], $0xffff;
	v10 =	vadd.f32 v2, v10;
	v2 =	vadd.s32 v45, v31  }
0x312: {  	v31 =	vadd.s32 v26, v2;
	v2 =	vcvt.s32.f32 v22  }
0x313: {  	v22 =	vcvt.s32.f32 v23;
	v23 =	vmul.f32 v33, v1;
	v1 =	vld [tilespmem:$0x1FAC0]  }
0x314: {  	v57 =	vld.idx.msk [tilespmem:v58+s3+$0x0], $0xffff  }
0x315: {  	v36 =	vld.idx.msk [tilespmem:v3+s12+$0x0], $0xffff  }
0x316: {  	v11 =	vsub.f32 v11, v2;
	v2 =	vmul.f32 v47, v51;
	v3 =	vld.idx.msk [tilespmem:v42+s12+$0x0], $0xffff;
	v42 =	vmul.f32 v35, v50  }
0x317: {  	v5 =	vld.idx.msk [tilespmem:v5+s12+$0x0], $0xffff  }
0x318: {  	v28 =	vadd.s32 $0x1, v31;
	v33 =	vadd.f32 v2, v42;
	v2 =	vld [tilespmem:$0x1FAE0]  }
0x319: {  	v6 =	vld.idx.msk [tilespmem:v6+s12+$0x0], $0xffff  }
0x31a: {  	v26 =	vcvt.s32.f32 v26;
	v12 =	vsub.f32 v12, v22;
	v22 =	vld.idx.msk [tilespmem:v48+s12+$0x0], $0xffff  }
0x31b: {  	v1 =	vld.idx.msk [tilespmem:v1+s12+$0x0], $0xffff  }
0x31c: {  	v9 =	vsub.f32 v9, v26;
	v51 =	vadd.s32 $0x21, v31;
	v42 =	vld.idx.msk [tilespmem:v31+s3+$0x0], $0xffff  }
0x31d: {  	v14 =	vadd.f32 v14, v15;
	v40 =	vmul.f32 v3, v40;
	v2 =	vmul.f32 v13, v2;
	v13 =	vld.idx.msk [tilespmem:v28+s3+$0x0], $0xffff  }
0x31e: {  	v15 =	vmul.f32 v18, v57;
	v47 =	vsub.f32 $1.000000000e+00, v11;
	v38 =	vsub.f32 $1.000000000e+00, v12;
	[tilespmem:$0x1FB00] =	vst v18;
	v18 =	vld [tilespmem:$0x1FB10]  }
0x31f: {  	v44 =	vmovc v27;
	v27 =	vadd.s32 $0x22, v31;
	v7 =	vmul.f32 v22, v7;
	v33 =	vadd.f32 v40, v33  }
0x320: {  	s20 =	sor.u32 $0x480, s23;
	v29 =	vmul.f32 v38, v47;
	v50 =	vsub.f32 $1.000000000e+00, v9;
	v57 =	vld.idx.msk [tilespmem:v55+s12+$0x0], $0xffff  }
0x321: {  	s25 =	sadd.s32 s20, s17;
	v5 =	vmul.f32 v5, v56;
	v7 =	vadd.f32 v7, v33  }
0x322: {  	v10 =	vadd.f32 v10, v15;
	v30 =	vmul.f32 v29, v50;
	v15 =	vld [tilespmem:s25+$0x0]  }
0x323: {  	v6 =	vmul.f32 v6, v52;
	v22 =	vld.idx.msk [tilespmem:v51+s3+$0x0], $0xffff;
	v5 =	vadd.f32 v5, v7;
	v18 =	vmul.f32 v36, v18  }
0x324: {  	v38 =	vmul.f32 v38, v11;
	v40 =	vmul.f32 v30, v42;
	v42 =	vld.idx.msk [tilespmem:v27+s3+$0x0], $0xffff  }
0x325: {  	s0 =	sadd.s32 s0, s15;
	v20 =	vld [tilespmem:$0x1FAD0];
	v33 =	vmul.f32 v29, v9;
	v5 =	vadd.f32 v6, v5;
	v6 =	vmul.f32 v57, v54;
	[tilespmem:$0x1FB20] =	vst v18  }
0x326: {  	s21 =	sor.u32 $0x880, s23;
	v32 =	vmul.f32 v38, v50;
	v3 =	vld [tilespmem:$0x1FAF0];
	v29 =	vadd.s32 $0x441, v31;
	[tilespmem:s0+$0x0] =	vst v0  }
0x327: {  	s24 =	sadd.s32 s21, s17;
	v13 =	vmul.f32 v33, v13;
	v5 =	vadd.f32 v6, v5;
	v6 =	vmul.f32 $3.200000000e+01, v15;
	v15 =	vld.idx.msk [tilespmem:v39+s12+$0x0], $0xffff  }
0x328: {  	s23 =	sor.u32 $0x80, s23;
	v7 =	vld [tilespmem:s24+$0x0]  }
0x329: {  	s31 =	sadd.s32 s23, s17;
	v22 =	vmul.f32 v32, v22;
	v13 =	vadd.f32 v13, v40;
	v4 =	vld.idx.msk [tilespmem:v41+s12+$0x0], $0xffff  }
0x32a: {  	v14 =	vadd.f32 v23, v14;
	v23 =	vld [tilespmem:s31+$0x0]  }
0x32b: {  	v0 =	vadd.f32 v13, v22;
	v22 =	vld.idx.msk [tilespmem:v29+s3+$0x0], $0xffff  }
0x32c: {  	v11 =	vmul.f32 v12, v11;
	[tilespmem:$0x1FB30] =	vst v15;
	v15 =	vmul.f32 v47, v12;
	v12 =	vld [tilespmem:$0x1FB40];
	_ =	sdelay $0x7  }
0x32d: {  	v12 =	vld.idx.msk [tilespmem:v12+s12+$0x0], $0xffff;
	_ =	sdelay $0x4  }
0x32e: {  	[tilespmem:$0x1FB50] =	vst v12;
	v12 =	vld [tilespmem:$0x1FB60];
	_ =	sdelay $0x4  }
0x32f: {  	v3 =	vmul.f32 v34, v3;
	v34 =	vmul.f32 v38, v9  }
0x330: {  	v18 =	vld [tilespmem:$0x1FB90]  }
0x331: {  	v13 =	vmul.f32 v34, v42  }
0x332: {  	v12 =	vld.idx.msk [tilespmem:v12+s12+$0x0], $0xffff  }
0x333: {  	v0 =	vadd.f32 v0, v13;
	v13 =	vld [tilespmem:$0x1FB80];
	_ =	sdelay $0x3  }
0x334: {  	v7 =	vmul.f32 $3.200000000e+01, v7;
	[tilespmem:$0x1FB70] =	vst v12  }
0x335: {  	v35 =	vadd.s32 $0x442, v31;
	v54 =	vld.idx.msk [tilespmem:v18+s12+$0x0], $0xffff  }
0x336: {  	v40 =	vadd.s32 $0x463, v31;
	v39 =	vadd.s32 $0x462, v31;
	v7 =	vmax.f32 v7, $0.0e+00;
	v18 =	vld [tilespmem:$0x1FBA0]  }
0x337: {  	v6 =	vmax.f32 v6, $0.0e+00;
	v38 =	vmul.f32 v15, v50;
	v7 =	vmin.f32 v7, $3.200000000e+01  }
0x338: {  	s22 =	sadd.s32 s4, s15;
	v6 =	vmin.f32 v6, $3.200000000e+01;
	v25 =	vtrunc.f32 v7;
	v12 =	vmul.f32 $3.200000000e+01, v23;
	v24 =	vld.idx.msk [tilespmem:v13+s12+$0x0], $0xffff  }
0x339: {  	v25 =	vcvt.f32.s32 v25;
	v23 =	vtrunc.f32 v6;
	[tilespmem:s22+$0x0] =	vst v10;
	v10 =	vld.idx.msk [tilespmem:v43+s12+$0x0], $0xffff  }
0x33a: {  	v13 =	vmul.f32 v38, v22;
	v22 =	vld.idx.msk [tilespmem:v35+s3+$0x0], $0xffff;
	v23 =	vcvt.f32.s32 v23;
	v12 =	vmax.f32 v12, $0.0e+00  }
0x33b: {  	v42 =	vmul.f32 v15, v9;
	vm14 =	vlt.s32 v25, $0x1F;
	v15 =	vld.idx.msk [tilespmem:v39+s3+$0x0], $0xffff;
	v12 =	vmin.f32 v12, $3.200000000e+01  }
0x33c: {  	v57 =	vld.idx.msk [tilespmem:v44+s12+$0x0], $0xffff;
	v0 =	vadd.f32 v0, v13;
	vm13 =	vlt.s32 v23, $0x1F;
	v13 =	vtrunc.f32 v12  }
0x33d: {  	v25 =	vnsel vm14, $0x1F, v25;
	v48 =	vld.idx.msk [tilespmem:v40+s3+$0x0], $0xffff;
	v23 =	vnsel vm13, $0x1F, v23;
	v13 =	vcvt.f32.s32 v13  }
0x33e: {  	v52 =	vmul.u32 $0x21, v23;
	v55 =	vld.idx.msk [tilespmem:v18+s12+$0x0], $0xffff;
	[tilespmem:$0x1FBB0] =	vst v10;
	v10 =	vmul.u32 $0x441, v25  }
0x33f: {  	vm15 =	vlt.s32 v13, $0x1F  }
0x340: {  	v13 =	vnsel vm15, $0x1F, v13;
	v10 =	vadd.s32 v52, v10  }
0x341: {  	v41 =	vmul.f32 v11, v50;
	v22 =	vmul.f32 v42, v22;
	v52 =	vadd.s32 v13, v10;
	v10 =	vld [tilespmem:$0x1FC10]  }
0x342: {  	v36 =	vmul.f32 v11, v9;
	v9 =	vld.idx.msk [tilespmem:v61+s11+$0x0], $0xffff  }
0x343: {  	v11 =	vmul.f32 v41, v15;
	v0 =	vadd.f32 v0, v22;
	v15 =	vld.idx.msk [tilespmem:v49+s11+$0x0], $0xffff;
	[tilespmem:$0x1FBC0] =	vst v62  }
0x344: {  	v22 =	vcvt.s32.f32 v23;
	v23 =	vcvt.s32.f32 v25;
	v25 =	vld.idx.msk [tilespmem:v62+s11+$0x0], $0xffff;
	[tilespmem:$0x1FBD0] =	vst v46  }
0x345: {  	v0 =	vadd.f32 v0, v11;
	v11 =	vmul.f32 v36, v48;
	v43 =	vld.idx.msk [tilespmem:v46+s11+$0x0], $0xffff;
	[tilespmem:$0x1FBE0] =	vst v37  }
0x346: {  	v6 =	vsub.f32 v6, v22;
	v22 =	vld.idx.msk [tilespmem:v37+s11+$0x0], $0xffff;
	[tilespmem:$0x1FBF0] =	vst v21;
	v1 =	vmul.f32 v1, v10  }
0x347: {  	v7 =	vsub.f32 v7, v23;
	v0 =	vadd.f32 v0, v11;
	v18 =	vld.idx.msk [tilespmem:v21+s11+$0x0], $0xffff;
	[tilespmem:$0x1FC30] =	vst v60  }
0x348: {  	v8 =	vmul.f32 v8, v20;
	s24 =	sadd.s32 s2, s15;
	v45 =	vld [tilespmem:$0x1FC00];
	v62 =	vcvt.s32.f32 v13;
	[tilespmem:$0x1FC20] =	vst v1  }
0x349: {  	v4 =	vmul.f32 v4, v19;
	v11 =	vsub.f32 $1.000000000e+00, v7;
	v21 =	vmov v59;
	v59 =	vld.idx.msk [tilespmem:v60+s11+$0x0], $0xffff;
	[tilespmem:s24+$0x0] =	vst v0  }
0x34a: {  	v12 =	vsub.f32 v12, v62;
	v50 =	vadd.s32 $0x1, v52;
	v1 =	vsub.f32 $1.000000000e+00, v6;
	[tilespmem:$0x1FC40] =	vst v58;
	v10 =	vld [tilespmem:$0x1FC50]  }
0x34b: {  	v19 =	vmov v49;
	v49 =	vadd.f32 v4, v5;
	v0 =	vadd.f32 v8, v14;
	v26 =	vld.idx.msk [tilespmem:v58+s11+$0x0], $0xffff  }
0x34c: {  	v8 =	vmul.f32 v11, v6;
	v5 =	vmul.f32 v11, v1;
	v11 =	vsub.f32 $1.000000000e+00, v12;
	v58 =	vmovc v51;
	v13 =	vld.idx.msk [tilespmem:v31+s11+$0x0], $0xffff  }
0x34d: {  	v23 =	vmul.f32 v7, v6;
	v14 =	vmul.f32 v1, v7;
	v7 =	vld.idx.msk [tilespmem:v28+s11+$0x0], $0xffff  }
0x34e: {  	v0 =	vadd.f32 v2, v0;
	v62 =	vmul.f32 v8, v12;
	v4 =	vmul.f32 v5, v11  }
0x34f: {  	v56 =	vmovc v61;
	v51 =	vadd.s32 $0x21, v52;
	v6 =	vld.idx.msk [tilespmem:v50+s3+$0x0], $0xffff;
	v2 =	vmul.f32 v5, v12;
	v1 =	vmul.f32 v8, v11  }
0x350: {  	v61 =	vmul.f32 v14, v11;
	v5 =	vadd.f32 v3, v0;
	v0 =	vmul.f32 v53, v9;
	v9 =	vld.idx.msk [tilespmem:v52+s3+$0x0], $0xffff  }
0x351: {  	s25 =	sadd.s32 s10, s15;
	v60 =	vmul.f32 v14, v12;
	v3 =	vmul.f32 v15, v45;
	v8 =	vld.idx.msk [tilespmem:v58+s11+$0x0], $0xffff  }
0x352: {  	v46 =	vadd.s32 $0x22, v52;
	v14 =	vld.idx.msk [tilespmem:v27+s11+$0x0], $0xffff;
	[tilespmem:s25+$0x0] =	vst v10;
	v13 =	vmul.f32 v30, v13;
	v7 =	vmul.f32 v7, v33  }
0x353: {  	v44 =	vadd.s32 $0x441, v52;
	v25 =	vmul.f32 v25, v63;
	v3 =	vadd.f32 v3, v0;
	v0 =	vld [tilespmem:$0x1FC60]  }
0x354: {  	v37 =	vadd.s32 $0x442, v52;
	v43 =	vmul.f32 v43, v21;
	v10 =	vld.idx.msk [tilespmem:v29+s11+$0x0], $0xffff;
	v7 =	vadd.f32 v7, v13  }
0x355: {  	v15 =	vld.idx.msk [tilespmem:v51+s3+$0x0], $0xffff;
	v13 =	vmul.f32 v2, v6;
	v6 =	vadd.f32 v25, v3;
	v9 =	vmul.f32 v4, v9  }
0x356: {  	v47 =	vmov v63;
	v63 =	vmul.f32 v23, v12;
	v3 =	vld.idx.msk [tilespmem:v35+s11+$0x0], $0xffff;
	v8 =	vmul.f32 v8, v32  }
0x357: {  	s31 =	sadd.s32 s7, s15;
	v12 =	vmul.f32 v14, v34;
	v25 =	vadd.f32 v13, v9;
	v9 =	vadd.f32 v43, v6;
	v6 =	vld.idx.msk [tilespmem:v39+s11+$0x0], $0xffff  }
0x358: {  	s1 =	sadd.s32 s1, s15;
	[tilespmem:s31+$0x0] =	vst v0;
	v0 =	vmul.f32 v23, v11;
	v11 =	vld.idx.msk [tilespmem:v46+s3+$0x0], $0xffff;
	v8 =	vadd.f32 v8, v7  }
0x359: {  	s8 =	sadd.s32 s8, s15;
	[tilespmem:s1+$0x0] =	vst v49;
	v49 =	vadd.s32 $0x462, v52;
	v23 =	vld.idx.msk [tilespmem:v44+s3+$0x0], $0xffff  }
0x35a: {  	s4 =	sadd.s32 s9, s15;
	s9 =	sadd.s32 s23, s15;
	s0 =	sadd.s32 s13, s15;
	v13 =	vmul.f32 v10, v38;
	v10 =	vmul.f32 v18, v17;
	v14 =	vadd.f32 v12, v8;
	v12 =	vld.idx.msk [tilespmem:v37+s3+$0x0], $0xffff  }
0x35b: {  	s2 =	sadd.s32 s18, s15;
	s7 =	sadd.s32 s20, s15;
	v48 =	vmovc v16;
	s1 =	sadd.s32 s21, s15;
	v43 =	vadd.s32 $0x463, v52;
	v15 =	vmul.f32 v1, v15;
	v7 =	vmul.f32 v22, v16;
	v8 =	vld.idx.msk [tilespmem:v40+s11+$0x0], $0xffff  }
.LBB2_5:
0x35c: {  	v18 =	vld [tilespmem:$0x1FA80];
	_ =	sdelay $0x3  }
0x35d: {  	v7 =	vadd.f32 v7, v9  }
0x35e: {  	v13 =	vadd.f32 v13, v14;
	v3 =	vmul.f32 v3, v42;
	v14 =	vmul.f32 v59, v18;
	v59 =	vld [tilespmem:$0x1FB00]  }
0x35f: {  	v15 =	vadd.f32 v25, v15;
	v11 =	vmul.f32 v62, v11  }
0x360: {  	v22 =	vld.idx.msk [tilespmem:v49+s3+$0x0], $0xffff;
	v7 =	vadd.f32 v10, v7;
	v6 =	vmul.f32 v6, v41;
	v3 =	vadd.f32 v3, v13  }
0x361: {  	v9 =	vld.idx.msk [tilespmem:v43+s3+$0x0], $0xffff;
	v11 =	vadd.f32 v15, v11;
	v15 =	vmul.f32 v61, v23  }
0x362: {  	v7 =	vadd.f32 v14, v7;
	v14 =	vld [tilespmem:$0x1FB30];
	v3 =	vadd.f32 v6, v3;
	v6 =	vmul.f32 v8, v36  }
0x363: {  	v8 =	vld [tilespmem:$0x1F9E0];
	v10 =	vmul.f32 v26, v59  }
0x364: {  	s14 =	sadd.s32 $0x20, s14;
	s16 =	sadd.s32 $0x40, s16;
	v12 =	vmul.f32 v60, v12;
	v11 =	vadd.f32 v11, v15;
	v3 =	vadd.f32 v6, v3;
	v6 =	vld [tilespmem:$0x1F9F0]  }
0x365: {  	s10 =	sand.u32 $0x60, s14;
	s13 =	sand.u32 $0x300, s16;
	v7 =	vadd.f32 v10, v7;
	v10 =	vld [tilespmem:$0x1FB50]  }
0x366: {  	s10 =	sor.u32 s10, s13;
	v11 =	vadd.f32 v11, v12;
	v12 =	vmul.f32 v0, v22  }
0x367: {  	s21 =	sor.u32 $0x490, s10  }
0x368: {  	s13 =	sor.u32 $0x90, s10;
	s24 =	sadd.s32 s21, s17;
	v9 =	vmul.f32 v63, v9;
	v11 =	vadd.f32 v11, v12  }
0x369: {  	s18 =	sor.u32 $0x890, s10;
	s31 =	sadd.s32 s13, s17;
	v13 =	vld [tilespmem:s24+$0x0];
	v8 =	vmul.f32 v14, v8;
	v14 =	vmov v53  }
0x36a: {  	s19 =	sor.u32 $0x480, s10;
	s22 =	sadd.s32 s18, s17;
	v53 =	vmovc v4;
	v4 =	vld [tilespmem:s31+$0x0];
	[tilespmem:$0x1F9E0] =	vst v14;
	v16 =	vadd.f32 v11, v9;
	v6 =	vmul.f32 v10, v6;
	v10 =	vmov v45  }
0x36b: {  	s20 =	sor.u32 $0x880, s10;
	s23 =	sadd.s32 s19, s17;
	v14 =	vld [tilespmem:s22+$0x0];
	[tilespmem:$0x1F9F0] =	vst v10  }
0x36c: {  	s10 =	sor.u32 $0x80, s10;
	s25 =	sadd.s32 s20, s17;
	v10 =	vld [tilespmem:s23+$0x0];
	[tilespmem:s8+$0x0] =	vst v7  }
0x36d: {  	s24 =	sadd.s32 s10, s17;
	v15 =	vld [tilespmem:s25+$0x0]  }
0x36e: {  	s23 =	sadd.s32 s6, s15;
	v25 =	vld [tilespmem:s24+$0x0];
	[tilespmem:s9+$0x0] =	vst v16;
	v16 =	vmov v48  }
0x36f: {  	[tilespmem:s23+$0x0] =	vst v3;
	v3 =	vld [tilespmem:$0x1FA20];
	_ =	sdelay $0x1  }
0x370: {  	[tilespmem:$0x1FA20] =	vst v16;
	v16 =	vmov v17;
	_ =	sdelay $0x2  }
0x371: {  	v8 =	vadd.f32 v6, v8;
	v6 =	vmul.f32 v54, v3;
	v3 =	vld [tilespmem:$0x1FA30];
	[tilespmem:$0x1FA30] =	vst v16;
	v16 =	vmov v60;
	_ =	sdelay $0x2  }
0x372: {  	[tilespmem:$0x1F9B0] =	vst v16;
	v16 =	vmov v63  }
0x373: {  	[tilespmem:$0x1FB00] =	vst v16;
	v16 =	vld.idx.msk [tilespmem:v37+s11+$0x0], $0xffff;
	_ =	sdelay $0x4  }
0x374: {  	[tilespmem:$0x1F9D0] =	vst v16;
	v16 =	vld.idx.msk [tilespmem:v56+s12+$0x0], $0xffff;
	_ =	sdelay $0x4  }
0x375: {  	v12 =	vld [tilespmem:$0x1FB70];
	[tilespmem:$0x1FB30] =	vst v16;
	v16 =	vmov v52  }
0x376: {  	[tilespmem:$0x1F9C0] =	vst v16;
	v16 =	vld.idx.msk [tilespmem:v19+s12+$0x0], $0xffff  }
0x377: {  	v9 =	vld [tilespmem:$0x1FA40]  }
0x378: {  	v7 =	vld [tilespmem:$0x1FA00];
	_ =	sdelay $0x2  }
0x379: {  	[tilespmem:$0x1FB50] =	vst v16;
	v16 =	vld [tilespmem:$0x1FBC0]  }
0x37a: {  	v13 =	vmul.f32 $3.200000000e+01, v13;
	v4 =	vmul.f32 $3.200000000e+01, v4;
	v22 =	vld.idx.msk [tilespmem:v31+s12+$0x0], $0xffff  }
0x37b: {  	v23 =	vmul.f32 v57, v9;
	v12 =	vmul.f32 v12, v7  }
0x37c: {  	v45 =	vmovc v2;
	v2 =	vmul.f32 $3.200000000e+01, v14;
	v14 =	vld.idx.msk [tilespmem:v28+s12+$0x0], $0xffff;
	v4 =	vmax.f32 v4, $0.0e+00;
	v3 =	vmul.f32 v55, v3  }
0x37d: {  	v26 =	vld.idx.msk [tilespmem:v27+s12+$0x0], $0xffff;
	v4 =	vmin.f32 v4, $3.200000000e+01;
	v9 =	vadd.f32 v12, v8;
	v12 =	vmax.f32 v13, $0.0e+00  }
0x37e: {  	v11 =	vmovc v23;
	v2 =	vmax.f32 v2, $0.0e+00;
	v27 =	vtrunc.f32 v4;
	v13 =	vmin.f32 v12, $3.200000000e+01;
	v12 =	vld.idx.msk [tilespmem:v58+s12+$0x0], $0xffff;
	[tilespmem:$0x1F9A0] =	vst v3  }
0x37f: {  	v2 =	vmin.f32 v2, $3.200000000e+01;
	v22 =	vmul.f32 v22, v30;
	v3 =	vld [tilespmem:$0x1FB20];
	[tilespmem:$0x1FB20] =	vst v11;
	v11 =	vtrunc.f32 v13  }
0x380: {  	v23 =	vcvt.f32.s32 v11;
	v11 =	vtrunc.f32 v2  }
0x381: {  	v14 =	vmul.f32 v14, v33;
	v28 =	vcvt.f32.s32 v11;
	v16 =	vld.idx.msk [tilespmem:v16+s12+$0x0], $0xffff  }
0x382: {  	v29 =	vld.idx.msk [tilespmem:v29+s12+$0x0], $0xffff;
	v27 =	vcvt.f32.s32 v27  }
0x383: {  	v14 =	vadd.f32 v14, v22;
	vm0 =	vlt.s32 v23, $0x1F;
	vm13 =	vlt.s32 v28, $0x1F  }
0x384: {  	v48 =	vld.idx.msk [tilespmem:v35+s12+$0x0], $0xffff;
	v22 =	vmul.f32 v12, v32;
	v23 =	vnsel vm0, $0x1F, v23;
	v30 =	vnsel vm13, $0x1F, v28  }
0x385: {  	v54 =	vld.idx.msk [tilespmem:v39+s12+$0x0], $0xffff;
	v31 =	vmul.u32 $0x21, v23;
	v28 =	vmul.u32 $0x441, v30  }
0x386: {  	v7 =	vld [tilespmem:$0x1FA10];
	vm14 =	vlt.s32 v27, $0x1F;
	v26 =	vmul.f32 v26, v34;
	v22 =	vadd.f32 v22, v14;
	[tilespmem:$0x1FB70] =	vst v16;
	v16 =	vmovc v51  }
0x387: {  	v29 =	vmul.f32 v29, v38;
	v27 =	vnsel vm14, $0x1F, v27;
	v28 =	vadd.s32 v31, v28;
	[tilespmem:$0x1FBC0] =	vst v16;
	v16 =	vld [tilespmem:$0x1FBD0]  }
0x388: {  	v26 =	vadd.f32 v26, v22;
	v8 =	vadd.f32 v3, v5;
	v5 =	vmovc v47;
	v3 =	vld [tilespmem:$0x1FBB0];
	v31 =	vadd.s32 v27, v28  }
0x389: {  	v23 =	vcvt.s32.f32 v23;
	[tilespmem:$0x1FA00] =	vst v5;
	v5 =	vld [tilespmem:$0x1FA50];
	v30 =	vcvt.s32.f32 v30;
	v28 =	vadd.s32 $0x1, v31  }
0x38a: {  	v32 =	vmul.f32 v48, v42;
	v29 =	vadd.f32 v29, v26  }
0x38b: {  	v15 =	vmul.f32 $3.200000000e+01, v15;
	v55 =	vld.idx.msk [tilespmem:v40+s12+$0x0], $0xffff;
	v13 =	vsub.f32 v13, v23;
	v2 =	vsub.f32 v2, v30  }
0x38c: {  	v7 =	vmul.f32 v24, v7;
	v11 =	vld.idx.msk [tilespmem:v50+s11+$0x0], $0xffff;
	v23 =	vadd.f32 v32, v29;
	v29 =	vmul.f32 v54, v41  }
0x38d: {  	v20 =	vmovc v61;
	v17 =	vmovc v0;
	v14 =	vld.idx.msk [tilespmem:v44+s11+$0x0], $0xffff;
	v27 =	vcvt.s32.f32 v27;
	v38 =	vsub.f32 $1.000000000e+00, v13;
	v30 =	vsub.f32 $1.000000000e+00, v2  }
0x38e: {  	v58 =	vadd.s32 $0x21, v31;
	v5 =	vmul.f32 v3, v5;
	v3 =	vmovc v1;
	v1 =	vmul.f32 $3.200000000e+01, v10;
	v10 =	vmovc v21;
	v60 =	vld.idx.msk [tilespmem:v28+s3+$0x0], $0xffff  }
0x38f: {  	v21 =	vmovc v62;
	v4 =	vsub.f32 v4, v27;
	v62 =	vmul.f32 v30, v38;
	v24 =	vld.idx.msk [tilespmem:v16+s12+$0x0], $0xffff;
	v16 =	vmov v46  }
0x390: {  	v0 =	vmovc v59;
	v25 =	vmul.f32 $3.200000000e+01, v25;
	v61 =	vmul.f32 v55, v36;
	v23 =	vadd.f32 v29, v23;
	[tilespmem:$0x1FBD0] =	vst v16;
	v16 =	vld [tilespmem:$0x1FBE0]  }
0x391: {  	v15 =	vmax.f32 v15, $0.0e+00;
	[tilespmem:$0x1FA50] =	vst v0;
	v0 =	vld.idx.msk [tilespmem:v51+s11+$0x0], $0xffff;
	v27 =	vadd.s32 $0x22, v31;
	v33 =	vmul.f32 v62, v4  }
0x392: {  	v29 =	vadd.s32 $0x441, v31;
	v35 =	vadd.s32 $0x442, v31;
	v23 =	vadd.f32 v61, v23;
	v57 =	vld.idx.msk [tilespmem:v31+s3+$0x0], $0xffff  }
0x393: {  	v22 =	vmovc v50;
	v50 =	vmul.f32 v30, v13;
	v36 =	vsub.f32 $1.000000000e+00, v4;
	v42 =	vld.idx.msk [tilespmem:v58+s3+$0x0], $0xffff;
	v41 =	vmul.f32 v33, v60  }
0x394: {  	v1 =	vmax.f32 v1, $0.0e+00;
	v60 =	vmul.f32 v38, v2;
	v2 =	vmul.f32 v2, v13;
	v13 =	vld [tilespmem:$0x1FC30]  }
0x395: {  	s31 =	sadd.s32 s5, s15;
	v25 =	vmax.f32 v25, $0.0e+00;
	[tilespmem:$0x1FA10] =	vst v10;
	v10 =	vld.idx.msk [tilespmem:v52+s11+$0x0], $0xffff;
	v1 =	vmin.f32 v1, $3.200000000e+01;
	v30 =	vmul.f32 v62, v36  }
0x396: {  	v15 =	vmin.f32 v15, $3.200000000e+01;
	v39 =	vadd.s32 $0x462, v31;
	v63 =	vtrunc.f32 v1;
	v51 =	vld.idx.msk [tilespmem:v27+s3+$0x0], $0xffff;
	[tilespmem:s31+$0x0] =	vst v23  }
0x397: {  	v25 =	vmin.f32 v25, $3.200000000e+01;
	v32 =	vmul.f32 v50, v36;
	v48 =	vmul.f32 v30, v57;
	v52 =	vld.idx.msk [tilespmem:v29+s3+$0x0], $0xffff  }
0x398: {  	v40 =	vadd.s32 $0x463, v31;
	v34 =	vmul.f32 v50, v4;
	v56 =	vcvt.f32.s32 v63;
	v54 =	vld.idx.msk [tilespmem:v16+s12+$0x0], $0xffff  }
0x399: {  	v61 =	vtrunc.f32 v25;
	v42 =	vmul.f32 v32, v42;
	v41 =	vadd.f32 v41, v48;
	v16 =	vmovc v44;
	v44 =	vld.idx.msk [tilespmem:v35+s3+$0x0], $0xffff  }
0x39a: {  	vm15 =	vlt.s32 v56, $0x1F;
	v38 =	vmul.f32 v60, v36;
	v23 =	vtrunc.f32 v15;
	[tilespmem:$0x1FBE0] =	vst v16;
	v16 =	vld [tilespmem:$0x1FBF0]  }
0x39b: {  	v62 =	vadd.f32 v41, v42;
	v23 =	vcvt.f32.s32 v23;
	v50 =	vld.idx.msk [tilespmem:v39+s3+$0x0], $0xffff;
	v63 =	vmul.f32 v34, v51  }
0x39c: {  	v42 =	vmul.f32 v60, v4;
	v60 =	vnsel vm15, $0x1F, v56;
	v41 =	vmul.f32 v2, v36;
	v57 =	vld.idx.msk [tilespmem:v13+s12+$0x0], $0xffff;
	v13 =	vmovc v49  }
0x39d: {  	v59 =	vld.idx.msk [tilespmem:v49+s11+$0x0], $0xffff;
	[tilespmem:$0x1FC30] =	vst v13;
	vm1 =	vlt.s32 v23, $0x1F;
	v47 =	vmul.f32 v38, v52;
	v13 =	vadd.f32 v62, v63  }
0x39e: {  	v36 =	vmul.f32 v2, v4;
	v49 =	vld.idx.msk [tilespmem:v40+s3+$0x0], $0xffff;
	v23 =	vnsel vm1, $0x1F, v23;
	v51 =	vmul.u32 $0x21, v60  }
0x39f: {  	v12 =	vld.idx.msk [tilespmem:v46+s11+$0x0], $0xffff;
	v46 =	vcvt.f32.s32 v61;
	v13 =	vadd.f32 v13, v47;
	v61 =	vmul.f32 v42, v44  }
0x3a0: {  	v4 =	vmul.f32 v41, v50;
	v62 =	vcvt.s32.f32 v60;
	v63 =	vmul.u32 $0x441, v23  }
0x3a1: {  	v23 =	vcvt.s32.f32 v23;
	vm2 =	vlt.s32 v46, $0x1F;
	v2 =	vadd.f32 v13, v61  }
0x3a2: {  	v52 =	vadd.s32 v51, v63;
	v56 =	vsub.f32 v1, v62;
	v13 =	vnsel vm2, $0x1F, v46;
	v55 =	vld.idx.msk [tilespmem:v16+s12+$0x0], $0xffff;
	v16 =	vmovc v37  }
0x3a3: {  	v52 =	vadd.s32 v13, v52;
	v1 =	vadd.f32 v2, v4;
	v2 =	vmul.f32 v36, v49;
	[tilespmem:$0x1FBF0] =	vst v16;
	v16 =	vld [tilespmem:$0x1FC40]  }
0x3a4: {  	v15 =	vsub.f32 v15, v23;
	v4 =	vcvt.s32.f32 v13;
	v50 =	vadd.s32 $0x1, v52  }
0x3a5: {  	v19 =	vld [tilespmem:$0x1FC20];
	v13 =	vsub.f32 $1.000000000e+00, v56;
	v1 =	vadd.f32 v1, v2  }
0x3a6: {  	s13 =	sadd.s32 s13, s15;
	v23 =	vsub.f32 v25, v4;
	v2 =	vsub.f32 $1.000000000e+00, v15  }
0x3a7: {  	v18 =	vmov v18;
	v26 =	vld.idx.msk [tilespmem:v43+s11+$0x0], $0xffff;
	[tilespmem:s13+$0x0] =	vst v1  }
0x3a8: {  	[tilespmem:$0x1FA80] =	vst v17;
	v25 =	vsub.f32 $1.000000000e+00, v23;
	v1 =	vmul.f32 v2, v13;
	v13 =	vmul.f32 v13, v15;
	v17 =	vld.idx.msk [tilespmem:v28+s11+$0x0], $0xffff  }
0x3a9: {  	[tilespmem:$0x1FA40] =	vst v18;
	v18 =	vld.idx.msk [tilespmem:v50+s3+$0x0], $0xffff  }
0x3aa: {  	v19 =	vadd.f32 v19, v8;
	v61 =	vmul.f32 v13, v25;
	v60 =	vmul.f32 v13, v23;
	v13 =	vld.idx.msk [tilespmem:v52+s3+$0x0], $0xffff  }
0x3ab: {  	v7 =	vadd.f32 v7, v9;
	v16 =	vld.idx.msk [tilespmem:v16+s12+$0x0], $0xffff  }
0x3ac: {  	[tilespmem:s4+$0x0] =	vst v19;
	v19 =	vmul.f32 v0, v3;
	v0 =	vld [tilespmem:$0x1F9A0]  }
0x3ad: {  	v6 =	vadd.f32 v6, v7;
	v7 =	vmul.f32 v15, v56;
	v51 =	vadd.s32 $0x21, v52  }
0x3ae: {  	v8 =	vmovc v5;
	v10 =	vmul.f32 v53, v10;
	v46 =	vadd.s32 $0x22, v52;
	v47 =	vmul.f32 v2, v56;
	v9 =	vld.idx.msk [tilespmem:v58+s11+$0x0], $0xffff  }
0x3af: {  	[tilespmem:$0x1FC20] =	vst v8;
	v44 =	vadd.s32 $0x441, v52;
	v56 =	vmul.f32 v11, v45;
	v63 =	vmul.f32 v7, v23  }
0x3b0: {  	v15 =	vld.idx.msk [tilespmem:v27+s11+$0x0], $0xffff;
	v4 =	vmul.f32 v1, v25;
	v2 =	vmul.f32 v1, v23;
	[tilespmem:$0x1FBB0] =	vst v16;
	v16 =	vmov v43  }
0x3b1: {  	v5 =	vadd.f32 v0, v6;
	v6 =	vmul.f32 v17, v33;
	[tilespmem:$0x1FC40] =	vst v16;
	v16 =	vld.idx.msk [tilespmem:v31+s11+$0x0], $0xffff  }
0x3b2: {  	v10 =	vadd.f32 v56, v10;
	v8 =	vld.idx.msk [tilespmem:v51+s3+$0x0], $0xffff;
	v0 =	vmul.f32 v7, v25;
	v17 =	vmul.f32 v2, v18  }
0x3b3: {  	v37 =	vadd.s32 $0x442, v52;
	v11 =	vld.idx.msk [tilespmem:v46+s3+$0x0], $0xffff;
	v7 =	vmul.f32 v9, v32;
	v9 =	vmul.f32 v4, v13  }
0x3b4: {  	v62 =	vmul.f32 v47, v23;
	v23 =	vld.idx.msk [tilespmem:v44+s3+$0x0], $0xffff;
	v10 =	vadd.f32 v19, v10;
	v13 =	vmul.f32 v12, v21  }
0x3b5: {  	v1 =	vmul.f32 v47, v25;
	v25 =	vadd.f32 v17, v9;
	v17 =	vld [tilespmem:$0x1F9B0]  }
0x3b6: {  	v47 =	vmov v3;
	v9 =	vadd.f32 v13, v10;
	v10 =	vld [tilespmem:$0x1F9D0];
	v3 =	vmul.f32 v30, v16  }
0x3b7: {  	p2 =	slt.u32 s14, $0x1E0;
	v16 =	vld.idx.msk [tilespmem:v29+s11+$0x0], $0xffff  }
.Ltmp1:
0x3b8: {  	v19 =	vmul.f32 v15, v34;
	v12 =	vld.idx.msk [tilespmem:v37+s3+$0x0], $0xffff;
	v6 =	vadd.f32 v6, v3;
	(pc) =	sbr.rel @p2 .LBB2_5-.Ltmp1, $4  }
0x3b9: {  	s19 =	sadd.s32 s19, s15;
	s5 =	smov.u32 s18;
	s22 =	sadd.s32 s10, s15;
	v15 =	vmul.f32 v1, v8;
	v8 =	vld.idx.msk [tilespmem:v40+s11+$0x0], $0xffff  }
0x3ba: {  	s10 =	sadd.s32 s20, s15;
	s6 =	smov.u32 s21;
	s8 =	smov.u32 s7;
	v3 =	vld.idx.msk [tilespmem:v35+s11+$0x0], $0xffff;
	v18 =	vadd.f32 v7, v6  }
0x3bb: {  	s7 =	smov.u32 s19;
	s9 =	smov.u32 s22;
	v48 =	vmovc v20;
	v49 =	vadd.s32 $0x462, v52;
	s4 =	smov.u32 s0;
	v43 =	vadd.s32 $0x463, v52;
	v10 =	vmul.f32 v10, v17;
	v6 =	vld.idx.msk [tilespmem:v39+s11+$0x0], $0xffff  }
0x3bc: {  	v56 =	vld [tilespmem:$0x1F9C0];
	s0 =	smov.u32 s2;
	s2 =	smov.u32 s1;
	s1 =	smov.u32 s10;
	v7 =	vmul.f32 v14, v20;
	v13 =	vmul.f32 v16, v38;
	v14 =	vadd.f32 v19, v18;
	v19 =	vmovc v22  }
0x3bd: {  	_ =	sdelay $0x2  }
0x3be: {  	v15 =	vadd.f32 v25, v15;
	v11 =	vmul.f32 v62, v11  }
0x3bf: {  	v16 =	vld.idx.msk [tilespmem:v49+s3+$0x0], $0xffff  }
0x3c0: {  	v25 =	vmul.f32 v61, v23;
	v11 =	vadd.f32 v15, v11  }
0x3c1: {  	v17 =	vld.idx.msk [tilespmem:v43+s3+$0x0], $0xffff  }
0x3c2: {  	v12 =	vmul.f32 v60, v12;
	v11 =	vadd.f32 v11, v25;
	_ =	sdelay $0x1  }
0x3c3: {  	v18 =	vmul.f32 v0, v16;
	v11 =	vadd.f32 v11, v12;
	_ =	sdelay $0x1  }
0x3c4: {  	v20 =	vmul.f32 v63, v17;
	v11 =	vadd.f32 v11, v18;
	_ =	sdelay $0x1  }
0x3c5: {  	v11 =	vadd.f32 v11, v20;
	_ =	sdelay $0x1  }
0x3c6: {  	v13 =	vadd.f32 v13, v14;
	v3 =	vmul.f32 v3, v42;
	[tilespmem:s9+$0x0] =	vst v11  }
0x3c7: {  	v11 =	vld.idx.msk [tilespmem:v52+s11+$0x0], $0xffff  }
0x3c8: {  	v6 =	vmul.f32 v6, v41;
	v3 =	vadd.f32 v3, v13;
	v22 =	vld.idx.msk [tilespmem:v50+s11+$0x0], $0xffff  }
0x3c9: {  	v23 =	vld.idx.msk [tilespmem:v51+s11+$0x0], $0xffff  }
0x3ca: {  	v16 =	vmul.f32 v8, v36;
	v3 =	vadd.f32 v6, v3;
	v25 =	vld.idx.msk [tilespmem:v46+s11+$0x0], $0xffff;
	_ =	sdelay $0x1  }
0x3cb: {  	v3 =	vadd.f32 v16, v3  }
0x3cc: {  	s6 =	sadd.s32 s6, s15;
	v17 =	vld.idx.msk [tilespmem:v44+s11+$0x0], $0xffff;
	v11 =	vmul.f32 v4, v11;
	v12 =	vmul.f32 v22, v2  }
0x3cd: {  	[tilespmem:s6+$0x0] =	vst v3;
	v6 =	vld.idx.msk [tilespmem:v37+s11+$0x0], $0xffff  }
0x3ce: {  	v18 =	vmul.f32 v23, v1;
	v20 =	vmul.f32 v25, v62;
	v25 =	vld.idx.msk [tilespmem:v31+s12+$0x0], $0xffff;
	v11 =	vadd.f32 v12, v11  }
0x3cf: {  	v31 =	vld [tilespmem:$0x1FA80]  }
0x3d0: {  	v11 =	vadd.f32 v18, v11;
	v18 =	vld.idx.msk [tilespmem:v28+s12+$0x0], $0xffff  }
0x3d1: {  	v28 =	vld [tilespmem:$0x1FB00]  }
0x3d2: {  	v7 =	vadd.f32 v7, v9;
	v22 =	vld.idx.msk [tilespmem:v49+s11+$0x0], $0xffff  }
0x3d3: {  	v8 =	vmul.f32 v17, v61;
	v23 =	vadd.f32 v20, v11  }
0x3d4: {  	v7 =	vadd.f32 v10, v7;
	v17 =	vld.idx.msk [tilespmem:v43+s11+$0x0], $0xffff;
	v16 =	vmul.f32 v59, v31  }
0x3d5: {  	v6 =	vmul.f32 v6, v60;
	v12 =	vld.idx.msk [tilespmem:v39+s12+$0x0], $0xffff;
	v8 =	vadd.f32 v8, v23  }
0x3d6: {  	v59 =	vld.idx.msk [tilespmem:v29+s12+$0x0], $0xffff;
	v7 =	vadd.f32 v16, v7;
	v26 =	vmul.f32 v26, v28  }
0x3d7: {  	v3 =	vmul.f32 v22, v0;
	v20 =	vld.idx.msk [tilespmem:v58+s12+$0x0], $0xffff;
	v6 =	vadd.f32 v6, v8  }
0x3d8: {  	v58 =	vld.idx.msk [tilespmem:v27+s12+$0x0], $0xffff;
	v7 =	vadd.f32 v26, v7  }
0x3d9: {  	v3 =	vadd.f32 v3, v6;
	v6 =	vld.idx.msk [tilespmem:v35+s12+$0x0], $0xffff  }
0x3da: {  	[tilespmem:s8+$0x0] =	vst v7;
	v7 =	vld.idx.msk [tilespmem:v40+s12+$0x0], $0xffff  }
0x3db: {  	v11 =	vld.idx.msk [tilespmem:v56+s12+$0x0], $0xffff  }
0x3dc: {  	v22 =	vmul.f32 v17, v63;
	v23 =	vmul.f32 v25, v30;
	v25 =	vld [tilespmem:$0x1F9E0]  }
0x3dd: {  	v26 =	vld [tilespmem:$0x1FB30]  }
0x3de: {  	v3 =	vadd.f32 v22, v3;
	v27 =	vld [tilespmem:$0x1F9F0]  }
0x3df: {  	v29 =	vld [tilespmem:$0x1FB50]  }
0x3e0: {  	v30 =	vld.idx.msk [tilespmem:v19+s12+$0x0], $0xffff;
	[tilespmem:s7+$0x0] =	vst v3  }
0x3e1: {  	v9 =	vmul.f32 v18, v33;
	v33 =	vld.idx.msk [tilespmem:v52+s12+$0x0], $0xffff  }
0x3e2: {  	v35 =	vld [tilespmem:$0x1FA00]  }
0x3e3: {  	v18 =	vld [tilespmem:$0x1FB70]  }
0x3e4: {  	v39 =	vld [tilespmem:$0x1FA10]  }
0x3e5: {  	v40 =	vld.idx.msk [tilespmem:v50+s12+$0x0], $0xffff  }
0x3e6: {  	v50 =	vld [tilespmem:$0x1FA20]  }
0x3e7: {  	v22 =	vld [tilespmem:$0x1FA30]  }
0x3e8: {  	v56 =	vld [tilespmem:$0x1FA40]  }
0x3e9: {  	v52 =	vmul.f32 v58, v34;
	v58 =	vld.idx.msk [tilespmem:v51+s12+$0x0], $0xffff  }
0x3ea: {  	v32 =	vmul.f32 v20, v32;
	v20 =	vld [tilespmem:$0x1FB20]  }
0x3eb: {  	v34 =	vld [tilespmem:$0x1FA50]  }
0x3ec: {  	v59 =	vmul.f32 v59, v38;
	v38 =	vld.idx.msk [tilespmem:v44+s12+$0x0], $0xffff  }
0x3ed: {  	v19 =	vmul.f32 v54, v50;
	v54 =	vld [tilespmem:$0x1FBC0]  }
0x3ee: {  	v8 =	vadd.f32 v9, v23;
	v16 =	vmul.f32 v29, v27;
	v27 =	vld [tilespmem:$0x1FBD0]  }
0x3ef: {  	v29 =	vld.idx.msk [tilespmem:v46+s12+$0x0], $0xffff  }
0x3f0: {  	v8 =	vadd.f32 v32, v8;
	v3 =	vmul.f32 v30, v45;
	v45 =	vld.idx.msk [tilespmem:v37+s12+$0x0], $0xffff  }
0x3f1: {  	v30 =	vmul.f32 v33, v4;
	v33 =	vld [tilespmem:$0x1FBE0]  }
0x3f2: {  	v8 =	vadd.f32 v52, v8;
	v52 =	vld.idx.msk [tilespmem:v49+s12+$0x0], $0xffff  }
0x3f3: {  	v32 =	vmul.f32 v40, v2;
	v40 =	vld [tilespmem:$0x1FBF0]  }
0x3f4: {  	v15 =	vmul.f32 v26, v25;
	v50 =	vld [tilespmem:$0x1FC30]  }
0x3f5: {  	v6 =	vmul.f32 v6, v42;
	v42 =	vmul.f32 v12, v41;
	v13 =	vld.idx.msk [tilespmem:v54+s12+$0x0], $0xffff  }
0x3f6: {  	v7 =	vmul.f32 v7, v36;
	v11 =	vmul.f32 v11, v53;
	v15 =	vadd.f32 v16, v15;
	v14 =	vld.idx.msk [tilespmem:v27+s12+$0x0], $0xffff  }
0x3f7: {  	v8 =	vadd.f32 v59, v8;
	v17 =	vmul.f32 v18, v35;
	v18 =	vmul.f32 v24, v39;
	v54 =	vld [tilespmem:$0x1FC40]  }
0x3f8: {  	v3 =	vadd.f32 v3, v11;
	v59 =	vld [tilespmem:$0x1FC20];
	v22 =	vmul.f32 v55, v22;
	v23 =	vmul.f32 v57, v56  }
0x3f9: {  	v39 =	vmul.f32 v58, v1;
	v15 =	vadd.f32 v17, v15;
	v2 =	vadd.f32 v32, v30;
	v9 =	vld.idx.msk [tilespmem:v33+s12+$0x0], $0xffff  }
0x3fa: {  	v5 =	vadd.f32 v20, v5;
	v11 =	vmul.f32 v38, v61;
	v55 =	vld [tilespmem:$0x1F9B0];
	v13 =	vmul.f32 v13, v47  }
0x3fb: {  	v46 =	vadd.f32 v18, v15;
	v1 =	vadd.f32 v39, v2;
	v4 =	vld.idx.msk [tilespmem:v40+s12+$0x0], $0xffff;
	v47 =	vmul.f32 v29, v62  }
0x3fc: {  	v35 =	vld [tilespmem:$0x1FBB0];
	v6 =	vadd.f32 v6, v8;
	v44 =	vmul.f32 v14, v21;
	v3 =	vadd.f32 v13, v3  }
0x3fd: {  	v58 =	vmul.f32 v52, v0;
	v53 =	vadd.f32 v19, v46;
	v2 =	vld.idx.msk [tilespmem:v50+s12+$0x0], $0xffff;
	v1 =	vadd.f32 v47, v1  }
0x3fe: {  	v56 =	vld.idx.msk [tilespmem:v43+s12+$0x0], $0xffff;
	v6 =	vadd.f32 v42, v6;
	v51 =	vmul.f32 v9, v48;
	v3 =	vadd.f32 v44, v3  }
0x3ff: {  	v12 =	vadd.f32 v22, v53;
	v13 =	vmul.f32 v45, v60;
	v14 =	vld.idx.msk [tilespmem:v54+s12+$0x0], $0xffff;
	v1 =	vadd.f32 v11, v1  }
0x400: {  	v6 =	vadd.f32 v7, v6;
	v4 =	vmul.f32 v4, v55;
	v3 =	vadd.f32 v51, v3  }
0x401: {  	v10 =	vmul.f32 v35, v34;
	v57 =	vadd.f32 v23, v12;
	v1 =	vadd.f32 v13, v1  }
0x402: {  	s5 =	sadd.s32 s5, s15;
	v5 =	vadd.f32 v59, v5;
	v2 =	vmul.f32 v2, v31;
	v3 =	vadd.f32 v4, v3  }
0x403: {  	[tilespmem:s5+$0x0] =	vst v6;
	v61 =	vadd.f32 v10, v57;
	v62 =	vmul.f32 v56, v63;
	v0 =	vadd.f32 v58, v1  }
0x404: {  	[tilespmem:s4+$0x0] =	vst v5;
	v60 =	vmul.f32 v14, v28;
	v2 =	vadd.f32 v2, v3  }
0x405: {  	[tilespmem:s0+$0x0] =	vst v61;
	v0 =	vadd.f32 v62, v0  }
0x406: {  	p2 =	seq.s32 s26, $0x7F;
	s0 =	rddreg [dreg:$0x11];
	v63 =	vadd.f32 v60, v2  }
0x407: {  	p1 =	por p2, p1;
	s4 =	rddreg [dreg:$0x14];
	[tilespmem:s1+$0x0] =	vst v0  }
0x408: {  	s0 =	smul.u32 @p1 $0xC0000, s0;
	s4 =	sshll.u32 @p1 s4, $0xA;
	[tilespmem:s2+$0x0] =	vst v63  }
0x409: {  	s2 =	sand.u32 @p1 $0xFFFFF000, s4;
	s4 =	sshll.u32 @p1 s30, $0x8;
	_ =	strace $0x9000004B  }
0x40a: {  	s0 =	sadd.s32 @p1 s0, s2;
	s1 =	sand.u32 @p1 $0x300, s4;
	_ =	strace @p1 $0x8000004C  }
0x40b: {  	s0 =	sor.u32 @p1 s1, s0;
	s1 =	rddreg [dreg:$0x12]  }
0x40c: {  	s5 =	simm.s32 $0x1;
	s2 =	rddreg [dreg:$0x2]  }
0x40d: {  	s4 =	simm.s32 @p1 $0x400;
	s0 =	sshrl.u32 @p1 s0, $0x3;
	s8 =	rddreg [dreg:$0x13]  }
0x40e: {  	s1 =	sadd.s32 @p1 $0x3, s1;
	s0 =	sadd.s32 @p1 s2, s0;
	s2 =	simm.s32 @p1 $0x100  }
0x40f: {  	[hbm4b:s0+s2] =	stream.strided.scatter @p1 [tilespmem:s15], [sflag:s1], $0x400, s4, s2, $0x200038;
	[tilespmem:$0x1D580] =	vst v63  }
0x410: {  	s5 =	simm.s32 @!p0 $0x0;
	s6 =	sadd.s32 @p1 $0x1C180, s8;
	s7 =	sadd.s32 @p1 $0x8000, s0  }
0x411: {  	[hbm4b:s7+s2] =	stream.strided.scatter @p1 [tilespmem:s6], [sflag:s1], $0x400, s4, s2, $0x200038;
	[tilespmem:$0x1D580] =	vst v63  }
0x412: {  	p0 =	seq.s32 s26, $0x0;
	s0 =	sadd.s32 @p1 $0x10000, s0;
	s6 =	sadd.s32 @p1 $0x1C580, s8  }
0x413: {  	[hbm4b:s0+s2] =	stream.strided.scatter @p1 [tilespmem:s6], [sflag:s1], $0x400, s4, s2, $0x200038;
	[tilespmem:$0x1D580] =	vst v63  }
0x414: {  	s24 =	rddreg [dreg:$0x10];
	s0 =	simm.s32 $0x1;
	_ =	strace @p1 $0x9000004C  }
0x415: {  	s2 =	simm.s32 $0x1;
	s0 =	simm.s32 @!p1 $0x0;
	s4 =	rddreg [dreg:$0xd]  }
0x416: {  	p1 =	sne.s32 s26, $0x0;
	s26 =	sadd.s32 $0x1, s26;
	s1 =	sand.u32 @!p0 $0x1, s4  }
0x417: {  	_ =	strace @!p0 $0x8000004D;
	s2 =	simm.s32 @!p1 $0x0;
	s1 =	sadd.s32 @!p0 $0x3, s1  }
0x418: {  	p1 =	sne.s32 s26, $0x80;
	s25 =	rddreg [dreg:$0xe];
	_ =	swait.ge @!p0 [sflag:s1], $0xC00  }
.Ltmp2:
0x419: {  	[sflag:s1] =	ssyncset.done @!p0 $0x0;
	(pc) =	sbr.rel @p1 .LBB2_2-.Ltmp2, $4  }
0x41a: {  	[sflag:s1] =	ssyncadd.s32 @!p0 $0xFFFFF400  }
0x41b: {  	s30 =	smov.u32 s28;
	_ =	strace @!p0 $0x9000004D  }
0x41c: {  	s5 =	sadd.s32 s5, s24;
	s4 =	sadd.s32 s2, s4;
	s31 =	rddreg [dreg:$0xf]  }
0x41d: {  	s8 =	sadd.s32 s0, s25;
	s1 =	smov.u32 s29;
	s9 =	sadd.s32 s0, s31  }
0x41e: {  	s0 =	sand.u32 $0x1, s4  }
0x41f: {  	_ =	strace $0x8000004E;
	s0 =	sadd.s32 $0x3, s0  }
0x420: {  	_ =	swait.ge [sflag:s0], $0xC00  }
0x421: {  	s1 =	rddreg [dreg:$0xc]  }
0x422: {  	s31 =	rddreg [dreg:$0x9];
	s1 =	sadd.s32 $0x1, s1  }
0x423: {  	p0 =	sne.s32 s1, s31  }
.Ltmp3:
0x424: {  	_ = 	snop;
	(pc) =	sbr.rel @p0 .LBB2_1-.Ltmp3, $4  }
0x425: {  	_ = 	snop  }
0x426: {  	[sflag:s0] =	ssyncset.done $0x0  }
0x427: {  	[sflag:s0] =	ssyncadd.s32 $0xFFFFF400  }
0x428: {  	_ =	strace $0x9000004E  }
0x429: {  	_ =	sfence.sel $0x180000  }
0x42a: {  	[bflag:$0x0] =	sbarrier.arrive $0xFFFF  }
0x42b: {  	_ =	strace $0x90000047  }
0x42c: {  	s0 =	stileid.u32;
	[bflag:$0x2] =	sbarrier.arrive $0xFFFF  }
0x42d: {  	p0 =	sne.s32 s0, $0x0;
	s0 =	rddreg [dreg:$0x3]  }
0x42e: {  	s0 =	sadd.s32 @!p0 $0x100000, s0  }
0x42f: {  	[sflag:s0] =	ssyncadd.tile.s32 @!p0 $0x1;
	_ =	shalt  }
.Lfunc_end2:
_tile_overlayer_lowered:
.L_overlay_start_2:
0x430: {  	(tag) =	ssettag $0x2  }
0x431: {  	s0 =	rddreg [dreg:$0x0];
	s2 =	stileid.u32  }
0x432: {  	s1 =	rddreg [dreg:$0x1];
	p0 =	sne.s32 s2, $0x0  }
0x433: {  	s3 =	rddreg [dreg:$0x2];
	[bflag:$0x3] =	sbarrier.arrive $0xFFFF;
	s2 =	simm.s32 @!p0 $0x1C01  }
0x434: {  	[timem:s3], [sflag:s2] =	dma.local @!p0 [hbm:s0], s1  }
0x435: {  	s0 =	simm.s32 @!p0 $0x1  }
0x436: {  	_ =	swait.ge @!p0 [sflag:s0], s1  }
0x437: {  	s1 =	ssub.s32 @!p0 $0x0, s1;
	[sflag:s0] =	ssyncset.done @!p0 $0x0  }
0x438: {  	[sflag:s0] =	ssyncadd.s32 @!p0 s1  }
0x439: {  	[bflag:$0x3] =	sbarrier.arrive $0xFFFF  }
0x43a: {  	_ =	shalt  }

</sc_bundles>
